<compile_context>
chip_gen: v7x
topology: tpu7x:2x2x1
jax: 0.10.2.dev20260603
libtpu: 0.0.44.dev20260713+nightly
codegen_flags: <defaults>
</compile_context>

<pallas_src>
import functools

import jax
import jax.numpy as jnp
from jax import lax
from jax.experimental import pallas as pl
from jax.experimental.pallas import tpu as pltpu
from jax.experimental.pallas import tpu_sc as plsc

_NC = 2
_NS = 16
_CHW = 100
_CHN = 400




@functools.lru_cache(maxsize=None)
def _make_agg(n_nodes: int, n_edges: int, width: int, gather: bool, ch: int):
    nw = _NC * _NS
    epw = n_edges // nw
    assert epw * nw == n_edges and epw % ch == 0
    nit = epw // ch
    cpt = nit
    assert nit >= 3
    npad = -(-n_nodes // (8 * _NS)) * (8 * _NS)
    rpt = npad // _NS

    mesh = plsc.VectorSubcoreMesh(
        core_axis_name="c", subcore_axis_name="s",
        num_cores=_NC, num_subcores=_NS)

    deep = False

    def body(ei_hbm, tab_hbm, zeros_hbm, out_hbm,
             src_v, dst_v, rows_a, rows_b, rows_c, rows_d, acc_sh,
             gs0, gs1, gs2, gs3, ss0, ss1, ss2, ss3, sem_i):
        sem_a, sem_b = gs0, gs1
        c = lax.axis_index("c")
        s = lax.axis_index("s")
        wid = s * _NC + c
        idx = pltpu.async_copy(ei_hbm.at[1, wid], dst_v, sem_i)
        if gather:
            idx2 = pltpu.async_copy(ei_hbm.at[0, wid], src_v, sem_i)
        else:
            idx2 = None
            pltpu.sync_copy(tab_hbm, rows_a)
        pltpu.sync_copy(zeros_hbm.at[pl.ds(s * rpt, rpt)],
                        acc_sh.at[pl.ds(s * rpt, rpt)])
        idx.wait()
        if idx2 is not None:
            idx2.wait()
        plsc.subcore_barrier()

        if deep:
            bufs = [rows_a, rows_b, rows_c, rows_d]
            gsems = [gs0, gs1, gs2, gs3]
            ssems = [ss0, ss1, ss2, ss3]

            def gi(i, q):
                pltpu.async_copy(tab_hbm.at[src_v.at[i]], bufs[q], gsems[q])

            def gw(i, q):
                pltpu.make_async_copy(
                    tab_hbm.at[src_v.at[i]], bufs[q], gsems[q]).wait()

            def si(i, q):
                pltpu.async_copy(
                    bufs[q], acc_sh.at[dst_v.at[i]], ssems[q], add=True)

            def sw(i, q):
                pltpu.make_async_copy(
                    bufs[q], acc_sh.at[dst_v.at[i]], ssems[q]).wait()

            gi(0, 0)
            gi(1, 1)
            gw(0, 0); si(0, 0); gi(2, 2)
            gw(1, 1); si(1, 1); gi(3, 3)

            def quad(j, carry):
                i = 4 * j + 2
                for m in range(4):
                    q = (2 + m) % 4
                    gw(i + m, q)
                    si(i + m, q)
                    sw(i + m - 2, (q + 2) % 4)
                    gi(i + m + 2, (q + 2) % 4)
                return carry

            lax.fori_loop(0, (nit - 4) // 4, quad, 0)
            gw(nit - 2, 2); si(nit - 2, 2); sw(nit - 4, 0)
            gw(nit - 1, 3); si(nit - 1, 3); sw(nit - 3, 1)
            sw(nit - 2, 2)
            sw(nit - 1, 3)
        elif gather:
            def g_issue(i, buf, sem):
                pltpu.async_copy(tab_hbm.at[src_v.at[i]], buf, sem)

            def g_wait(i, buf, sem):
                pltpu.make_async_copy(tab_hbm.at[src_v.at[i]], buf, sem).wait()

            g_issue(0, rows_a, sem_a)

            def pair(j, carry):
                i = 2 * j
                g_issue(i + 1, rows_b, sem_b)
                g_wait(i, rows_a, sem_a)
                pltpu.sync_copy(rows_a, acc_sh.at[dst_v.at[i]], add=True)
                g_issue(i + 2, rows_a, sem_a)
                g_wait(i + 1, rows_b, sem_b)
                pltpu.sync_copy(rows_b, acc_sh.at[dst_v.at[i + 1]], add=True)
                return carry

            if nit % 2 == 1:
                lax.fori_loop(0, (nit - 1) // 2, pair, 0)
                g_wait(nit - 1, rows_a, sem_a)
                pltpu.sync_copy(rows_a, acc_sh.at[dst_v.at[nit - 1]], add=True)
            else:
                lax.fori_loop(0, nit // 2 - 1, pair, 0)
                g_issue(nit - 1, rows_b, sem_b)
                g_wait(nit - 2, rows_a, sem_a)
                pltpu.sync_copy(rows_a, acc_sh.at[dst_v.at[nit - 2]], add=True)
                g_wait(nit - 1, rows_b, sem_b)
                pltpu.sync_copy(rows_b, acc_sh.at[dst_v.at[nit - 1]], add=True)
        else:
            def step(i, carry):
                pltpu.sync_copy(rows_a, acc_sh.at[dst_v.at[i]], add=True)
                return carry

            lax.fori_loop(0, nit, step, 0)

        plsc.subcore_barrier()
        pltpu.sync_copy(acc_sh.at[pl.ds(s * rpt, rpt)],
                        out_hbm.at[c, pl.ds(s * rpt, rpt)])

    return pl.kernel(
        body,
        out_type=jax.ShapeDtypeStruct((_NC, npad, width), jnp.float32),
        mesh=mesh,
        scratch_types=[
            pltpu.VMEM((cpt, ch), jnp.int32),
            pltpu.VMEM((cpt, ch), jnp.int32),
            pltpu.VMEM((ch, width), jnp.float32),
            pltpu.VMEM((ch, width), jnp.float32),
            pltpu.VMEM((ch if deep else 8, width), jnp.float32),
            pltpu.VMEM((ch if deep else 8, width), jnp.float32),
            pltpu.VMEM_SHARED((npad, width), jnp.float32),
            pltpu.SemaphoreType.DMA,
            pltpu.SemaphoreType.DMA,
            pltpu.SemaphoreType.DMA,
            pltpu.SemaphoreType.DMA,
            pltpu.SemaphoreType.DMA,
            pltpu.SemaphoreType.DMA,
            pltpu.SemaphoreType.DMA,
            pltpu.SemaphoreType.DMA,
            pltpu.SemaphoreType.DMA,
        ],
        compiler_params=pltpu.CompilerParams(use_tc_tiling_on_sc=False),
    )



_BR = 5000


def _full(shape):
    return pl.BlockSpec(shape, lambda i: (0,) * len(shape))


def _rows(shape3=None, width=128):
    if shape3:
        return pl.BlockSpec((shape3[0], _BR, shape3[2]), lambda i: (0, i, 0))
    return pl.BlockSpec((_BR, width), lambda i: (i, 0))


def _ka_body(x_ref, w_ref, dc_ref, hp_ref, dis_ref):
    deg = 1.0 + dc_ref[0, :, 0:1] + dc_ref[1, :, 0:1]
    dis = lax.rsqrt(deg)
    h = jnp.dot(x_ref[...], w_ref[...], preferred_element_type=jnp.float32)
    hp_ref[...] = h * dis
    dis_ref[...] = dis


def _kb_body(act, pad_out, agg_ref, hp_ref, dis_ref, b_ref, w_ref, out_ref):
    dis = dis_ref[...]
    t = dis * (agg_ref[0] + agg_ref[1] + hp_ref[...]) + b_ref[...]
    t = act(t)
    v = dis * jnp.dot(t, w_ref[...], preferred_element_type=jnp.float32)
    if pad_out:
        v = jnp.concatenate([v, jnp.zeros_like(v)], axis=1)
    out_ref[...] = v


def _kc_body(agg_ref, hp_ref, dis_ref, b_ref, wc_ref, bc_ref, out_ref):
    t = (agg_ref[0] + agg_ref[1] + hp_ref[...])[:, :8]
    t = dis_ref[...] * t + b_ref[...]
    t = jnp.where(t >= 0, t, 0.01 * t)
    o = jnp.dot(t, wc_ref[...], preferred_element_type=jnp.float32) + bc_ref[...]
    out_ref[...] = jnp.where(o > 0, o, jnp.exp(o) - 1.0)


def _act_id(t):
    return t


def _act_tanh(t):
    return jnp.tanh(t)


def _act_leaky(t):
    return jnp.where(t >= 0, t, 0.01 * t)



def kernel(x, edge_index, W1, b1, W2, b2, W3, b3, W4, b4, Wc, bc):
    n, d = x.shape
    e = edge_index.shape[1]
    grid = (n // _BR,)
    npad = -(-n // (8 * _NS)) * (8 * _NS)
    nw = _NC * _NS
    ei = edge_index.astype(jnp.int32)
    ei_w = ei.reshape(2, nw, -1, _CHW)
    ei_n = ei.reshape(2, nw, -1, _CHN)
    ones_blk = jnp.ones((_CHN, 16), jnp.float32)
    zeros16 = jnp.zeros((npad, 16), jnp.float32)
    zerosd = jnp.zeros((npad, d), jnp.float32)

    deg16 = _make_agg(n, e, 16, False, _CHN)
    agg16 = _make_agg(n, e, 16, True, _CHN)
    aggd = _make_agg(n, e, d, True, _CHW)

    dc = deg16(ei_n, ones_blk, zeros16)

    hp1, dis = pl.pallas_call(
        _ka_body,
        grid=grid,
        in_specs=[_rows(width=d), _full((d, d)), _rows((_NC, n, 16))],
        out_specs=[_rows(width=d), _rows(width=1)],
        out_shape=[jax.ShapeDtypeStruct((n, d), jnp.float32),
                   jax.ShapeDtypeStruct((n, 1), jnp.float32)],
    )(x, W1, dc)

    def mid(aggp, hp, b, w, act, dout, pad_out):
        wout = 2 * dout if pad_out else dout
        return pl.pallas_call(
            functools.partial(_kb_body, act, pad_out),
            grid=grid,
            in_specs=[_rows((_NC, n, d)), _rows(width=d), _rows(width=1),
                      _full((1, d)), _full((d, dout))],
            out_specs=_rows(width=wout),
            out_shape=jax.ShapeDtypeStruct((n, wout), jnp.float32),
        )(aggp, hp, dis, b.reshape(1, d), w)

    a1 = aggd(ei_w, hp1, zerosd)
    hp2 = mid(a1, hp1, b1, W2, _act_id, d, False)
    a2 = aggd(ei_w, hp2, zerosd)
    hp3 = mid(a2, hp2, b2, W3, _act_tanh, d, False)
    a3 = aggd(ei_w, hp3, zerosd)
    hp4 = mid(a3, hp3, b3, W4, _act_leaky, 8, True)
    a4 = agg16(ei_n, hp4, zeros16)

    out = pl.pallas_call(
        _kc_body,
        grid=grid,
        in_specs=[_rows((_NC, n, 16)), _rows(width=16), _rows(width=1),
                  _full((1, 8)), _full((8, 1)), _full((1, 1))],
        out_specs=_rows(width=1),
        out_shape=jax.ShapeDtypeStruct((n, 1), jnp.float32),
    )(a4, hp4, dis, b4.reshape(1, 8), Wc, bc.reshape(1, 1))
    return out

# --- scband reference (transcript-rebuilt; emitter-appended) ---
"""Pipeline reference for scband-network-73512660238715 (READ-ONLY COPY).

The authoritative reference and input builder live on the scoring server;
editing this copy changes nothing except your own understanding.
"""

import jax, jax.numpy as jnp
import numpy as np

N_NODES = 10000
N_EDGES = 320000
D_FEAT = 128
D_HID = 128
N_CLASSES = 8


def gcn_conv(x, edge_index, W, b, num_nodes):
    # GCNConv: add self-loops, symmetric normalization, aggregate, linear.
    src = edge_index[0]
    dst = edge_index[1]
    loop = jnp.arange(num_nodes, dtype=edge_index.dtype)
    src = jnp.concatenate([src, loop])
    dst = jnp.concatenate([dst, loop])
    deg = jnp.zeros((num_nodes,), dtype=x.dtype).at[dst].add(1.0)
    deg_inv_sqrt = jnp.where(deg > 0, 1.0 / jnp.sqrt(deg), 0.0)
    norm = deg_inv_sqrt[src] * deg_inv_sqrt[dst]
    h = x @ W
    msg = h[src] * norm[:, None]
    out = jnp.zeros((num_nodes, h.shape[1]), dtype=x.dtype).at[dst].add(msg)
    return out + b


def setup_inputs(seed: int = 0) -> dict:
    key = jax.random.key(seed)
    ks = jax.random.split(key, 12)
    x = jax.random.normal(ks[0], (N_NODES, D_FEAT), dtype=jnp.float32)
    edge_index = jax.random.randint(ks[1], (2, N_EDGES), 0, N_NODES, dtype=jnp.int64)
    s1 = 1.0 / np.sqrt(D_FEAT)
    s2 = 1.0 / np.sqrt(D_HID)
    s3 = 1.0 / np.sqrt(N_CLASSES)
    W1 = jax.random.uniform(ks[2], (D_FEAT, D_HID), jnp.float32, -s1, s1)
    b1 = jnp.zeros((D_HID,), jnp.float32)
    W2 = jax.random.uniform(ks[3], (D_HID, D_HID), jnp.float32, -s2, s2)
    b2 = jnp.zeros((D_HID,), jnp.float32)
    W3 = jax.random.uniform(ks[4], (D_HID, D_HID), jnp.float32, -s2, s2)
    b3 = jnp.zeros((D_HID,), jnp.float32)
    W4 = jax.random.uniform(ks[5], (D_HID, N_CLASSES), jnp.float32, -s2, s2)
    b4 = jnp.zeros((N_CLASSES,), jnp.float32)
    Wc = jax.random.uniform(ks[6], (N_CLASSES, 1), jnp.float32, -s3, s3)
    bc = jnp.zeros((1,), jnp.float32)
    return {"x": x, "edge_index": edge_index, "W1": W1, "b1": b1, "W2": W2, "b2": b2, "W3": W3, "b3": b3, "W4": W4, "b4": b4, "Wc": Wc, "bc": bc}


def reference(x, edge_index, W1, b1, W2, b2, W3, b3, W4, b4, Wc, bc):
    n = x.shape[0]
    out = gcn_conv(x, edge_index, W1, b1, n)
    out = jnp.tanh(gcn_conv(out, edge_index, W2, b2, n))
    out = jax.nn.leaky_relu(gcn_conv(out, edge_index, W3, b3, n), negative_slope=0.01)
    out = jax.nn.leaky_relu(gcn_conv(out, edge_index, W4, b4, n), negative_slope=0.01)
    out = jax.nn.elu(out @ Wc + bc)
    return out

if __name__ == "__main__":
    import jax
    _d = setup_inputs()
    print(jax.jit(kernel)(*tuple(_d.values())))

</pallas_src>

<mosaic_0001>
#map = affine_map<(d0, d1) -> (0, 0, 0, 0)>
#map1 = affine_map<(d0, d1) -> (0, 0)>
#map2 = affine_map<(d0, d1) -> (0, 0, 0)>
module attributes {stable_mosaic.version = 14 : i64} {
  func.func @body(%arg0: i32, %arg1: i32, %arg2: memref<2x32x100x100xi32, #tpu.memory_space<hbm>>, %arg3: memref<10000x128xf32, #tpu.memory_space<hbm>>, %arg4: memref<10112x128xf32, #tpu.memory_space<hbm>>, %arg5: memref<2x10112x128xf32, #tpu.memory_space<hbm>>, %arg6: memref<100x100xi32, #tpu.memory_space<vmem>>, %arg7: memref<100x100xi32, #tpu.memory_space<vmem>>, %arg8: memref<100x128xf32, #tpu.memory_space<vmem>>, %arg9: memref<100x128xf32, #tpu.memory_space<vmem>>, %arg10: memref<8x128xf32, #tpu.memory_space<vmem>>, %arg11: memref<8x128xf32, #tpu.memory_space<vmem>>, %arg12: memref<10112x128xf32, #tpu.memory_space<vmem_shared>>, %arg13: memref<!tpu.dma_semaphore, #tpu.memory_space<semaphore_mem>>, %arg14: memref<!tpu.dma_semaphore, #tpu.memory_space<semaphore_mem>>, %arg15: memref<!tpu.dma_semaphore, #tpu.memory_space<semaphore_mem>>, %arg16: memref<!tpu.dma_semaphore, #tpu.memory_space<semaphore_mem>>, %arg17: memref<!tpu.dma_semaphore, #tpu.memory_space<semaphore_mem>>, %arg18: memref<!tpu.dma_semaphore, #tpu.memory_space<semaphore_mem>>, %arg19: memref<!tpu.dma_semaphore, #tpu.memory_space<semaphore_mem>>, %arg20: memref<!tpu.dma_semaphore, #tpu.memory_space<semaphore_mem>>, %arg21: memref<!tpu.dma_semaphore, #tpu.memory_space<semaphore_mem>>) attributes {dimension_semantics = [#tpu.dimension_semantics<core_parallel>, #tpu.dimension_semantics<subcore_parallel>], iteration_bounds = array<i64: 2, 16>, scalar_prefetch = 0 : i64, scratch_operands = 16 : i64, tpu.core_type = #tpu.core_type<sc_vector_subcore>, window_params = [{transform_indices = #map}, {transform_indices = #map1}, {transform_indices = #map1}, {transform_indices = #map2}]} {
    %mul3A = arith.constant 2 : i32
    %mul3A_0 = arith.muli %arg1, %mul3A : i32
    %add3A = arith.addi %mul3A_0, %arg0 : i32
    %dma_start3A = arith.constant 1 : i32
    %dma_start3A_1 = arith.constant 0 : i32
    %dma_start3A_2 = arith.constant 0 : i32
    %dma_start3A_3 = tpu.memref_slice %arg2[%dma_start3A, %add3A, %dma_start3A_1, %dma_start3A_2] : memref<2x32x100x100xi32, #tpu.memory_space<hbm>> -> memref<1x1x100x100xi32, #tpu.memory_space<hbm>>
    %dma_start3A_4 = tpu.memref_squeeze %dma_start3A_3 : memref<1x1x100x100xi32, #tpu.memory_space<hbm>> -> memref<100x100xi32, #tpu.memory_space<hbm>>
    %dma_start3A_5 = arith.constant 0 : i32
    %dma_start3A_6 = arith.constant 0 : i32
    %dma_start3A_7 = tpu.memref_slice %arg2[%dma_start3A, %add3A, %dma_start3A_5, %dma_start3A_6] : memref<2x32x100x100xi32, #tpu.memory_space<hbm>> -> memref<1x1x100x100xi32, #tpu.memory_space<hbm>>
    %dma_start3A_8 = tpu.memref_squeeze %dma_start3A_7 : memref<1x1x100x100xi32, #tpu.memory_space<hbm>> -> memref<100x100xi32, #tpu.memory_space<hbm>>
    tpu.enqueue_dma source(%dma_start3A_8 : memref<100x100xi32, #tpu.memory_space<hbm>>) target(%arg7 : memref<100x100xi32, #tpu.memory_space<vmem>>) target_semaphore(%arg21 : memref<!tpu.dma_semaphore, #tpu.memory_space<semaphore_mem>>)
    %dma_start3A_9 = arith.constant 0 : i32
    %dma_start3A_10 = arith.constant 0 : i32
    %dma_start3A_11 = arith.constant 0 : i32
    %dma_start3A_12 = tpu.memref_slice %arg2[%dma_start3A_9, %add3A, %dma_start3A_10, %dma_start3A_11] : memref<2x32x100x100xi32, #tpu.memory_space<hbm>> -> memref<1x1x100x100xi32, #tpu.memory_space<hbm>>
    %dma_start3A_13 = tpu.memref_squeeze %dma_start3A_12 : memref<1x1x100x100xi32, #tpu.memory_space<hbm>> -> memref<100x100xi32, #tpu.memory_space<hbm>>
    %dma_start3A_14 = arith.constant 0 : i32
    %dma_start3A_15 = arith.constant 0 : i32
    %dma_start3A_16 = tpu.memref_slice %arg2[%dma_start3A_9, %add3A, %dma_start3A_14, %dma_start3A_15] : memref<2x32x100x100xi32, #tpu.memory_space<hbm>> -> memref<1x1x100x100xi32, #tpu.memory_space<hbm>>
    %dma_start3A_17 = tpu.memref_squeeze %dma_start3A_16 : memref<1x1x100x100xi32, #tpu.memory_space<hbm>> -> memref<100x100xi32, #tpu.memory_space<hbm>>
    tpu.enqueue_dma source(%dma_start3A_17 : memref<100x100xi32, #tpu.memory_space<hbm>>) target(%arg6 : memref<100x100xi32, #tpu.memory_space<vmem>>) target_semaphore(%arg21 : memref<!tpu.dma_semaphore, #tpu.memory_space<semaphore_mem>>)
    %mul3A_18 = arith.constant 632 : i32
    %mul3A_19 = arith.muli %arg1, %mul3A_18 : i32
    %mul3A_20 = arith.constant 632 : i32
    %mul3A_21 = arith.muli %arg1, %mul3A_20 : i32
    "tpu.region"() ({
      %run_scoped3A_78 = tpu.sem_alloc : memref<!tpu.dma_semaphore, #tpu.memory_space<semaphore_mem>>
      %dma_start3A_79 = arith.constant 0 : i32
      %dma_start3A_80 = tpu.memref_slice %arg12[%mul3A_21, %dma_start3A_79] : memref<10112x128xf32, #tpu.memory_space<vmem_shared>> -> memref<632x128xf32, #tpu.memory_space<vmem_shared>>
      %dma_start3A_81 = arith.constant 0 : i32
      %dma_start3A_82 = tpu.memref_slice %arg4[%mul3A_19, %dma_start3A_81] : memref<10112x128xf32, #tpu.memory_space<hbm>> -> memref<632x128xf32, #tpu.memory_space<hbm>>
      tpu.enqueue_dma source(%dma_start3A_82 : memref<632x128xf32, #tpu.memory_space<hbm>>) target(%dma_start3A_80 : memref<632x128xf32, #tpu.memory_space<vmem_shared>>) target_semaphore(%run_scoped3A_78 : memref<!tpu.dma_semaphore, #tpu.memory_space<semaphore_mem>>)
      %dma_wait3A_83 = arith.constant 0 : i32
      %dma_wait3A_84 = tpu.memref_slice %arg12[%mul3A_21, %dma_wait3A_83] : memref<10112x128xf32, #tpu.memory_space<vmem_shared>> -> memref<632x128xf32, #tpu.memory_space<vmem_shared>>
      %dma_wait3A_85 = arith.constant 0 : i32
      %dma_wait3A_86 = tpu.memref_slice %arg4[%mul3A_19, %dma_wait3A_85] : memref<10112x128xf32, #tpu.memory_space<hbm>> -> memref<632x128xf32, #tpu.memory_space<hbm>>
      tpu.wait_dma2 semaphore(%run_scoped3A_78 : memref<!tpu.dma_semaphore, #tpu.memory_space<semaphore_mem>>) src(%dma_wait3A_86 : memref<632x128xf32, #tpu.memory_space<hbm>>) dst(%dma_wait3A_84 : memref<632x128xf32, #tpu.memory_space<vmem_shared>>)
      tpu.yield
    }) : () -> ()
    %dma_wait3A = arith.constant 1 : i32
    %dma_wait3A_22 = arith.constant 0 : i32
    %dma_wait3A_23 = arith.constant 0 : i32
    %dma_wait3A_24 = tpu.memref_slice %arg2[%dma_wait3A, %add3A, %dma_wait3A_22, %dma_wait3A_23] : memref<2x32x100x100xi32, #tpu.memory_space<hbm>> -> memref<1x1x100x100xi32, #tpu.memory_space<hbm>>
    %dma_wait3A_25 = tpu.memref_squeeze %dma_wait3A_24 : memref<1x1x100x100xi32, #tpu.memory_space<hbm>> -> memref<100x100xi32, #tpu.memory_space<hbm>>
    %dma_wait3A_26 = arith.constant 0 : i32
    %dma_wait3A_27 = arith.constant 0 : i32
    %dma_wait3A_28 = tpu.memref_slice %arg2[%dma_wait3A, %add3A, %dma_wait3A_26, %dma_wait3A_27] : memref<2x32x100x100xi32, #tpu.memory_space<hbm>> -> memref<1x1x100x100xi32, #tpu.memory_space<hbm>>
    %dma_wait3A_29 = tpu.memref_squeeze %dma_wait3A_28 : memref<1x1x100x100xi32, #tpu.memory_space<hbm>> -> memref<100x100xi32, #tpu.memory_space<hbm>>
    tpu.wait_dma2 semaphore(%arg21 : memref<!tpu.dma_semaphore, #tpu.memory_space<semaphore_mem>>) src(%dma_wait3A_29 : memref<100x100xi32, #tpu.memory_space<hbm>>) dst(%arg7 : memref<100x100xi32, #tpu.memory_space<vmem>>)
    %dma_wait3A_30 = arith.constant 0 : i32
    %dma_wait3A_31 = arith.constant 0 : i32
    %dma_wait3A_32 = arith.constant 0 : i32
    %dma_wait3A_33 = tpu.memref_slice %arg2[%dma_wait3A_30, %add3A, %dma_wait3A_31, %dma_wait3A_32] : memref<2x32x100x100xi32, #tpu.memory_space<hbm>> -> memref<1x1x100x100xi32, #tpu.memory_space<hbm>>
    %dma_wait3A_34 = tpu.memref_squeeze %dma_wait3A_33 : memref<1x1x100x100xi32, #tpu.memory_space<hbm>> -> memref<100x100xi32, #tpu.memory_space<hbm>>
    %dma_wait3A_35 = arith.constant 0 : i32
    %dma_wait3A_36 = arith.constant 0 : i32
    %dma_wait3A_37 = tpu.memref_slice %arg2[%dma_wait3A_30, %add3A, %dma_wait3A_35, %dma_wait3A_36] : memref<2x32x100x100xi32, #tpu.memory_space<hbm>> -> memref<1x1x100x100xi32, #tpu.memory_space<hbm>>
    %dma_wait3A_38 = tpu.memref_squeeze %dma_wait3A_37 : memref<1x1x100x100xi32, #tpu.memory_space<hbm>> -> memref<100x100xi32, #tpu.memory_space<hbm>>
    tpu.wait_dma2 semaphore(%arg21 : memref<!tpu.dma_semaphore, #tpu.memory_space<semaphore_mem>>) src(%dma_wait3A_38 : memref<100x100xi32, #tpu.memory_space<hbm>>) dst(%arg6 : memref<100x100xi32, #tpu.memory_space<vmem>>)
    %barrier3A = arith.constant 0 : index
    tpu.barrier barrier_id(%barrier3A)
    %dma_start3A_39 = arith.constant 0 : i32
    %dma_start3A_40 = arith.constant 0 : i32
    %dma_start3A_41 = tpu.memref_slice %arg6[%dma_start3A_39, %dma_start3A_40] : memref<100x100xi32, #tpu.memory_space<vmem>> -> memref<1x100xi32, #tpu.memory_space<vmem>>
    %dma_start3A_42 = tpu.memref_squeeze %dma_start3A_41 : memref<1x100xi32, #tpu.memory_space<vmem>> -> memref<100xi32, #tpu.memory_space<vmem>>
    %dma_start3A_43 = arith.constant 0 : i32
    %dma_start3A_44 = arith.constant 0 : i32
    %dma_start3A_45 = tpu.memref_slice %arg3[%dma_start3A_43, %dma_start3A_44] : memref<10000x128xf32, #tpu.memory_space<hbm>> -> memref<10000x128xf32, #tpu.memory_space<hbm>>
    tpu.enqueue_indirect_dma source(%dma_start3A_45 : memref<10000x128xf32, #tpu.memory_space<hbm>>) target(%arg8 : memref<100x128xf32, #tpu.memory_space<vmem>>) offsets(%dma_start3A_42 : memref<100xi32, #tpu.memory_space<vmem>>) semaphore(%arg13 : memref<!tpu.dma_semaphore, #tpu.memory_space<semaphore_mem>>)
    %scan3A = arith.constant 0 : i32
    %scan3A_46 = arith.constant 0 : i32
    %scan3A_47 = arith.constant 49 : i32
    %scan3A_48 = arith.addi %scan3A_46, %scan3A_47 : i32
    %scan3A_49 = arith.constant 1 : i32
    scf.for %scan3A_78 = %scan3A_46 to %scan3A_48 step %scan3A_49  : i32 {
      %mul3A_79 = arith.constant 2 : i32
      %mul3A_80 = arith.muli %mul3A_79, %scan3A_78 : i32
      %add3A_81 = arith.constant 1 : i32
      %add3A_82 = arith.addi %mul3A_80, %add3A_81 : i32
      %dma_start3A_83 = arith.constant 0 : i32
      %dma_start3A_84 = tpu.memref_slice %arg6[%add3A_82, %dma_start3A_83] : memref<100x100xi32, #tpu.memory_space<vmem>> -> memref<1x100xi32, #tpu.memory_space<vmem>>
      %dma_start3A_85 = tpu.memref_squeeze %dma_start3A_84 : memref<1x100xi32, #tpu.memory_space<vmem>> -> memref<100xi32, #tpu.memory_space<vmem>>
      %dma_start3A_86 = arith.constant 0 : i32
      %dma_start3A_87 = arith.constant 0 : i32
      %dma_start3A_88 = tpu.memref_slice %arg3[%dma_start3A_86, %dma_start3A_87] : memref<10000x128xf32, #tpu.memory_space<hbm>> -> memref<10000x128xf32, #tpu.memory_space<hbm>>
      tpu.enqueue_indirect_dma source(%dma_start3A_88 : memref<10000x128xf32, #tpu.memory_space<hbm>>) target(%arg9 : memref<100x128xf32, #tpu.memory_space<vmem>>) offsets(%dma_start3A_85 : memref<100xi32, #tpu.memory_space<vmem>>) semaphore(%arg14 : memref<!tpu.dma_semaphore, #tpu.memory_space<semaphore_mem>>)
      %dma_wait3A_89 = arith.constant 0 : i32
      %dma_wait3A_90 = tpu.memref_slice %arg6[%mul3A_80, %dma_wait3A_89] : memref<100x100xi32, #tpu.memory_space<vmem>> -> memref<1x100xi32, #tpu.memory_space<vmem>>
      %dma_wait3A_91 = tpu.memref_squeeze %dma_wait3A_90 : memref<1x100xi32, #tpu.memory_space<vmem>> -> memref<100xi32, #tpu.memory_space<vmem>>
      %dma_wait3A_92 = arith.constant 0 : i32
      %dma_wait3A_93 = arith.constant 0 : i32
      %dma_wait3A_94 = tpu.memref_slice %arg3[%dma_wait3A_92, %dma_wait3A_93] : memref<10000x128xf32, #tpu.memory_space<hbm>> -> memref<10000x128xf32, #tpu.memory_space<hbm>>
      tpu.wait_indirect_dma semaphore(%arg13 : memref<!tpu.dma_semaphore, #tpu.memory_space<semaphore_mem>>) src(%dma_wait3A_94 : memref<10000x128xf32, #tpu.memory_space<hbm>>) dst(%arg8 : memref<100x128xf32, #tpu.memory_space<vmem>>)
      "tpu.region"() ({
        %run_scoped3A_113 = tpu.sem_alloc : memref<!tpu.dma_semaphore, #tpu.memory_space<semaphore_mem>>
        %dma_start3A_114 = arith.constant 0 : i32
        %dma_start3A_115 = tpu.memref_slice %arg7[%mul3A_80, %dma_start3A_114] : memref<100x100xi32, #tpu.memory_space<vmem>> -> memref<1x100xi32, #tpu.memory_space<vmem>>
        %dma_start3A_116 = tpu.memref_squeeze %dma_start3A_115 : memref<1x100xi32, #tpu.memory_space<vmem>> -> memref<100xi32, #tpu.memory_space<vmem>>
        %dma_start3A_117 = arith.constant 0 : i32
        %dma_start3A_118 = arith.constant 0 : i32
        %dma_start3A_119 = tpu.memref_slice %arg12[%dma_start3A_117, %dma_start3A_118] : memref<10112x128xf32, #tpu.memory_space<vmem_shared>> -> memref<10112x128xf32, #tpu.memory_space<vmem_shared>>
        tpu.enqueue_indirect_dma source(%arg8 : memref<100x128xf32, #tpu.memory_space<vmem>>) target(%dma_start3A_119 : memref<10112x128xf32, #tpu.memory_space<vmem_shared>>) offsets(%dma_start3A_116 : memref<100xi32, #tpu.memory_space<vmem>>) semaphore(%run_scoped3A_113 : memref<!tpu.dma_semaphore, #tpu.memory_space<semaphore_mem>>) {add = true}
        %dma_wait3A_120 = arith.constant 0 : i32
        %dma_wait3A_121 = tpu.memref_slice %arg7[%mul3A_80, %dma_wait3A_120] : memref<100x100xi32, #tpu.memory_space<vmem>> -> memref<1x100xi32, #tpu.memory_space<vmem>>
        %dma_wait3A_122 = tpu.memref_squeeze %dma_wait3A_121 : memref<1x100xi32, #tpu.memory_space<vmem>> -> memref<100xi32, #tpu.memory_space<vmem>>
        %dma_wait3A_123 = arith.constant 0 : i32
        %dma_wait3A_124 = arith.constant 0 : i32
        %dma_wait3A_125 = tpu.memref_slice %arg12[%dma_wait3A_123, %dma_wait3A_124] : memref<10112x128xf32, #tpu.memory_space<vmem_shared>> -> memref<10112x128xf32, #tpu.memory_space<vmem_shared>>
        tpu.wait_indirect_dma semaphore(%run_scoped3A_113 : memref<!tpu.dma_semaphore, #tpu.memory_space<semaphore_mem>>) src(%arg8 : memref<100x128xf32, #tpu.memory_space<vmem>>) dst(%dma_wait3A_125 : memref<10112x128xf32, #tpu.memory_space<vmem_shared>>)
        tpu.yield
      }) : () -> ()
      %add3A_95 = arith.constant 2 : i32
      %add3A_96 = arith.addi %mul3A_80, %add3A_95 : i32
      %dma_start3A_97 = arith.constant 0 : i32
      %dma_start3A_98 = tpu.memref_slice %arg6[%add3A_96, %dma_start3A_97] : memref<100x100xi32, #tpu.memory_space<vmem>> -> memref<1x100xi32, #tpu.memory_space<vmem>>
      %dma_start3A_99 = tpu.memref_squeeze %dma_start3A_98 : memref<1x100xi32, #tpu.memory_space<vmem>> -> memref<100xi32, #tpu.memory_space<vmem>>
      %dma_start3A_100 = arith.constant 0 : i32
      %dma_start3A_101 = arith.constant 0 : i32
      %dma_start3A_102 = tpu.memref_slice %arg3[%dma_start3A_100, %dma_start3A_101] : memref<10000x128xf32, #tpu.memory_space<hbm>> -> memref<10000x128xf32, #tpu.memory_space<hbm>>
      tpu.enqueue_indirect_dma source(%dma_start3A_102 : memref<10000x128xf32, #tpu.memory_space<hbm>>) target(%arg8 : memref<100x128xf32, #tpu.memory_space<vmem>>) offsets(%dma_start3A_99 : memref<100xi32, #tpu.memory_space<vmem>>) semaphore(%arg13 : memref<!tpu.dma_semaphore, #tpu.memory_space<semaphore_mem>>)
      %add3A_103 = arith.constant 1 : i32
      %add3A_104 = arith.addi %mul3A_80, %add3A_103 : i32
      %dma_wait3A_105 = arith.constant 0 : i32
      %dma_wait3A_106 = tpu.memref_slice %arg6[%add3A_104, %dma_wait3A_105] : memref<100x100xi32, #tpu.memory_space<vmem>> -> memref<1x100xi32, #tpu.memory_space<vmem>>
      %dma_wait3A_107 = tpu.memref_squeeze %dma_wait3A_106 : memref<1x100xi32, #tpu.memory_space<vmem>> -> memref<100xi32, #tpu.memory_space<vmem>>
      %dma_wait3A_108 = arith.constant 0 : i32
      %dma_wait3A_109 = arith.constant 0 : i32
      %dma_wait3A_110 = tpu.memref_slice %arg3[%dma_wait3A_108, %dma_wait3A_109] : memref<10000x128xf32, #tpu.memory_space<hbm>> -> memref<10000x128xf32, #tpu.memory_space<hbm>>
      tpu.wait_indirect_dma semaphore(%arg14 : memref<!tpu.dma_semaphore, #tpu.memory_space<semaphore_mem>>) src(%dma_wait3A_110 : memref<10000x128xf32, #tpu.memory_space<hbm>>) dst(%arg9 : memref<100x128xf32, #tpu.memory_space<vmem>>)
      %add3A_111 = arith.constant 1 : i32
      %add3A_112 = arith.addi %mul3A_80, %add3A_111 : i32
      "tpu.region"() ({
        %run_scoped3A_113 = tpu.sem_alloc : memref<!tpu.dma_semaphore, #tpu.memory_space<semaphore_mem>>
        %dma_start3A_114 = arith.constant 0 : i32
        %dma_start3A_115 = tpu.memref_slice %arg7[%add3A_112, %dma_start3A_114] : memref<100x100xi32, #tpu.memory_space<vmem>> -> memref<1x100xi32, #tpu.memory_space<vmem>>
        %dma_start3A_116 = tpu.memref_squeeze %dma_start3A_115 : memref<1x100xi32, #tpu.memory_space<vmem>> -> memref<100xi32, #tpu.memory_space<vmem>>
        %dma_start3A_117 = arith.constant 0 : i32
        %dma_start3A_118 = arith.constant 0 : i32
        %dma_start3A_119 = tpu.memref_slice %arg12[%dma_start3A_117, %dma_start3A_118] : memref<10112x128xf32, #tpu.memory_space<vmem_shared>> -> memref<10112x128xf32, #tpu.memory_space<vmem_shared>>
        tpu.enqueue_indirect_dma source(%arg9 : memref<100x128xf32, #tpu.memory_space<vmem>>) target(%dma_start3A_119 : memref<10112x128xf32, #tpu.memory_space<vmem_shared>>) offsets(%dma_start3A_116 : memref<100xi32, #tpu.memory_space<vmem>>) semaphore(%run_scoped3A_113 : memref<!tpu.dma_semaphore, #tpu.memory_space<semaphore_mem>>) {add = true}
        %dma_wait3A_120 = arith.constant 0 : i32
        %dma_wait3A_121 = tpu.memref_slice %arg7[%add3A_112, %dma_wait3A_120] : memref<100x100xi32, #tpu.memory_space<vmem>> -> memref<1x100xi32, #tpu.memory_space<vmem>>
        %dma_wait3A_122 = tpu.memref_squeeze %dma_wait3A_121 : memref<1x100xi32, #tpu.memory_space<vmem>> -> memref<100xi32, #tpu.memory_space<vmem>>
        %dma_wait3A_123 = arith.constant 0 : i32
        %dma_wait3A_124 = arith.constant 0 : i32
        %dma_wait3A_125 = tpu.memref_slice %arg12[%dma_wait3A_123, %dma_wait3A_124] : memref<10112x128xf32, #tpu.memory_space<vmem_shared>> -> memref<10112x128xf32, #tpu.memory_space<vmem_shared>>
        tpu.wait_indirect_dma semaphore(%run_scoped3A_113 : memref<!tpu.dma_semaphore, #tpu.memory_space<semaphore_mem>>) src(%arg9 : memref<100x128xf32, #tpu.memory_space<vmem>>) dst(%dma_wait3A_125 : memref<10112x128xf32, #tpu.memory_space<vmem_shared>>)
        tpu.yield
      }) : () -> ()
    }
    %scan3A_50 = arith.constant 49 : i32
    %dma_start3A_51 = arith.constant 99 : i32
    %dma_start3A_52 = arith.constant 0 : i32
    %dma_start3A_53 = tpu.memref_slice %arg6[%dma_start3A_51, %dma_start3A_52] : memref<100x100xi32, #tpu.memory_space<vmem>> -> memref<1x100xi32, #tpu.memory_space<vmem>>
    %dma_start3A_54 = tpu.memref_squeeze %dma_start3A_53 : memref<1x100xi32, #tpu.memory_space<vmem>> -> memref<100xi32, #tpu.memory_space<vmem>>
    %dma_start3A_55 = arith.constant 0 : i32
    %dma_start3A_56 = arith.constant 0 : i32
    %dma_start3A_57 = tpu.memref_slice %arg3[%dma_start3A_55, %dma_start3A_56] : memref<10000x128xf32, #tpu.memory_space<hbm>> -> memref<10000x128xf32, #tpu.memory_space<hbm>>
    tpu.enqueue_indirect_dma source(%dma_start3A_57 : memref<10000x128xf32, #tpu.memory_space<hbm>>) target(%arg9 : memref<100x128xf32, #tpu.memory_space<vmem>>) offsets(%dma_start3A_54 : memref<100xi32, #tpu.memory_space<vmem>>) semaphore(%arg14 : memref<!tpu.dma_semaphore, #tpu.memory_space<semaphore_mem>>)
    %dma_wait3A_58 = arith.constant 98 : i32
    %dma_wait3A_59 = arith.constant 0 : i32
    %dma_wait3A_60 = tpu.memref_slice %arg6[%dma_wait3A_58, %dma_wait3A_59] : memref<100x100xi32, #tpu.memory_space<vmem>> -> memref<1x100xi32, #tpu.memory_space<vmem>>
    %dma_wait3A_61 = tpu.memref_squeeze %dma_wait3A_60 : memref<1x100xi32, #tpu.memory_space<vmem>> -> memref<100xi32, #tpu.memory_space<vmem>>
    %dma_wait3A_62 = arith.constant 0 : i32
    %dma_wait3A_63 = arith.constant 0 : i32
    %dma_wait3A_64 = tpu.memref_slice %arg3[%dma_wait3A_62, %dma_wait3A_63] : memref<10000x128xf32, #tpu.memory_space<hbm>> -> memref<10000x128xf32, #tpu.memory_space<hbm>>
    tpu.wait_indirect_dma semaphore(%arg13 : memref<!tpu.dma_semaphore, #tpu.memory_space<semaphore_mem>>) src(%dma_wait3A_64 : memref<10000x128xf32, #tpu.memory_space<hbm>>) dst(%arg8 : memref<100x128xf32, #tpu.memory_space<vmem>>)
    %run_scoped3A = arith.constant 98 : i32
    "tpu.region"() ({
      %run_scoped3A_78 = tpu.sem_alloc : memref<!tpu.dma_semaphore, #tpu.memory_space<semaphore_mem>>
      %dma_start3A_79 = arith.constant 0 : i32
      %dma_start3A_80 = tpu.memref_slice %arg7[%run_scoped3A, %dma_start3A_79] : memref<100x100xi32, #tpu.memory_space<vmem>> -> memref<1x100xi32, #tpu.memory_space<vmem>>
      %dma_start3A_81 = tpu.memref_squeeze %dma_start3A_80 : memref<1x100xi32, #tpu.memory_space<vmem>> -> memref<100xi32, #tpu.memory_space<vmem>>
      %dma_start3A_82 = arith.constant 0 : i32
      %dma_start3A_83 = arith.constant 0 : i32
      %dma_start3A_84 = tpu.memref_slice %arg12[%dma_start3A_82, %dma_start3A_83] : memref<10112x128xf32, #tpu.memory_space<vmem_shared>> -> memref<10112x128xf32, #tpu.memory_space<vmem_shared>>
      tpu.enqueue_indirect_dma source(%arg8 : memref<100x128xf32, #tpu.memory_space<vmem>>) target(%dma_start3A_84 : memref<10112x128xf32, #tpu.memory_space<vmem_shared>>) offsets(%dma_start3A_81 : memref<100xi32, #tpu.memory_space<vmem>>) semaphore(%run_scoped3A_78 : memref<!tpu.dma_semaphore, #tpu.memory_space<semaphore_mem>>) {add = true}
      %dma_wait3A_85 = arith.constant 0 : i32
      %dma_wait3A_86 = tpu.memref_slice %arg7[%run_scoped3A, %dma_wait3A_85] : memref<100x100xi32, #tpu.memory_space<vmem>> -> memref<1x100xi32, #tpu.memory_space<vmem>>
      %dma_wait3A_87 = tpu.memref_squeeze %dma_wait3A_86 : memref<1x100xi32, #tpu.memory_space<vmem>> -> memref<100xi32, #tpu.memory_space<vmem>>
      %dma_wait3A_88 = arith.constant 0 : i32
      %dma_wait3A_89 = arith.constant 0 : i32
      %dma_wait3A_90 = tpu.memref_slice %arg12[%dma_wait3A_88, %dma_wait3A_89] : memref<10112x128xf32, #tpu.memory_space<vmem_shared>> -> memref<10112x128xf32, #tpu.memory_space<vmem_shared>>
      tpu.wait_indirect_dma semaphore(%run_scoped3A_78 : memref<!tpu.dma_semaphore, #tpu.memory_space<semaphore_mem>>) src(%arg8 : memref<100x128xf32, #tpu.memory_space<vmem>>) dst(%dma_wait3A_90 : memref<10112x128xf32, #tpu.memory_space<vmem_shared>>)
      tpu.yield
    }) : () -> ()
    %dma_wait3A_65 = arith.constant 99 : i32
    %dma_wait3A_66 = arith.constant 0 : i32
    %dma_wait3A_67 = tpu.memref_slice %arg6[%dma_wait3A_65, %dma_wait3A_66] : memref<100x100xi32, #tpu.memory_space<vmem>> -> memref<1x100xi32, #tpu.memory_space<vmem>>
    %dma_wait3A_68 = tpu.memref_squeeze %dma_wait3A_67 : memref<1x100xi32, #tpu.memory_space<vmem>> -> memref<100xi32, #tpu.memory_space<vmem>>
    %dma_wait3A_69 = arith.constant 0 : i32
    %dma_wait3A_70 = arith.constant 0 : i32
    %dma_wait3A_71 = tpu.memref_slice %arg3[%dma_wait3A_69, %dma_wait3A_70] : memref<10000x128xf32, #tpu.memory_space<hbm>> -> memref<10000x128xf32, #tpu.memory_space<hbm>>
    tpu.wait_indirect_dma semaphore(%arg14 : memref<!tpu.dma_semaphore, #tpu.memory_space<semaphore_mem>>) src(%dma_wait3A_71 : memref<10000x128xf32, #tpu.memory_space<hbm>>) dst(%arg9 : memref<100x128xf32, #tpu.memory_space<vmem>>)
    %run_scoped3A_72 = arith.constant 99 : i32
    "tpu.region"() ({
      %run_scoped3A_78 = tpu.sem_alloc : memref<!tpu.dma_semaphore, #tpu.memory_space<semaphore_mem>>
      %dma_start3A_79 = arith.constant 0 : i32
      %dma_start3A_80 = tpu.memref_slice %arg7[%run_scoped3A_72, %dma_start3A_79] : memref<100x100xi32, #tpu.memory_space<vmem>> -> memref<1x100xi32, #tpu.memory_space<vmem>>
      %dma_start3A_81 = tpu.memref_squeeze %dma_start3A_80 : memref<1x100xi32, #tpu.memory_space<vmem>> -> memref<100xi32, #tpu.memory_space<vmem>>
      %dma_start3A_82 = arith.constant 0 : i32
      %dma_start3A_83 = arith.constant 0 : i32
      %dma_start3A_84 = tpu.memref_slice %arg12[%dma_start3A_82, %dma_start3A_83] : memref<10112x128xf32, #tpu.memory_space<vmem_shared>> -> memref<10112x128xf32, #tpu.memory_space<vmem_shared>>
      tpu.enqueue_indirect_dma source(%arg9 : memref<100x128xf32, #tpu.memory_space<vmem>>) target(%dma_start3A_84 : memref<10112x128xf32, #tpu.memory_space<vmem_shared>>) offsets(%dma_start3A_81 : memref<100xi32, #tpu.memory_space<vmem>>) semaphore(%run_scoped3A_78 : memref<!tpu.dma_semaphore, #tpu.memory_space<semaphore_mem>>) {add = true}
      %dma_wait3A_85 = arith.constant 0 : i32
      %dma_wait3A_86 = tpu.memref_slice %arg7[%run_scoped3A_72, %dma_wait3A_85] : memref<100x100xi32, #tpu.memory_space<vmem>> -> memref<1x100xi32, #tpu.memory_space<vmem>>
      %dma_wait3A_87 = tpu.memref_squeeze %dma_wait3A_86 : memref<1x100xi32, #tpu.memory_space<vmem>> -> memref<100xi32, #tpu.memory_space<vmem>>
      %dma_wait3A_88 = arith.constant 0 : i32
      %dma_wait3A_89 = arith.constant 0 : i32
      %dma_wait3A_90 = tpu.memref_slice %arg12[%dma_wait3A_88, %dma_wait3A_89] : memref<10112x128xf32, #tpu.memory_space<vmem_shared>> -> memref<10112x128xf32, #tpu.memory_space<vmem_shared>>
      tpu.wait_indirect_dma semaphore(%run_scoped3A_78 : memref<!tpu.dma_semaphore, #tpu.memory_space<semaphore_mem>>) src(%arg9 : memref<100x128xf32, #tpu.memory_space<vmem>>) dst(%dma_wait3A_90 : memref<10112x128xf32, #tpu.memory_space<vmem_shared>>)
      tpu.yield
    }) : () -> ()
    %barrier3A_73 = arith.constant 0 : index
    tpu.barrier barrier_id(%barrier3A_73)
    %mul3A_74 = arith.constant 632 : i32
    %mul3A_75 = arith.muli %arg1, %mul3A_74 : i32
    %mul3A_76 = arith.constant 632 : i32
    %mul3A_77 = arith.muli %arg1, %mul3A_76 : i32
    "tpu.region"() ({
      %run_scoped3A_78 = tpu.sem_alloc : memref<!tpu.dma_semaphore, #tpu.memory_space<semaphore_mem>>
      %dma_start3A_79 = arith.constant 0 : i32
      %dma_start3A_80 = tpu.memref_slice %arg5[%arg0, %mul3A_77, %dma_start3A_79] : memref<2x10112x128xf32, #tpu.memory_space<hbm>> -> memref<1x632x128xf32, #tpu.memory_space<hbm>>
      %dma_start3A_81 = tpu.memref_squeeze %dma_start3A_80 : memref<1x632x128xf32, #tpu.memory_space<hbm>> -> memref<632x128xf32, #tpu.memory_space<hbm>>
      %dma_start3A_82 = arith.constant 0 : i32
      %dma_start3A_83 = tpu.memref_slice %arg12[%mul3A_75, %dma_start3A_82] : memref<10112x128xf32, #tpu.memory_space<vmem_shared>> -> memref<632x128xf32, #tpu.memory_space<vmem_shared>>
      tpu.enqueue_dma source(%dma_start3A_83 : memref<632x128xf32, #tpu.memory_space<vmem_shared>>) target(%dma_start3A_81 : memref<632x128xf32, #tpu.memory_space<hbm>>) target_semaphore(%run_scoped3A_78 : memref<!tpu.dma_semaphore, #tpu.memory_space<semaphore_mem>>)
      %dma_wait3A_84 = arith.constant 0 : i32
      %dma_wait3A_85 = tpu.memref_slice %arg5[%arg0, %mul3A_77, %dma_wait3A_84] : memref<2x10112x128xf32, #tpu.memory_space<hbm>> -> memref<1x632x128xf32, #tpu.memory_space<hbm>>
      %dma_wait3A_86 = tpu.memref_squeeze %dma_wait3A_85 : memref<1x632x128xf32, #tpu.memory_space<hbm>> -> memref<632x128xf32, #tpu.memory_space<hbm>>
      %dma_wait3A_87 = arith.constant 0 : i32
      %dma_wait3A_88 = tpu.memref_slice %arg12[%mul3A_75, %dma_wait3A_87] : memref<10112x128xf32, #tpu.memory_space<vmem_shared>> -> memref<632x128xf32, #tpu.memory_space<vmem_shared>>
      tpu.wait_dma2 semaphore(%run_scoped3A_78 : memref<!tpu.dma_semaphore, #tpu.memory_space<semaphore_mem>>) src(%dma_wait3A_88 : memref<632x128xf32, #tpu.memory_space<vmem_shared>>) dst(%dma_wait3A_86 : memref<632x128xf32, #tpu.memory_space<hbm>>)
      tpu.yield
    }) : () -> ()
    return
  }
}

#map = affine_map<(d0, d1) -> (0, 0, 0, 0)>
#map1 = affine_map<(d0, d1) -> (0, 0)>
#map2 = affine_map<(d0, d1) -> (0, 0, 0)>
module attributes {stable_mosaic.version = 14 : i64} {
  func.func @body(%arg0: i32, %arg1: i32, %arg2: memref<2x32x25x400xi32, #tpu.memory_space<hbm>>, %arg3: memref<400x16xf32, #tpu.memory_space<hbm>>, %arg4: memref<10112x16xf32, #tpu.memory_space<hbm>>, %arg5: memref<2x10112x16xf32, #tpu.memory_space<hbm>>, %arg6: memref<25x400xi32, #tpu.memory_space<vmem>>, %arg7: memref<25x400xi32, #tpu.memory_space<vmem>>, %arg8: memref<400x16xf32, #tpu.memory_space<vmem>>, %arg9: memref<400x16xf32, #tpu.memory_space<vmem>>, %arg10: memref<8x16xf32, #tpu.memory_space<vmem>>, %arg11: memref<8x16xf32, #tpu.memory_space<vmem>>, %arg12: memref<10112x16xf32, #tpu.memory_space<vmem_shared>>, %arg13: memref<!tpu.dma_semaphore, #tpu.memory_space<semaphore_mem>>, %arg14: memref<!tpu.dma_semaphore, #tpu.memory_space<semaphore_mem>>, %arg15: memref<!tpu.dma_semaphore, #tpu.memory_space<semaphore_mem>>, %arg16: memref<!tpu.dma_semaphore, #tpu.memory_space<semaphore_mem>>, %arg17: memref<!tpu.dma_semaphore, #tpu.memory_space<semaphore_mem>>, %arg18: memref<!tpu.dma_semaphore, #tpu.memory_space<semaphore_mem>>, %arg19: memref<!tpu.dma_semaphore, #tpu.memory_space<semaphore_mem>>, %arg20: memref<!tpu.dma_semaphore, #tpu.memory_space<semaphore_mem>>, %arg21: memref<!tpu.dma_semaphore, #tpu.memory_space<semaphore_mem>>) attributes {dimension_semantics = [#tpu.dimension_semantics<core_parallel>, #tpu.dimension_semantics<subcore_parallel>], iteration_bounds = array<i64: 2, 16>, scalar_prefetch = 0 : i64, scratch_operands = 16 : i64, tpu.core_type = #tpu.core_type<sc_vector_subcore>, window_params = [{transform_indices = #map}, {transform_indices = #map1}, {transform_indices = #map1}, {transform_indices = #map2}]} {
    %mul3A = arith.constant 2 : i32
    %mul3A_0 = arith.muli %arg1, %mul3A : i32
    %add3A = arith.addi %mul3A_0, %arg0 : i32
    %dma_start3A = arith.constant 1 : i32
    %dma_start3A_1 = arith.constant 0 : i32
    %dma_start3A_2 = arith.constant 0 : i32
    %dma_start3A_3 = tpu.memref_slice %arg2[%dma_start3A, %add3A, %dma_start3A_1, %dma_start3A_2] : memref<2x32x25x400xi32, #tpu.memory_space<hbm>> -> memref<1x1x25x400xi32, #tpu.memory_space<hbm>>
    %dma_start3A_4 = tpu.memref_squeeze %dma_start3A_3 : memref<1x1x25x400xi32, #tpu.memory_space<hbm>> -> memref<25x400xi32, #tpu.memory_space<hbm>>
    %dma_start3A_5 = arith.constant 0 : i32
    %dma_start3A_6 = arith.constant 0 : i32
    %dma_start3A_7 = tpu.memref_slice %arg2[%dma_start3A, %add3A, %dma_start3A_5, %dma_start3A_6] : memref<2x32x25x400xi32, #tpu.memory_space<hbm>> -> memref<1x1x25x400xi32, #tpu.memory_space<hbm>>
    %dma_start3A_8 = tpu.memref_squeeze %dma_start3A_7 : memref<1x1x25x400xi32, #tpu.memory_space<hbm>> -> memref<25x400xi32, #tpu.memory_space<hbm>>
    tpu.enqueue_dma source(%dma_start3A_8 : memref<25x400xi32, #tpu.memory_space<hbm>>) target(%arg7 : memref<25x400xi32, #tpu.memory_space<vmem>>) target_semaphore(%arg21 : memref<!tpu.dma_semaphore, #tpu.memory_space<semaphore_mem>>)
    "tpu.region"() ({
      %run_scoped3A = tpu.sem_alloc : memref<!tpu.dma_semaphore, #tpu.memory_space<semaphore_mem>>
      tpu.enqueue_dma source(%arg3 : memref<400x16xf32, #tpu.memory_space<hbm>>) target(%arg8 : memref<400x16xf32, #tpu.memory_space<vmem>>) target_semaphore(%run_scoped3A : memref<!tpu.dma_semaphore, #tpu.memory_space<semaphore_mem>>)
      tpu.wait_dma2 semaphore(%run_scoped3A : memref<!tpu.dma_semaphore, #tpu.memory_space<semaphore_mem>>) src(%arg3 : memref<400x16xf32, #tpu.memory_space<hbm>>) dst(%arg8 : memref<400x16xf32, #tpu.memory_space<vmem>>)
      tpu.yield
    }) : () -> ()
    %mul3A_9 = arith.constant 632 : i32
    %mul3A_10 = arith.muli %arg1, %mul3A_9 : i32
    %mul3A_11 = arith.constant 632 : i32
    %mul3A_12 = arith.muli %arg1, %mul3A_11 : i32
    "tpu.region"() ({
      %run_scoped3A = tpu.sem_alloc : memref<!tpu.dma_semaphore, #tpu.memory_space<semaphore_mem>>
      %dma_start3A_31 = arith.constant 0 : i32
      %dma_start3A_32 = tpu.memref_slice %arg12[%mul3A_12, %dma_start3A_31] : memref<10112x16xf32, #tpu.memory_space<vmem_shared>> -> memref<632x16xf32, #tpu.memory_space<vmem_shared>>
      %dma_start3A_33 = arith.constant 0 : i32
      %dma_start3A_34 = tpu.memref_slice %arg4[%mul3A_10, %dma_start3A_33] : memref<10112x16xf32, #tpu.memory_space<hbm>> -> memref<632x16xf32, #tpu.memory_space<hbm>>
      tpu.enqueue_dma source(%dma_start3A_34 : memref<632x16xf32, #tpu.memory_space<hbm>>) target(%dma_start3A_32 : memref<632x16xf32, #tpu.memory_space<vmem_shared>>) target_semaphore(%run_scoped3A : memref<!tpu.dma_semaphore, #tpu.memory_space<semaphore_mem>>)
      %dma_wait3A_35 = arith.constant 0 : i32
      %dma_wait3A_36 = tpu.memref_slice %arg12[%mul3A_12, %dma_wait3A_35] : memref<10112x16xf32, #tpu.memory_space<vmem_shared>> -> memref<632x16xf32, #tpu.memory_space<vmem_shared>>
      %dma_wait3A_37 = arith.constant 0 : i32
      %dma_wait3A_38 = tpu.memref_slice %arg4[%mul3A_10, %dma_wait3A_37] : memref<10112x16xf32, #tpu.memory_space<hbm>> -> memref<632x16xf32, #tpu.memory_space<hbm>>
      tpu.wait_dma2 semaphore(%run_scoped3A : memref<!tpu.dma_semaphore, #tpu.memory_space<semaphore_mem>>) src(%dma_wait3A_38 : memref<632x16xf32, #tpu.memory_space<hbm>>) dst(%dma_wait3A_36 : memref<632x16xf32, #tpu.memory_space<vmem_shared>>)
      tpu.yield
    }) : () -> ()
    %dma_wait3A = arith.constant 1 : i32
    %dma_wait3A_13 = arith.constant 0 : i32
    %dma_wait3A_14 = arith.constant 0 : i32
    %dma_wait3A_15 = tpu.memref_slice %arg2[%dma_wait3A, %add3A, %dma_wait3A_13, %dma_wait3A_14] : memref<2x32x25x400xi32, #tpu.memory_space<hbm>> -> memref<1x1x25x400xi32, #tpu.memory_space<hbm>>
    %dma_wait3A_16 = tpu.memref_squeeze %dma_wait3A_15 : memref<1x1x25x400xi32, #tpu.memory_space<hbm>> -> memref<25x400xi32, #tpu.memory_space<hbm>>
    %dma_wait3A_17 = arith.constant 0 : i32
    %dma_wait3A_18 = arith.constant 0 : i32
    %dma_wait3A_19 = tpu.memref_slice %arg2[%dma_wait3A, %add3A, %dma_wait3A_17, %dma_wait3A_18] : memref<2x32x25x400xi32, #tpu.memory_space<hbm>> -> memref<1x1x25x400xi32, #tpu.memory_space<hbm>>
    %dma_wait3A_20 = tpu.memref_squeeze %dma_wait3A_19 : memref<1x1x25x400xi32, #tpu.memory_space<hbm>> -> memref<25x400xi32, #tpu.memory_space<hbm>>
    tpu.wait_dma2 semaphore(%arg21 : memref<!tpu.dma_semaphore, #tpu.memory_space<semaphore_mem>>) src(%dma_wait3A_20 : memref<25x400xi32, #tpu.memory_space<hbm>>) dst(%arg7 : memref<25x400xi32, #tpu.memory_space<vmem>>)
    %barrier3A = arith.constant 0 : index
    tpu.barrier barrier_id(%barrier3A)
    %scan3A = arith.constant 0 : i32
    %scan3A_21 = arith.constant 0 : i32
    %scan3A_22 = arith.constant 25 : i32
    %scan3A_23 = arith.addi %scan3A_21, %scan3A_22 : i32
    %scan3A_24 = arith.constant 1 : i32
    scf.for %scan3A_31 = %scan3A_21 to %scan3A_23 step %scan3A_24  : i32 {
      "tpu.region"() ({
        %run_scoped3A = tpu.sem_alloc : memref<!tpu.dma_semaphore, #tpu.memory_space<semaphore_mem>>
        %dma_start3A_32 = arith.constant 0 : i32
        %dma_start3A_33 = tpu.memref_slice %arg7[%scan3A_31, %dma_start3A_32] : memref<25x400xi32, #tpu.memory_space<vmem>> -> memref<1x400xi32, #tpu.memory_space<vmem>>
        %dma_start3A_34 = tpu.memref_squeeze %dma_start3A_33 : memref<1x400xi32, #tpu.memory_space<vmem>> -> memref<400xi32, #tpu.memory_space<vmem>>
        %dma_start3A_35 = arith.constant 0 : i32
        %dma_start3A_36 = arith.constant 0 : i32
        %dma_start3A_37 = tpu.memref_slice %arg12[%dma_start3A_35, %dma_start3A_36] : memref<10112x16xf32, #tpu.memory_space<vmem_shared>> -> memref<10112x16xf32, #tpu.memory_space<vmem_shared>>
        tpu.enqueue_indirect_dma source(%arg8 : memref<400x16xf32, #tpu.memory_space<vmem>>) target(%dma_start3A_37 : memref<10112x16xf32, #tpu.memory_space<vmem_shared>>) offsets(%dma_start3A_34 : memref<400xi32, #tpu.memory_space<vmem>>) semaphore(%run_scoped3A : memref<!tpu.dma_semaphore, #tpu.memory_space<semaphore_mem>>) {add = true}
        %dma_wait3A_38 = arith.constant 0 : i32
        %dma_wait3A_39 = tpu.memref_slice %arg7[%scan3A_31, %dma_wait3A_38] : memref<25x400xi32, #tpu.memory_space<vmem>> -> memref<1x400xi32, #tpu.memory_space<vmem>>
        %dma_wait3A_40 = tpu.memref_squeeze %dma_wait3A_39 : memref<1x400xi32, #tpu.memory_space<vmem>> -> memref<400xi32, #tpu.memory_space<vmem>>
        %dma_wait3A_41 = arith.constant 0 : i32
        %dma_wait3A_42 = arith.constant 0 : i32
        %dma_wait3A_43 = tpu.memref_slice %arg12[%dma_wait3A_41, %dma_wait3A_42] : memref<10112x16xf32, #tpu.memory_space<vmem_shared>> -> memref<10112x16xf32, #tpu.memory_space<vmem_shared>>
        tpu.wait_indirect_dma semaphore(%run_scoped3A : memref<!tpu.dma_semaphore, #tpu.memory_space<semaphore_mem>>) src(%arg8 : memref<400x16xf32, #tpu.memory_space<vmem>>) dst(%dma_wait3A_43 : memref<10112x16xf32, #tpu.memory_space<vmem_shared>>)
        tpu.yield
      }) : () -> ()
    }
    %scan3A_25 = arith.constant 25 : i32
    %barrier3A_26 = arith.constant 0 : index
    tpu.barrier barrier_id(%barrier3A_26)
    %mul3A_27 = arith.constant 632 : i32
    %mul3A_28 = arith.muli %arg1, %mul3A_27 : i32
    %mul3A_29 = arith.constant 632 : i32
    %mul3A_30 = arith.muli %arg1, %mul3A_29 : i32
    "tpu.region"() ({
      %run_scoped3A = tpu.sem_alloc : memref<!tpu.dma_semaphore, #tpu.memory_space<semaphore_mem>>
      %dma_start3A_31 = arith.constant 0 : i32
      %dma_start3A_32 = tpu.memref_slice %arg5[%arg0, %mul3A_30, %dma_start3A_31] : memref<2x10112x16xf32, #tpu.memory_space<hbm>> -> memref<1x632x16xf32, #tpu.memory_space<hbm>>
      %dma_start3A_33 = tpu.memref_squeeze %dma_start3A_32 : memref<1x632x16xf32, #tpu.memory_space<hbm>> -> memref<632x16xf32, #tpu.memory_space<hbm>>
      %dma_start3A_34 = arith.constant 0 : i32
      %dma_start3A_35 = tpu.memref_slice %arg12[%mul3A_28, %dma_start3A_34] : memref<10112x16xf32, #tpu.memory_space<vmem_shared>> -> memref<632x16xf32, #tpu.memory_space<vmem_shared>>
      tpu.enqueue_dma source(%dma_start3A_35 : memref<632x16xf32, #tpu.memory_space<vmem_shared>>) target(%dma_start3A_33 : memref<632x16xf32, #tpu.memory_space<hbm>>) target_semaphore(%run_scoped3A : memref<!tpu.dma_semaphore, #tpu.memory_space<semaphore_mem>>)
      %dma_wait3A_36 = arith.constant 0 : i32
      %dma_wait3A_37 = tpu.memref_slice %arg5[%arg0, %mul3A_30, %dma_wait3A_36] : memref<2x10112x16xf32, #tpu.memory_space<hbm>> -> memref<1x632x16xf32, #tpu.memory_space<hbm>>
      %dma_wait3A_38 = tpu.memref_squeeze %dma_wait3A_37 : memref<1x632x16xf32, #tpu.memory_space<hbm>> -> memref<632x16xf32, #tpu.memory_space<hbm>>
      %dma_wait3A_39 = arith.constant 0 : i32
      %dma_wait3A_40 = tpu.memref_slice %arg12[%mul3A_28, %dma_wait3A_39] : memref<10112x16xf32, #tpu.memory_space<vmem_shared>> -> memref<632x16xf32, #tpu.memory_space<vmem_shared>>
      tpu.wait_dma2 semaphore(%run_scoped3A : memref<!tpu.dma_semaphore, #tpu.memory_space<semaphore_mem>>) src(%dma_wait3A_40 : memref<632x16xf32, #tpu.memory_space<vmem_shared>>) dst(%dma_wait3A_38 : memref<632x16xf32, #tpu.memory_space<hbm>>)
      tpu.yield
    }) : () -> ()
    return
  }
}

#map = affine_map<(d0, d1) -> (0, 0, 0, 0)>
#map1 = affine_map<(d0, d1) -> (0, 0)>
#map2 = affine_map<(d0, d1) -> (0, 0, 0)>
module attributes {stable_mosaic.version = 14 : i64} {
  func.func @body(%arg0: i32, %arg1: i32, %arg2: memref<2x32x100x100xi32, #tpu.memory_space<hbm>>, %arg3: memref<10000x128xf32, #tpu.memory_space<hbm>>, %arg4: memref<10112x128xf32, #tpu.memory_space<hbm>>, %arg5: memref<2x10112x128xf32, #tpu.memory_space<hbm>>, %arg6: memref<100x100xi32, #tpu.memory_space<vmem>>, %arg7: memref<100x100xi32, #tpu.memory_space<vmem>>, %arg8: memref<100x128xf32, #tpu.memory_space<vmem>>, %arg9: memref<100x128xf32, #tpu.memory_space<vmem>>, %arg10: memref<8x128xf32, #tpu.memory_space<vmem>>, %arg11: memref<8x128xf32, #tpu.memory_space<vmem>>, %arg12: memref<10112x128xf32, #tpu.memory_space<vmem_shared>>, %arg13: memref<!tpu.dma_semaphore, #tpu.memory_space<semaphore_mem>>, %arg14: memref<!tpu.dma_semaphore, #tpu.memory_space<semaphore_mem>>, %arg15: memref<!tpu.dma_semaphore, #tpu.memory_space<semaphore_mem>>, %arg16: memref<!tpu.dma_semaphore, #tpu.memory_space<semaphore_mem>>, %arg17: memref<!tpu.dma_semaphore, #tpu.memory_space<semaphore_mem>>, %arg18: memref<!tpu.dma_semaphore, #tpu.memory_space<semaphore_mem>>, %arg19: memref<!tpu.dma_semaphore, #tpu.memory_space<semaphore_mem>>, %arg20: memref<!tpu.dma_semaphore, #tpu.memory_space<semaphore_mem>>, %arg21: memref<!tpu.dma_semaphore, #tpu.memory_space<semaphore_mem>>) attributes {dimension_semantics = [#tpu.dimension_semantics<core_parallel>, #tpu.dimension_semantics<subcore_parallel>], iteration_bounds = array<i64: 2, 16>, scalar_prefetch = 0 : i64, scratch_operands = 16 : i64, tpu.core_type = #tpu.core_type<sc_vector_subcore>, window_params = [{transform_indices = #map}, {transform_indices = #map1}, {transform_indices = #map1}, {transform_indices = #map2}]} {
    %mul3A = arith.constant 2 : i32
    %mul3A_0 = arith.muli %arg1, %mul3A : i32
    %add3A = arith.addi %mul3A_0, %arg0 : i32
    %dma_start3A = arith.constant 1 : i32
    %dma_start3A_1 = arith.constant 0 : i32
    %dma_start3A_2 = arith.constant 0 : i32
    %dma_start3A_3 = tpu.memref_slice %arg2[%dma_start3A, %add3A, %dma_start3A_1, %dma_start3A_2] : memref<2x32x100x100xi32, #tpu.memory_space<hbm>> -> memref<1x1x100x100xi32, #tpu.memory_space<hbm>>
    %dma_start3A_4 = tpu.memref_squeeze %dma_start3A_3 : memref<1x1x100x100xi32, #tpu.memory_space<hbm>> -> memref<100x100xi32, #tpu.memory_space<hbm>>
    %dma_start3A_5 = arith.constant 0 : i32
    %dma_start3A_6 = arith.constant 0 : i32
    %dma_start3A_7 = tpu.memref_slice %arg2[%dma_start3A, %add3A, %dma_start3A_5, %dma_start3A_6] : memref<2x32x100x100xi32, #tpu.memory_space<hbm>> -> memref<1x1x100x100xi32, #tpu.memory_space<hbm>>
    %dma_start3A_8 = tpu.memref_squeeze %dma_start3A_7 : memref<1x1x100x100xi32, #tpu.memory_space<hbm>> -> memref<100x100xi32, #tpu.memory_space<hbm>>
    tpu.enqueue_dma source(%dma_start3A_8 : memref<100x100xi32, #tpu.memory_space<hbm>>) target(%arg7 : memref<100x100xi32, #tpu.memory_space<vmem>>) target_semaphore(%arg21 : memref<!tpu.dma_semaphore, #tpu.memory_space<semaphore_mem>>)
    %dma_start3A_9 = arith.constant 0 : i32
    %dma_start3A_10 = arith.constant 0 : i32
    %dma_start3A_11 = arith.constant 0 : i32
    %dma_start3A_12 = tpu.memref_slice %arg2[%dma_start3A_9, %add3A, %dma_start3A_10, %dma_start3A_11] : memref<2x32x100x100xi32, #tpu.memory_space<hbm>> -> memref<1x1x100x100xi32, #tpu.memory_space<hbm>>
    %dma_start3A_13 = tpu.memref_squeeze %dma_start3A_12 : memref<1x1x100x100xi32, #tpu.memory_space<hbm>> -> memref<100x100xi32, #tpu.memory_space<hbm>>
    %dma_start3A_14 = arith.constant 0 : i32
    %dma_start3A_15 = arith.constant 0 : i32
    %dma_start3A_16 = tpu.memref_slice %arg2[%dma_start3A_9, %add3A, %dma_start3A_14, %dma_start3A_15] : memref<2x32x100x100xi32, #tpu.memory_space<hbm>> -> memref<1x1x100x100xi32, #tpu.memory_space<hbm>>
    %dma_start3A_17 = tpu.memref_squeeze %dma_start3A_16 : memref<1x1x100x100xi32, #tpu.memory_space<hbm>> -> memref<100x100xi32, #tpu.memory_space<hbm>>
    tpu.enqueue_dma source(%dma_start3A_17 : memref<100x100xi32, #tpu.memory_space<hbm>>) target(%arg6 : memref<100x100xi32, #tpu.memory_space<vmem>>) target_semaphore(%arg21 : memref<!tpu.dma_semaphore, #tpu.memory_space<semaphore_mem>>)
    %mul3A_18 = arith.constant 632 : i32
    %mul3A_19 = arith.muli %arg1, %mul3A_18 : i32
    %mul3A_20 = arith.constant 632 : i32
    %mul3A_21 = arith.muli %arg1, %mul3A_20 : i32
    "tpu.region"() ({
      %run_scoped3A_78 = tpu.sem_alloc : memref<!tpu.dma_semaphore, #tpu.memory_space<semaphore_mem>>
      %dma_start3A_79 = arith.constant 0 : i32
      %dma_start3A_80 = tpu.memref_slice %arg12[%mul3A_21, %dma_start3A_79] : memref<10112x128xf32, #tpu.memory_space<vmem_shared>> -> memref<632x128xf32, #tpu.memory_space<vmem_shared>>
      %dma_start3A_81 = arith.constant 0 : i32
      %dma_start3A_82 = tpu.memref_slice %arg4[%mul3A_19, %dma_start3A_81] : memref<10112x128xf32, #tpu.memory_space<hbm>> -> memref<632x128xf32, #tpu.memory_space<hbm>>
      tpu.enqueue_dma source(%dma_start3A_82 : memref<632x128xf32, #tpu.memory_space<hbm>>) target(%dma_start3A_80 : memref<632x128xf32, #tpu.memory_space<vmem_shared>>) target_semaphore(%run_scoped3A_78 : memref<!tpu.dma_semaphore, #tpu.memory_space<semaphore_mem>>)
      %dma_wait3A_83 = arith.constant 0 : i32
      %dma_wait3A_84 = tpu.memref_slice %arg12[%mul3A_21, %dma_wait3A_83] : memref<10112x128xf32, #tpu.memory_space<vmem_shared>> -> memref<632x128xf32, #tpu.memory_space<vmem_shared>>
      %dma_wait3A_85 = arith.constant 0 : i32
      %dma_wait3A_86 = tpu.memref_slice %arg4[%mul3A_19, %dma_wait3A_85] : memref<10112x128xf32, #tpu.memory_space<hbm>> -> memref<632x128xf32, #tpu.memory_space<hbm>>
      tpu.wait_dma2 semaphore(%run_scoped3A_78 : memref<!tpu.dma_semaphore, #tpu.memory_space<semaphore_mem>>) src(%dma_wait3A_86 : memref<632x128xf32, #tpu.memory_space<hbm>>) dst(%dma_wait3A_84 : memref<632x128xf32, #tpu.memory_space<vmem_shared>>)
      tpu.yield
    }) : () -> ()
    %dma_wait3A = arith.constant 1 : i32
    %dma_wait3A_22 = arith.constant 0 : i32
    %dma_wait3A_23 = arith.constant 0 : i32
    %dma_wait3A_24 = tpu.memref_slice %arg2[%dma_wait3A, %add3A, %dma_wait3A_22, %dma_wait3A_23] : memref<2x32x100x100xi32, #tpu.memory_space<hbm>> -> memref<1x1x100x100xi32, #tpu.memory_space<hbm>>
    %dma_wait3A_25 = tpu.memref_squeeze %dma_wait3A_24 : memref<1x1x100x100xi32, #tpu.memory_space<hbm>> -> memref<100x100xi32, #tpu.memory_space<hbm>>
    %dma_wait3A_26 = arith.constant 0 : i32
    %dma_wait3A_27 = arith.constant 0 : i32
    %dma_wait3A_28 = tpu.memref_slice %arg2[%dma_wait3A, %add3A, %dma_wait3A_26, %dma_wait3A_27] : memref<2x32x100x100xi32, #tpu.memory_space<hbm>> -> memref<1x1x100x100xi32, #tpu.memory_space<hbm>>
    %dma_wait3A_29 = tpu.memref_squeeze %dma_wait3A_28 : memref<1x1x100x100xi32, #tpu.memory_space<hbm>> -> memref<100x100xi32, #tpu.memory_space<hbm>>
    tpu.wait_dma2 semaphore(%arg21 : memref<!tpu.dma_semaphore, #tpu.memory_space<semaphore_mem>>) src(%dma_wait3A_29 : memref<100x100xi32, #tpu.memory_space<hbm>>) dst(%arg7 : memref<100x100xi32, #tpu.memory_space<vmem>>)
    %dma_wait3A_30 = arith.constant 0 : i32
    %dma_wait3A_31 = arith.constant 0 : i32
    %dma_wait3A_32 = arith.constant 0 : i32
    %dma_wait3A_33 = tpu.memref_slice %arg2[%dma_wait3A_30, %add3A, %dma_wait3A_31, %dma_wait3A_32] : memref<2x32x100x100xi32, #tpu.memory_space<hbm>> -> memref<1x1x100x100xi32, #tpu.memory_space<hbm>>
    %dma_wait3A_34 = tpu.memref_squeeze %dma_wait3A_33 : memref<1x1x100x100xi32, #tpu.memory_space<hbm>> -> memref<100x100xi32, #tpu.memory_space<hbm>>
    %dma_wait3A_35 = arith.constant 0 : i32
    %dma_wait3A_36 = arith.constant 0 : i32
    %dma_wait3A_37 = tpu.memref_slice %arg2[%dma_wait3A_30, %add3A, %dma_wait3A_35, %dma_wait3A_36] : memref<2x32x100x100xi32, #tpu.memory_space<hbm>> -> memref<1x1x100x100xi32, #tpu.memory_space<hbm>>
    %dma_wait3A_38 = tpu.memref_squeeze %dma_wait3A_37 : memref<1x1x100x100xi32, #tpu.memory_space<hbm>> -> memref<100x100xi32, #tpu.memory_space<hbm>>
    tpu.wait_dma2 semaphore(%arg21 : memref<!tpu.dma_semaphore, #tpu.memory_space<semaphore_mem>>) src(%dma_wait3A_38 : memref<100x100xi32, #tpu.memory_space<hbm>>) dst(%arg6 : memref<100x100xi32, #tpu.memory_space<vmem>>)
    %barrier3A = arith.constant 0 : index
    tpu.barrier barrier_id(%barrier3A)
    %dma_start3A_39 = arith.constant 0 : i32
    %dma_start3A_40 = arith.constant 0 : i32
    %dma_start3A_41 = tpu.memref_slice %arg6[%dma_start3A_39, %dma_start3A_40] : memref<100x100xi32, #tpu.memory_space<vmem>> -> memref<1x100xi32, #tpu.memory_space<vmem>>
    %dma_start3A_42 = tpu.memref_squeeze %dma_start3A_41 : memref<1x100xi32, #tpu.memory_space<vmem>> -> memref<100xi32, #tpu.memory_space<vmem>>
    %dma_start3A_43 = arith.constant 0 : i32
    %dma_start3A_44 = arith.constant 0 : i32
    %dma_start3A_45 = tpu.memref_slice %arg3[%dma_start3A_43, %dma_start3A_44] : memref<10000x128xf32, #tpu.memory_space<hbm>> -> memref<10000x128xf32, #tpu.memory_space<hbm>>
    tpu.enqueue_indirect_dma source(%dma_start3A_45 : memref<10000x128xf32, #tpu.memory_space<hbm>>) target(%arg8 : memref<100x128xf32, #tpu.memory_space<vmem>>) offsets(%dma_start3A_42 : memref<100xi32, #tpu.memory_space<vmem>>) semaphore(%arg13 : memref<!tpu.dma_semaphore, #tpu.memory_space<semaphore_mem>>)
    %scan3A = arith.constant 0 : i32
    %scan3A_46 = arith.constant 0 : i32
    %scan3A_47 = arith.constant 49 : i32
    %scan3A_48 = arith.addi %scan3A_46, %scan3A_47 : i32
    %scan3A_49 = arith.constant 1 : i32
    scf.for %scan3A_78 = %scan3A_46 to %scan3A_48 step %scan3A_49  : i32 {
      %mul3A_79 = arith.constant 2 : i32
      %mul3A_80 = arith.muli %mul3A_79, %scan3A_78 : i32
      %add3A_81 = arith.constant 1 : i32
      %add3A_82 = arith.addi %mul3A_80, %add3A_81 : i32
      %dma_start3A_83 = arith.constant 0 : i32
      %dma_start3A_84 = tpu.memref_slice %arg6[%add3A_82, %dma_start3A_83] : memref<100x100xi32, #tpu.memory_space<vmem>> -> memref<1x100xi32, #tpu.memory_space<vmem>>
      %dma_start3A_85 = tpu.memref_squeeze %dma_start3A_84 : memref<1x100xi32, #tpu.memory_space<vmem>> -> memref<100xi32, #tpu.memory_space<vmem>>
      %dma_start3A_86 = arith.constant 0 : i32
      %dma_start3A_87 = arith.constant 0 : i32
      %dma_start3A_88 = tpu.memref_slice %arg3[%dma_start3A_86, %dma_start3A_87] : memref<10000x128xf32, #tpu.memory_space<hbm>> -> memref<10000x128xf32, #tpu.memory_space<hbm>>
      tpu.enqueue_indirect_dma source(%dma_start3A_88 : memref<10000x128xf32, #tpu.memory_space<hbm>>) target(%arg9 : memref<100x128xf32, #tpu.memory_space<vmem>>) offsets(%dma_start3A_85 : memref<100xi32, #tpu.memory_space<vmem>>) semaphore(%arg14 : memref<!tpu.dma_semaphore, #tpu.memory_space<semaphore_mem>>)
      %dma_wait3A_89 = arith.constant 0 : i32
      %dma_wait3A_90 = tpu.memref_slice %arg6[%mul3A_80, %dma_wait3A_89] : memref<100x100xi32, #tpu.memory_space<vmem>> -> memref<1x100xi32, #tpu.memory_space<vmem>>
      %dma_wait3A_91 = tpu.memref_squeeze %dma_wait3A_90 : memref<1x100xi32, #tpu.memory_space<vmem>> -> memref<100xi32, #tpu.memory_space<vmem>>
      %dma_wait3A_92 = arith.constant 0 : i32
      %dma_wait3A_93 = arith.constant 0 : i32
      %dma_wait3A_94 = tpu.memref_slice %arg3[%dma_wait3A_92, %dma_wait3A_93] : memref<10000x128xf32, #tpu.memory_space<hbm>> -> memref<10000x128xf32, #tpu.memory_space<hbm>>
      tpu.wait_indirect_dma semaphore(%arg13 : memref<!tpu.dma_semaphore, #tpu.memory_space<semaphore_mem>>) src(%dma_wait3A_94 : memref<10000x128xf32, #tpu.memory_space<hbm>>) dst(%arg8 : memref<100x128xf32, #tpu.memory_space<vmem>>)
      "tpu.region"() ({
        %run_scoped3A_113 = tpu.sem_alloc : memref<!tpu.dma_semaphore, #tpu.memory_space<semaphore_mem>>
        %dma_start3A_114 = arith.constant 0 : i32
        %dma_start3A_115 = tpu.memref_slice %arg7[%mul3A_80, %dma_start3A_114] : memref<100x100xi32, #tpu.memory_space<vmem>> -> memref<1x100xi32, #tpu.memory_space<vmem>>
        %dma_start3A_116 = tpu.memref_squeeze %dma_start3A_115 : memref<1x100xi32, #tpu.memory_space<vmem>> -> memref<100xi32, #tpu.memory_space<vmem>>
        %dma_start3A_117 = arith.constant 0 : i32
        %dma_start3A_118 = arith.constant 0 : i32
        %dma_start3A_119 = tpu.memref_slice %arg12[%dma_start3A_117, %dma_start3A_118] : memref<10112x128xf32, #tpu.memory_space<vmem_shared>> -> memref<10112x128xf32, #tpu.memory_space<vmem_shared>>
        tpu.enqueue_indirect_dma source(%arg8 : memref<100x128xf32, #tpu.memory_space<vmem>>) target(%dma_start3A_119 : memref<10112x128xf32, #tpu.memory_space<vmem_shared>>) offsets(%dma_start3A_116 : memref<100xi32, #tpu.memory_space<vmem>>) semaphore(%run_scoped3A_113 : memref<!tpu.dma_semaphore, #tpu.memory_space<semaphore_mem>>) {add = true}
        %dma_wait3A_120 = arith.constant 0 : i32
        %dma_wait3A_121 = tpu.memref_slice %arg7[%mul3A_80, %dma_wait3A_120] : memref<100x100xi32, #tpu.memory_space<vmem>> -> memref<1x100xi32, #tpu.memory_space<vmem>>
        %dma_wait3A_122 = tpu.memref_squeeze %dma_wait3A_121 : memref<1x100xi32, #tpu.memory_space<vmem>> -> memref<100xi32, #tpu.memory_space<vmem>>
        %dma_wait3A_123 = arith.constant 0 : i32
        %dma_wait3A_124 = arith.constant 0 : i32
        %dma_wait3A_125 = tpu.memref_slice %arg12[%dma_wait3A_123, %dma_wait3A_124] : memref<10112x128xf32, #tpu.memory_space<vmem_shared>> -> memref<10112x128xf32, #tpu.memory_space<vmem_shared>>
        tpu.wait_indirect_dma semaphore(%run_scoped3A_113 : memref<!tpu.dma_semaphore, #tpu.memory_space<semaphore_mem>>) src(%arg8 : memref<100x128xf32, #tpu.memory_space<vmem>>) dst(%dma_wait3A_125 : memref<10112x128xf32, #tpu.memory_space<vmem_shared>>)
        tpu.yield
      }) : () -> ()
      %add3A_95 = arith.constant 2 : i32
      %add3A_96 = arith.addi %mul3A_80, %add3A_95 : i32
      %dma_start3A_97 = arith.constant 0 : i32
      %dma_start3A_98 = tpu.memref_slice %arg6[%add3A_96, %dma_start3A_97] : memref<100x100xi32, #tpu.memory_space<vmem>> -> memref<1x100xi32, #tpu.memory_space<vmem>>
      %dma_start3A_99 = tpu.memref_squeeze %dma_start3A_98 : memref<1x100xi32, #tpu.memory_space<vmem>> -> memref<100xi32, #tpu.memory_space<vmem>>
      %dma_start3A_100 = arith.constant 0 : i32
      %dma_start3A_101 = arith.constant 0 : i32
      %dma_start3A_102 = tpu.memref_slice %arg3[%dma_start3A_100, %dma_start3A_101] : memref<10000x128xf32, #tpu.memory_space<hbm>> -> memref<10000x128xf32, #tpu.memory_space<hbm>>
      tpu.enqueue_indirect_dma source(%dma_start3A_102 : memref<10000x128xf32, #tpu.memory_space<hbm>>) target(%arg8 : memref<100x128xf32, #tpu.memory_space<vmem>>) offsets(%dma_start3A_99 : memref<100xi32, #tpu.memory_space<vmem>>) semaphore(%arg13 : memref<!tpu.dma_semaphore, #tpu.memory_space<semaphore_mem>>)
      %add3A_103 = arith.constant 1 : i32
      %add3A_104 = arith.addi %mul3A_80, %add3A_103 : i32
      %dma_wait3A_105 = arith.constant 0 : i32
      %dma_wait3A_106 = tpu.memref_slice %arg6[%add3A_104, %dma_wait3A_105] : memref<100x100xi32, #tpu.memory_space<vmem>> -> memref<1x100xi32, #tpu.memory_space<vmem>>
      %dma_wait3A_107 = tpu.memref_squeeze %dma_wait3A_106 : memref<1x100xi32, #tpu.memory_space<vmem>> -> memref<100xi32, #tpu.memory_space<vmem>>
      %dma_wait3A_108 = arith.constant 0 : i32
      %dma_wait3A_109 = arith.constant 0 : i32
      %dma_wait3A_110 = tpu.memref_slice %arg3[%dma_wait3A_108, %dma_wait3A_109] : memref<10000x128xf32, #tpu.memory_space<hbm>> -> memref<10000x128xf32, #tpu.memory_space<hbm>>
      tpu.wait_indirect_dma semaphore(%arg14 : memref<!tpu.dma_semaphore, #tpu.memory_space<semaphore_mem>>) src(%dma_wait3A_110 : memref<10000x128xf32, #tpu.memory_space<hbm>>) dst(%arg9 : memref<100x128xf32, #tpu.memory_space<vmem>>)
      %add3A_111 = arith.constant 1 : i32
      %add3A_112 = arith.addi %mul3A_80, %add3A_111 : i32
      "tpu.region"() ({
        %run_scoped3A_113 = tpu.sem_alloc : memref<!tpu.dma_semaphore, #tpu.memory_space<semaphore_mem>>
        %dma_start3A_114 = arith.constant 0 : i32
        %dma_start3A_115 = tpu.memref_slice %arg7[%add3A_112, %dma_start3A_114] : memref<100x100xi32, #tpu.memory_space<vmem>> -> memref<1x100xi32, #tpu.memory_space<vmem>>
        %dma_start3A_116 = tpu.memref_squeeze %dma_start3A_115 : memref<1x100xi32, #tpu.memory_space<vmem>> -> memref<100xi32, #tpu.memory_space<vmem>>
        %dma_start3A_117 = arith.constant 0 : i32
        %dma_start3A_118 = arith.constant 0 : i32
        %dma_start3A_119 = tpu.memref_slice %arg12[%dma_start3A_117, %dma_start3A_118] : memref<10112x128xf32, #tpu.memory_space<vmem_shared>> -> memref<10112x128xf32, #tpu.memory_space<vmem_shared>>
        tpu.enqueue_indirect_dma source(%arg9 : memref<100x128xf32, #tpu.memory_space<vmem>>) target(%dma_start3A_119 : memref<10112x128xf32, #tpu.memory_space<vmem_shared>>) offsets(%dma_start3A_116 : memref<100xi32, #tpu.memory_space<vmem>>) semaphore(%run_scoped3A_113 : memref<!tpu.dma_semaphore, #tpu.memory_space<semaphore_mem>>) {add = true}
        %dma_wait3A_120 = arith.constant 0 : i32
        %dma_wait3A_121 = tpu.memref_slice %arg7[%add3A_112, %dma_wait3A_120] : memref<100x100xi32, #tpu.memory_space<vmem>> -> memref<1x100xi32, #tpu.memory_space<vmem>>
        %dma_wait3A_122 = tpu.memref_squeeze %dma_wait3A_121 : memref<1x100xi32, #tpu.memory_space<vmem>> -> memref<100xi32, #tpu.memory_space<vmem>>
        %dma_wait3A_123 = arith.constant 0 : i32
        %dma_wait3A_124 = arith.constant 0 : i32
        %dma_wait3A_125 = tpu.memref_slice %arg12[%dma_wait3A_123, %dma_wait3A_124] : memref<10112x128xf32, #tpu.memory_space<vmem_shared>> -> memref<10112x128xf32, #tpu.memory_space<vmem_shared>>
        tpu.wait_indirect_dma semaphore(%run_scoped3A_113 : memref<!tpu.dma_semaphore, #tpu.memory_space<semaphore_mem>>) src(%arg9 : memref<100x128xf32, #tpu.memory_space<vmem>>) dst(%dma_wait3A_125 : memref<10112x128xf32, #tpu.memory_space<vmem_shared>>)
        tpu.yield
      }) : () -> ()
    }
    %scan3A_50 = arith.constant 49 : i32
    %dma_start3A_51 = arith.constant 99 : i32
    %dma_start3A_52 = arith.constant 0 : i32
    %dma_start3A_53 = tpu.memref_slice %arg6[%dma_start3A_51, %dma_start3A_52] : memref<100x100xi32, #tpu.memory_space<vmem>> -> memref<1x100xi32, #tpu.memory_space<vmem>>
    %dma_start3A_54 = tpu.memref_squeeze %dma_start3A_53 : memref<1x100xi32, #tpu.memory_space<vmem>> -> memref<100xi32, #tpu.memory_space<vmem>>
    %dma_start3A_55 = arith.constant 0 : i32
    %dma_start3A_56 = arith.constant 0 : i32
    %dma_start3A_57 = tpu.memref_slice %arg3[%dma_start3A_55, %dma_start3A_56] : memref<10000x128xf32, #tpu.memory_space<hbm>> -> memref<10000x128xf32, #tpu.memory_space<hbm>>
    tpu.enqueue_indirect_dma source(%dma_start3A_57 : memref<10000x128xf32, #tpu.memory_space<hbm>>) target(%arg9 : memref<100x128xf32, #tpu.memory_space<vmem>>) offsets(%dma_start3A_54 : memref<100xi32, #tpu.memory_space<vmem>>) semaphore(%arg14 : memref<!tpu.dma_semaphore, #tpu.memory_space<semaphore_mem>>)
    %dma_wait3A_58 = arith.constant 98 : i32
    %dma_wait3A_59 = arith.constant 0 : i32
    %dma_wait3A_60 = tpu.memref_slice %arg6[%dma_wait3A_58, %dma_wait3A_59] : memref<100x100xi32, #tpu.memory_space<vmem>> -> memref<1x100xi32, #tpu.memory_space<vmem>>
    %dma_wait3A_61 = tpu.memref_squeeze %dma_wait3A_60 : memref<1x100xi32, #tpu.memory_space<vmem>> -> memref<100xi32, #tpu.memory_space<vmem>>
    %dma_wait3A_62 = arith.constant 0 : i32
    %dma_wait3A_63 = arith.constant 0 : i32
    %dma_wait3A_64 = tpu.memref_slice %arg3[%dma_wait3A_62, %dma_wait3A_63] : memref<10000x128xf32, #tpu.memory_space<hbm>> -> memref<10000x128xf32, #tpu.memory_space<hbm>>
    tpu.wait_indirect_dma semaphore(%arg13 : memref<!tpu.dma_semaphore, #tpu.memory_space<semaphore_mem>>) src(%dma_wait3A_64 : memref<10000x128xf32, #tpu.memory_space<hbm>>) dst(%arg8 : memref<100x128xf32, #tpu.memory_space<vmem>>)
    %run_scoped3A = arith.constant 98 : i32
    "tpu.region"() ({
      %run_scoped3A_78 = tpu.sem_alloc : memref<!tpu.dma_semaphore, #tpu.memory_space<semaphore_mem>>
      %dma_start3A_79 = arith.constant 0 : i32
      %dma_start3A_80 = tpu.memref_slice %arg7[%run_scoped3A, %dma_start3A_79] : memref<100x100xi32, #tpu.memory_space<vmem>> -> memref<1x100xi32, #tpu.memory_space<vmem>>
      %dma_start3A_81 = tpu.memref_squeeze %dma_start3A_80 : memref<1x100xi32, #tpu.memory_space<vmem>> -> memref<100xi32, #tpu.memory_space<vmem>>
      %dma_start3A_82 = arith.constant 0 : i32
      %dma_start3A_83 = arith.constant 0 : i32
      %dma_start3A_84 = tpu.memref_slice %arg12[%dma_start3A_82, %dma_start3A_83] : memref<10112x128xf32, #tpu.memory_space<vmem_shared>> -> memref<10112x128xf32, #tpu.memory_space<vmem_shared>>
      tpu.enqueue_indirect_dma source(%arg8 : memref<100x128xf32, #tpu.memory_space<vmem>>) target(%dma_start3A_84 : memref<10112x128xf32, #tpu.memory_space<vmem_shared>>) offsets(%dma_start3A_81 : memref<100xi32, #tpu.memory_space<vmem>>) semaphore(%run_scoped3A_78 : memref<!tpu.dma_semaphore, #tpu.memory_space<semaphore_mem>>) {add = true}
      %dma_wait3A_85 = arith.constant 0 : i32
      %dma_wait3A_86 = tpu.memref_slice %arg7[%run_scoped3A, %dma_wait3A_85] : memref<100x100xi32, #tpu.memory_space<vmem>> -> memref<1x100xi32, #tpu.memory_space<vmem>>
      %dma_wait3A_87 = tpu.memref_squeeze %dma_wait3A_86 : memref<1x100xi32, #tpu.memory_space<vmem>> -> memref<100xi32, #tpu.memory_space<vmem>>
      %dma_wait3A_88 = arith.constant 0 : i32
      %dma_wait3A_89 = arith.constant 0 : i32
      %dma_wait3A_90 = tpu.memref_slice %arg12[%dma_wait3A_88, %dma_wait3A_89] : memref<10112x128xf32, #tpu.memory_space<vmem_shared>> -> memref<10112x128xf32, #tpu.memory_space<vmem_shared>>
      tpu.wait_indirect_dma semaphore(%run_scoped3A_78 : memref<!tpu.dma_semaphore, #tpu.memory_space<semaphore_mem>>) src(%arg8 : memref<100x128xf32, #tpu.memory_space<vmem>>) dst(%dma_wait3A_90 : memref<10112x128xf32, #tpu.memory_space<vmem_shared>>)
      tpu.yield
    }) : () -> ()
    %dma_wait3A_65 = arith.constant 99 : i32
    %dma_wait3A_66 = arith.constant 0 : i32
    %dma_wait3A_67 = tpu.memref_slice %arg6[%dma_wait3A_65, %dma_wait3A_66] : memref<100x100xi32, #tpu.memory_space<vmem>> -> memref<1x100xi32, #tpu.memory_space<vmem>>
    %dma_wait3A_68 = tpu.memref_squeeze %dma_wait3A_67 : memref<1x100xi32, #tpu.memory_space<vmem>> -> memref<100xi32, #tpu.memory_space<vmem>>
    %dma_wait3A_69 = arith.constant 0 : i32
    %dma_wait3A_70 = arith.constant 0 : i32
    %dma_wait3A_71 = tpu.memref_slice %arg3[%dma_wait3A_69, %dma_wait3A_70] : memref<10000x128xf32, #tpu.memory_space<hbm>> -> memref<10000x128xf32, #tpu.memory_space<hbm>>
    tpu.wait_indirect_dma semaphore(%arg14 : memref<!tpu.dma_semaphore, #tpu.memory_space<semaphore_mem>>) src(%dma_wait3A_71 : memref<10000x128xf32, #tpu.memory_space<hbm>>) dst(%arg9 : memref<100x128xf32, #tpu.memory_space<vmem>>)
    %run_scoped3A_72 = arith.constant 99 : i32
    "tpu.region"() ({
      %run_scoped3A_78 = tpu.sem_alloc : memref<!tpu.dma_semaphore, #tpu.memory_space<semaphore_mem>>
      %dma_start3A_79 = arith.constant 0 : i32
      %dma_start3A_80 = tpu.memref_slice %arg7[%run_scoped3A_72, %dma_start3A_79] : memref<100x100xi32, #tpu.memory_space<vmem>> -> memref<1x100xi32, #tpu.memory_space<vmem>>
      %dma_start3A_81 = tpu.memref_squeeze %dma_start3A_80 : memref<1x100xi32, #tpu.memory_space<vmem>> -> memref<100xi32, #tpu.memory_space<vmem>>
      %dma_start3A_82 = arith.constant 0 : i32
      %dma_start3A_83 = arith.constant 0 : i32
      %dma_start3A_84 = tpu.memref_slice %arg12[%dma_start3A_82, %dma_start3A_83] : memref<10112x128xf32, #tpu.memory_space<vmem_shared>> -> memref<10112x128xf32, #tpu.memory_space<vmem_shared>>
      tpu.enqueue_indirect_dma source(%arg9 : memref<100x128xf32, #tpu.memory_space<vmem>>) target(%dma_start3A_84 : memref<10112x128xf32, #tpu.memory_space<vmem_shared>>) offsets(%dma_start3A_81 : memref<100xi32, #tpu.memory_space<vmem>>) semaphore(%run_scoped3A_78 : memref<!tpu.dma_semaphore, #tpu.memory_space<semaphore_mem>>) {add = true}
      %dma_wait3A_85 = arith.constant 0 : i32
      %dma_wait3A_86 = tpu.memref_slice %arg7[%run_scoped3A_72, %dma_wait3A_85] : memref<100x100xi32, #tpu.memory_space<vmem>> -> memref<1x100xi32, #tpu.memory_space<vmem>>
      %dma_wait3A_87 = tpu.memref_squeeze %dma_wait3A_86 : memref<1x100xi32, #tpu.memory_space<vmem>> -> memref<100xi32, #tpu.memory_space<vmem>>
      %dma_wait3A_88 = arith.constant 0 : i32
      %dma_wait3A_89 = arith.constant 0 : i32
      %dma_wait3A_90 = tpu.memref_slice %arg12[%dma_wait3A_88, %dma_wait3A_89] : memref<10112x128xf32, #tpu.memory_space<vmem_shared>> -> memref<10112x128xf32, #tpu.memory_space<vmem_shared>>
      tpu.wait_indirect_dma semaphore(%run_scoped3A_78 : memref<!tpu.dma_semaphore, #tpu.memory_space<semaphore_mem>>) src(%arg9 : memref<100x128xf32, #tpu.memory_space<vmem>>) dst(%dma_wait3A_90 : memref<10112x128xf32, #tpu.memory_space<vmem_shared>>)
      tpu.yield
    }) : () -> ()
    %barrier3A_73 = arith.constant 0 : index
    tpu.barrier barrier_id(%barrier3A_73)
    %mul3A_74 = arith.constant 632 : i32
    %mul3A_75 = arith.muli %arg1, %mul3A_74 : i32
    %mul3A_76 = arith.constant 632 : i32
    %mul3A_77 = arith.muli %arg1, %mul3A_76 : i32
    "tpu.region"() ({
      %run_scoped3A_78 = tpu.sem_alloc : memref<!tpu.dma_semaphore, #tpu.memory_space<semaphore_mem>>
      %dma_start3A_79 = arith.constant 0 : i32
      %dma_start3A_80 = tpu.memref_slice %arg5[%arg0, %mul3A_77, %dma_start3A_79] : memref<2x10112x128xf32, #tpu.memory_space<hbm>> -> memref<1x632x128xf32, #tpu.memory_space<hbm>>
      %dma_start3A_81 = tpu.memref_squeeze %dma_start3A_80 : memref<1x632x128xf32, #tpu.memory_space<hbm>> -> memref<632x128xf32, #tpu.memory_space<hbm>>
      %dma_start3A_82 = arith.constant 0 : i32
      %dma_start3A_83 = tpu.memref_slice %arg12[%mul3A_75, %dma_start3A_82] : memref<10112x128xf32, #tpu.memory_space<vmem_shared>> -> memref<632x128xf32, #tpu.memory_space<vmem_shared>>
      tpu.enqueue_dma source(%dma_start3A_83 : memref<632x128xf32, #tpu.memory_space<vmem_shared>>) target(%dma_start3A_81 : memref<632x128xf32, #tpu.memory_space<hbm>>) target_semaphore(%run_scoped3A_78 : memref<!tpu.dma_semaphore, #tpu.memory_space<semaphore_mem>>)
      %dma_wait3A_84 = arith.constant 0 : i32
      %dma_wait3A_85 = tpu.memref_slice %arg5[%arg0, %mul3A_77, %dma_wait3A_84] : memref<2x10112x128xf32, #tpu.memory_space<hbm>> -> memref<1x632x128xf32, #tpu.memory_space<hbm>>
      %dma_wait3A_86 = tpu.memref_squeeze %dma_wait3A_85 : memref<1x632x128xf32, #tpu.memory_space<hbm>> -> memref<632x128xf32, #tpu.memory_space<hbm>>
      %dma_wait3A_87 = arith.constant 0 : i32
      %dma_wait3A_88 = tpu.memref_slice %arg12[%mul3A_75, %dma_wait3A_87] : memref<10112x128xf32, #tpu.memory_space<vmem_shared>> -> memref<632x128xf32, #tpu.memory_space<vmem_shared>>
      tpu.wait_dma2 semaphore(%run_scoped3A_78 : memref<!tpu.dma_semaphore, #tpu.memory_space<semaphore_mem>>) src(%dma_wait3A_88 : memref<632x128xf32, #tpu.memory_space<vmem_shared>>) dst(%dma_wait3A_86 : memref<632x128xf32, #tpu.memory_space<hbm>>)
      tpu.yield
    }) : () -> ()
    return
  }
}

#map = affine_map<(d0, d1) -> (0, 0, 0, 0)>
#map1 = affine_map<(d0, d1) -> (0, 0)>
#map2 = affine_map<(d0, d1) -> (0, 0, 0)>
module attributes {stable_mosaic.version = 14 : i64} {
  func.func @body(%arg0: i32, %arg1: i32, %arg2: memref<2x32x100x100xi32, #tpu.memory_space<hbm>>, %arg3: memref<10000x128xf32, #tpu.memory_space<hbm>>, %arg4: memref<10112x128xf32, #tpu.memory_space<hbm>>, %arg5: memref<2x10112x128xf32, #tpu.memory_space<hbm>>, %arg6: memref<100x100xi32, #tpu.memory_space<vmem>>, %arg7: memref<100x100xi32, #tpu.memory_space<vmem>>, %arg8: memref<100x128xf32, #tpu.memory_space<vmem>>, %arg9: memref<100x128xf32, #tpu.memory_space<vmem>>, %arg10: memref<8x128xf32, #tpu.memory_space<vmem>>, %arg11: memref<8x128xf32, #tpu.memory_space<vmem>>, %arg12: memref<10112x128xf32, #tpu.memory_space<vmem_shared>>, %arg13: memref<!tpu.dma_semaphore, #tpu.memory_space<semaphore_mem>>, %arg14: memref<!tpu.dma_semaphore, #tpu.memory_space<semaphore_mem>>, %arg15: memref<!tpu.dma_semaphore, #tpu.memory_space<semaphore_mem>>, %arg16: memref<!tpu.dma_semaphore, #tpu.memory_space<semaphore_mem>>, %arg17: memref<!tpu.dma_semaphore, #tpu.memory_space<semaphore_mem>>, %arg18: memref<!tpu.dma_semaphore, #tpu.memory_space<semaphore_mem>>, %arg19: memref<!tpu.dma_semaphore, #tpu.memory_space<semaphore_mem>>, %arg20: memref<!tpu.dma_semaphore, #tpu.memory_space<semaphore_mem>>, %arg21: memref<!tpu.dma_semaphore, #tpu.memory_space<semaphore_mem>>) attributes {dimension_semantics = [#tpu.dimension_semantics<core_parallel>, #tpu.dimension_semantics<subcore_parallel>], iteration_bounds = array<i64: 2, 16>, scalar_prefetch = 0 : i64, scratch_operands = 16 : i64, tpu.core_type = #tpu.core_type<sc_vector_subcore>, window_params = [{transform_indices = #map}, {transform_indices = #map1}, {transform_indices = #map1}, {transform_indices = #map2}]} {
    %mul3A = arith.constant 2 : i32
    %mul3A_0 = arith.muli %arg1, %mul3A : i32
    %add3A = arith.addi %mul3A_0, %arg0 : i32
    %dma_start3A = arith.constant 1 : i32
    %dma_start3A_1 = arith.constant 0 : i32
    %dma_start3A_2 = arith.constant 0 : i32
    %dma_start3A_3 = tpu.memref_slice %arg2[%dma_start3A, %add3A, %dma_start3A_1, %dma_start3A_2] : memref<2x32x100x100xi32, #tpu.memory_space<hbm>> -> memref<1x1x100x100xi32, #tpu.memory_space<hbm>>
    %dma_start3A_4 = tpu.memref_squeeze %dma_start3A_3 : memref<1x1x100x100xi32, #tpu.memory_space<hbm>> -> memref<100x100xi32, #tpu.memory_space<hbm>>
    %dma_start3A_5 = arith.constant 0 : i32
    %dma_start3A_6 = arith.constant 0 : i32
    %dma_start3A_7 = tpu.memref_slice %arg2[%dma_start3A, %add3A, %dma_start3A_5, %dma_start3A_6] : memref<2x32x100x100xi32, #tpu.memory_space<hbm>> -> memref<1x1x100x100xi32, #tpu.memory_space<hbm>>
    %dma_start3A_8 = tpu.memref_squeeze %dma_start3A_7 : memref<1x1x100x100xi32, #tpu.memory_space<hbm>> -> memref<100x100xi32, #tpu.memory_space<hbm>>
    tpu.enqueue_dma source(%dma_start3A_8 : memref<100x100xi32, #tpu.memory_space<hbm>>) target(%arg7 : memref<100x100xi32, #tpu.memory_space<vmem>>) target_semaphore(%arg21 : memref<!tpu.dma_semaphore, #tpu.memory_space<semaphore_mem>>)
    %dma_start3A_9 = arith.constant 0 : i32
    %dma_start3A_10 = arith.constant 0 : i32
    %dma_start3A_11 = arith.constant 0 : i32
    %dma_start3A_12 = tpu.memref_slice %arg2[%dma_start3A_9, %add3A, %dma_start3A_10, %dma_start3A_11] : memref<2x32x100x100xi32, #tpu.memory_space<hbm>> -> memref<1x1x100x100xi32, #tpu.memory_space<hbm>>
    %dma_start3A_13 = tpu.memref_squeeze %dma_start3A_12 : memref<1x1x100x100xi32, #tpu.memory_space<hbm>> -> memref<100x100xi32, #tpu.memory_space<hbm>>
    %dma_start3A_14 = arith.constant 0 : i32
    %dma_start3A_15 = arith.constant 0 : i32
    %dma_start3A_16 = tpu.memref_slice %arg2[%dma_start3A_9, %add3A, %dma_start3A_14, %dma_start3A_15] : memref<2x32x100x100xi32, #tpu.memory_space<hbm>> -> memref<1x1x100x100xi32, #tpu.memory_space<hbm>>
    %dma_start3A_17 = tpu.memref_squeeze %dma_start3A_16 : memref<1x1x100x100xi32, #tpu.memory_space<hbm>> -> memref<100x100xi32, #tpu.memory_space<hbm>>
    tpu.enqueue_dma source(%dma_start3A_17 : memref<100x100xi32, #tpu.memory_space<hbm>>) target(%arg6 : memref<100x100xi32, #tpu.memory_space<vmem>>) target_semaphore(%arg21 : memref<!tpu.dma_semaphore, #tpu.memory_space<semaphore_mem>>)
    %mul3A_18 = arith.constant 632 : i32
    %mul3A_19 = arith.muli %arg1, %mul3A_18 : i32
    %mul3A_20 = arith.constant 632 : i32
    %mul3A_21 = arith.muli %arg1, %mul3A_20 : i32
    "tpu.region"() ({
      %run_scoped3A_78 = tpu.sem_alloc : memref<!tpu.dma_semaphore, #tpu.memory_space<semaphore_mem>>
      %dma_start3A_79 = arith.constant 0 : i32
      %dma_start3A_80 = tpu.memref_slice %arg12[%mul3A_21, %dma_start3A_79] : memref<10112x128xf32, #tpu.memory_space<vmem_shared>> -> memref<632x128xf32, #tpu.memory_space<vmem_shared>>
      %dma_start3A_81 = arith.constant 0 : i32
      %dma_start3A_82 = tpu.memref_slice %arg4[%mul3A_19, %dma_start3A_81] : memref<10112x128xf32, #tpu.memory_space<hbm>> -> memref<632x128xf32, #tpu.memory_space<hbm>>
      tpu.enqueue_dma source(%dma_start3A_82 : memref<632x128xf32, #tpu.memory_space<hbm>>) target(%dma_start3A_80 : memref<632x128xf32, #tpu.memory_space<vmem_shared>>) target_semaphore(%run_scoped3A_78 : memref<!tpu.dma_semaphore, #tpu.memory_space<semaphore_mem>>)
      %dma_wait3A_83 = arith.constant 0 : i32
      %dma_wait3A_84 = tpu.memref_slice %arg12[%mul3A_21, %dma_wait3A_83] : memref<10112x128xf32, #tpu.memory_space<vmem_shared>> -> memref<632x128xf32, #tpu.memory_space<vmem_shared>>
      %dma_wait3A_85 = arith.constant 0 : i32
      %dma_wait3A_86 = tpu.memref_slice %arg4[%mul3A_19, %dma_wait3A_85] : memref<10112x128xf32, #tpu.memory_space<hbm>> -> memref<632x128xf32, #tpu.memory_space<hbm>>
      tpu.wait_dma2 semaphore(%run_scoped3A_78 : memref<!tpu.dma_semaphore, #tpu.memory_space<semaphore_mem>>) src(%dma_wait3A_86 : memref<632x128xf32, #tpu.memory_space<hbm>>) dst(%dma_wait3A_84 : memref<632x128xf32, #tpu.memory_space<vmem_shared>>)
      tpu.yield
    }) : () -> ()
    %dma_wait3A = arith.constant 1 : i32
    %dma_wait3A_22 = arith.constant 0 : i32
    %dma_wait3A_23 = arith.constant 0 : i32
    %dma_wait3A_24 = tpu.memref_slice %arg2[%dma_wait3A, %add3A, %dma_wait3A_22, %dma_wait3A_23] : memref<2x32x100x100xi32, #tpu.memory_space<hbm>> -> memref<1x1x100x100xi32, #tpu.memory_space<hbm>>
    %dma_wait3A_25 = tpu.memref_squeeze %dma_wait3A_24 : memref<1x1x100x100xi32, #tpu.memory_space<hbm>> -> memref<100x100xi32, #tpu.memory_space<hbm>>
    %dma_wait3A_26 = arith.constant 0 : i32
    %dma_wait3A_27 = arith.constant 0 : i32
    %dma_wait3A_28 = tpu.memref_slice %arg2[%dma_wait3A, %add3A, %dma_wait3A_26, %dma_wait3A_27] : memref<2x32x100x100xi32, #tpu.memory_space<hbm>> -> memref<1x1x100x100xi32, #tpu.memory_space<hbm>>
    %dma_wait3A_29 = tpu.memref_squeeze %dma_wait3A_28 : memref<1x1x100x100xi32, #tpu.memory_space<hbm>> -> memref<100x100xi32, #tpu.memory_space<hbm>>
    tpu.wait_dma2 semaphore(%arg21 : memref<!tpu.dma_semaphore, #tpu.memory_space<semaphore_mem>>) src(%dma_wait3A_29 : memref<100x100xi32, #tpu.memory_space<hbm>>) dst(%arg7 : memref<100x100xi32, #tpu.memory_space<vmem>>)
    %dma_wait3A_30 = arith.constant 0 : i32
    %dma_wait3A_31 = arith.constant 0 : i32
    %dma_wait3A_32 = arith.constant 0 : i32
    %dma_wait3A_33 = tpu.memref_slice %arg2[%dma_wait3A_30, %add3A, %dma_wait3A_31, %dma_wait3A_32] : memref<2x32x100x100xi32, #tpu.memory_space<hbm>> -> memref<1x1x100x100xi32, #tpu.memory_space<hbm>>
    %dma_wait3A_34 = tpu.memref_squeeze %dma_wait3A_33 : memref<1x1x100x100xi32, #tpu.memory_space<hbm>> -> memref<100x100xi32, #tpu.memory_space<hbm>>
    %dma_wait3A_35 = arith.constant 0 : i32
    %dma_wait3A_36 = arith.constant 0 : i32
    %dma_wait3A_37 = tpu.memref_slice %arg2[%dma_wait3A_30, %add3A, %dma_wait3A_35, %dma_wait3A_36] : memref<2x32x100x100xi32, #tpu.memory_space<hbm>> -> memref<1x1x100x100xi32, #tpu.memory_space<hbm>>
    %dma_wait3A_38 = tpu.memref_squeeze %dma_wait3A_37 : memref<1x1x100x100xi32, #tpu.memory_space<hbm>> -> memref<100x100xi32, #tpu.memory_space<hbm>>
    tpu.wait_dma2 semaphore(%arg21 : memref<!tpu.dma_semaphore, #tpu.memory_space<semaphore_mem>>) src(%dma_wait3A_38 : memref<100x100xi32, #tpu.memory_space<hbm>>) dst(%arg6 : memref<100x100xi32, #tpu.memory_space<vmem>>)
    %barrier3A = arith.constant 0 : index
    tpu.barrier barrier_id(%barrier3A)
    %dma_start3A_39 = arith.constant 0 : i32
    %dma_start3A_40 = arith.constant 0 : i32
    %dma_start3A_41 = tpu.memref_slice %arg6[%dma_start3A_39, %dma_start3A_40] : memref<100x100xi32, #tpu.memory_space<vmem>> -> memref<1x100xi32, #tpu.memory_space<vmem>>
    %dma_start3A_42 = tpu.memref_squeeze %dma_start3A_41 : memref<1x100xi32, #tpu.memory_space<vmem>> -> memref<100xi32, #tpu.memory_space<vmem>>
    %dma_start3A_43 = arith.constant 0 : i32
    %dma_start3A_44 = arith.constant 0 : i32
    %dma_start3A_45 = tpu.memref_slice %arg3[%dma_start3A_43, %dma_start3A_44] : memref<10000x128xf32, #tpu.memory_space<hbm>> -> memref<10000x128xf32, #tpu.memory_space<hbm>>
    tpu.enqueue_indirect_dma source(%dma_start3A_45 : memref<10000x128xf32, #tpu.memory_space<hbm>>) target(%arg8 : memref<100x128xf32, #tpu.memory_space<vmem>>) offsets(%dma_start3A_42 : memref<100xi32, #tpu.memory_space<vmem>>) semaphore(%arg13 : memref<!tpu.dma_semaphore, #tpu.memory_space<semaphore_mem>>)
    %scan3A = arith.constant 0 : i32
    %scan3A_46 = arith.constant 0 : i32
    %scan3A_47 = arith.constant 49 : i32
    %scan3A_48 = arith.addi %scan3A_46, %scan3A_47 : i32
    %scan3A_49 = arith.constant 1 : i32
    scf.for %scan3A_78 = %scan3A_46 to %scan3A_48 step %scan3A_49  : i32 {
      %mul3A_79 = arith.constant 2 : i32
      %mul3A_80 = arith.muli %mul3A_79, %scan3A_78 : i32
      %add3A_81 = arith.constant 1 : i32
      %add3A_82 = arith.addi %mul3A_80, %add3A_81 : i32
      %dma_start3A_83 = arith.constant 0 : i32
      %dma_start3A_84 = tpu.memref_slice %arg6[%add3A_82, %dma_start3A_83] : memref<100x100xi32, #tpu.memory_space<vmem>> -> memref<1x100xi32, #tpu.memory_space<vmem>>
      %dma_start3A_85 = tpu.memref_squeeze %dma_start3A_84 : memref<1x100xi32, #tpu.memory_space<vmem>> -> memref<100xi32, #tpu.memory_space<vmem>>
      %dma_start3A_86 = arith.constant 0 : i32
      %dma_start3A_87 = arith.constant 0 : i32
      %dma_start3A_88 = tpu.memref_slice %arg3[%dma_start3A_86, %dma_start3A_87] : memref<10000x128xf32, #tpu.memory_space<hbm>> -> memref<10000x128xf32, #tpu.memory_space<hbm>>
      tpu.enqueue_indirect_dma source(%dma_start3A_88 : memref<10000x128xf32, #tpu.memory_space<hbm>>) target(%arg9 : memref<100x128xf32, #tpu.memory_space<vmem>>) offsets(%dma_start3A_85 : memref<100xi32, #tpu.memory_space<vmem>>) semaphore(%arg14 : memref<!tpu.dma_semaphore, #tpu.memory_space<semaphore_mem>>)
      %dma_wait3A_89 = arith.constant 0 : i32
      %dma_wait3A_90 = tpu.memref_slice %arg6[%mul3A_80, %dma_wait3A_89] : memref<100x100xi32, #tpu.memory_space<vmem>> -> memref<1x100xi32, #tpu.memory_space<vmem>>
      %dma_wait3A_91 = tpu.memref_squeeze %dma_wait3A_90 : memref<1x100xi32, #tpu.memory_space<vmem>> -> memref<100xi32, #tpu.memory_space<vmem>>
      %dma_wait3A_92 = arith.constant 0 : i32
      %dma_wait3A_93 = arith.constant 0 : i32
      %dma_wait3A_94 = tpu.memref_slice %arg3[%dma_wait3A_92, %dma_wait3A_93] : memref<10000x128xf32, #tpu.memory_space<hbm>> -> memref<10000x128xf32, #tpu.memory_space<hbm>>
      tpu.wait_indirect_dma semaphore(%arg13 : memref<!tpu.dma_semaphore, #tpu.memory_space<semaphore_mem>>) src(%dma_wait3A_94 : memref<10000x128xf32, #tpu.memory_space<hbm>>) dst(%arg8 : memref<100x128xf32, #tpu.memory_space<vmem>>)
      "tpu.region"() ({
        %run_scoped3A_113 = tpu.sem_alloc : memref<!tpu.dma_semaphore, #tpu.memory_space<semaphore_mem>>
        %dma_start3A_114 = arith.constant 0 : i32
        %dma_start3A_115 = tpu.memref_slice %arg7[%mul3A_80, %dma_start3A_114] : memref<100x100xi32, #tpu.memory_space<vmem>> -> memref<1x100xi32, #tpu.memory_space<vmem>>
        %dma_start3A_116 = tpu.memref_squeeze %dma_start3A_115 : memref<1x100xi32, #tpu.memory_space<vmem>> -> memref<100xi32, #tpu.memory_space<vmem>>
        %dma_start3A_117 = arith.constant 0 : i32
        %dma_start3A_118 = arith.constant 0 : i32
        %dma_start3A_119 = tpu.memref_slice %arg12[%dma_start3A_117, %dma_start3A_118] : memref<10112x128xf32, #tpu.memory_space<vmem_shared>> -> memref<10112x128xf32, #tpu.memory_space<vmem_shared>>
        tpu.enqueue_indirect_dma source(%arg8 : memref<100x128xf32, #tpu.memory_space<vmem>>) target(%dma_start3A_119 : memref<10112x128xf32, #tpu.memory_space<vmem_shared>>) offsets(%dma_start3A_116 : memref<100xi32, #tpu.memory_space<vmem>>) semaphore(%run_scoped3A_113 : memref<!tpu.dma_semaphore, #tpu.memory_space<semaphore_mem>>) {add = true}
        %dma_wait3A_120 = arith.constant 0 : i32
        %dma_wait3A_121 = tpu.memref_slice %arg7[%mul3A_80, %dma_wait3A_120] : memref<100x100xi32, #tpu.memory_space<vmem>> -> memref<1x100xi32, #tpu.memory_space<vmem>>
        %dma_wait3A_122 = tpu.memref_squeeze %dma_wait3A_121 : memref<1x100xi32, #tpu.memory_space<vmem>> -> memref<100xi32, #tpu.memory_space<vmem>>
        %dma_wait3A_123 = arith.constant 0 : i32
        %dma_wait3A_124 = arith.constant 0 : i32
        %dma_wait3A_125 = tpu.memref_slice %arg12[%dma_wait3A_123, %dma_wait3A_124] : memref<10112x128xf32, #tpu.memory_space<vmem_shared>> -> memref<10112x128xf32, #tpu.memory_space<vmem_shared>>
        tpu.wait_indirect_dma semaphore(%run_scoped3A_113 : memref<!tpu.dma_semaphore, #tpu.memory_space<semaphore_mem>>) src(%arg8 : memref<100x128xf32, #tpu.memory_space<vmem>>) dst(%dma_wait3A_125 : memref<10112x128xf32, #tpu.memory_space<vmem_shared>>)
        tpu.yield
      }) : () -> ()
      %add3A_95 = arith.constant 2 : i32
      %add3A_96 = arith.addi %mul3A_80, %add3A_95 : i32
      %dma_start3A_97 = arith.constant 0 : i32
      %dma_start3A_98 = tpu.memref_slice %arg6[%add3A_96, %dma_start3A_97] : memref<100x100xi32, #tpu.memory_space<vmem>> -> memref<1x100xi32, #tpu.memory_space<vmem>>
      %dma_start3A_99 = tpu.memref_squeeze %dma_start3A_98 : memref<1x100xi32, #tpu.memory_space<vmem>> -> memref<100xi32, #tpu.memory_space<vmem>>
      %dma_start3A_100 = arith.constant 0 : i32
      %dma_start3A_101 = arith.constant 0 : i32
      %dma_start3A_102 = tpu.memref_slice %arg3[%dma_start3A_100, %dma_start3A_101] : memref<10000x128xf32, #tpu.memory_space<hbm>> -> memref<10000x128xf32, #tpu.memory_space<hbm>>
      tpu.enqueue_indirect_dma source(%dma_start3A_102 : memref<10000x128xf32, #tpu.memory_space<hbm>>) target(%arg8 : memref<100x128xf32, #tpu.memory_space<vmem>>) offsets(%dma_start3A_99 : memref<100xi32, #tpu.memory_space<vmem>>) semaphore(%arg13 : memref<!tpu.dma_semaphore, #tpu.memory_space<semaphore_mem>>)
      %add3A_103 = arith.constant 1 : i32
      %add3A_104 = arith.addi %mul3A_80, %add3A_103 : i32
      %dma_wait3A_105 = arith.constant 0 : i32
      %dma_wait3A_106 = tpu.memref_slice %arg6[%add3A_104, %dma_wait3A_105] : memref<100x100xi32, #tpu.memory_space<vmem>> -> memref<1x100xi32, #tpu.memory_space<vmem>>
      %dma_wait3A_107 = tpu.memref_squeeze %dma_wait3A_106 : memref<1x100xi32, #tpu.memory_space<vmem>> -> memref<100xi32, #tpu.memory_space<vmem>>
      %dma_wait3A_108 = arith.constant 0 : i32
      %dma_wait3A_109 = arith.constant 0 : i32
      %dma_wait3A_110 = tpu.memref_slice %arg3[%dma_wait3A_108, %dma_wait3A_109] : memref<10000x128xf32, #tpu.memory_space<hbm>> -> memref<10000x128xf32, #tpu.memory_space<hbm>>
      tpu.wait_indirect_dma semaphore(%arg14 : memref<!tpu.dma_semaphore, #tpu.memory_space<semaphore_mem>>) src(%dma_wait3A_110 : memref<10000x128xf32, #tpu.memory_space<hbm>>) dst(%arg9 : memref<100x128xf32, #tpu.memory_space<vmem>>)
      %add3A_111 = arith.constant 1 : i32
      %add3A_112 = arith.addi %mul3A_80, %add3A_111 : i32
      "tpu.region"() ({
        %run_scoped3A_113 = tpu.sem_alloc : memref<!tpu.dma_semaphore, #tpu.memory_space<semaphore_mem>>
        %dma_start3A_114 = arith.constant 0 : i32
        %dma_start3A_115 = tpu.memref_slice %arg7[%add3A_112, %dma_start3A_114] : memref<100x100xi32, #tpu.memory_space<vmem>> -> memref<1x100xi32, #tpu.memory_space<vmem>>
        %dma_start3A_116 = tpu.memref_squeeze %dma_start3A_115 : memref<1x100xi32, #tpu.memory_space<vmem>> -> memref<100xi32, #tpu.memory_space<vmem>>
        %dma_start3A_117 = arith.constant 0 : i32
        %dma_start3A_118 = arith.constant 0 : i32
        %dma_start3A_119 = tpu.memref_slice %arg12[%dma_start3A_117, %dma_start3A_118] : memref<10112x128xf32, #tpu.memory_space<vmem_shared>> -> memref<10112x128xf32, #tpu.memory_space<vmem_shared>>
        tpu.enqueue_indirect_dma source(%arg9 : memref<100x128xf32, #tpu.memory_space<vmem>>) target(%dma_start3A_119 : memref<10112x128xf32, #tpu.memory_space<vmem_shared>>) offsets(%dma_start3A_116 : memref<100xi32, #tpu.memory_space<vmem>>) semaphore(%run_scoped3A_113 : memref<!tpu.dma_semaphore, #tpu.memory_space<semaphore_mem>>) {add = true}
        %dma_wait3A_120 = arith.constant 0 : i32
        %dma_wait3A_121 = tpu.memref_slice %arg7[%add3A_112, %dma_wait3A_120] : memref<100x100xi32, #tpu.memory_space<vmem>> -> memref<1x100xi32, #tpu.memory_space<vmem>>
        %dma_wait3A_122 = tpu.memref_squeeze %dma_wait3A_121 : memref<1x100xi32, #tpu.memory_space<vmem>> -> memref<100xi32, #tpu.memory_space<vmem>>
        %dma_wait3A_123 = arith.constant 0 : i32
        %dma_wait3A_124 = arith.constant 0 : i32
        %dma_wait3A_125 = tpu.memref_slice %arg12[%dma_wait3A_123, %dma_wait3A_124] : memref<10112x128xf32, #tpu.memory_space<vmem_shared>> -> memref<10112x128xf32, #tpu.memory_space<vmem_shared>>
        tpu.wait_indirect_dma semaphore(%run_scoped3A_113 : memref<!tpu.dma_semaphore, #tpu.memory_space<semaphore_mem>>) src(%arg9 : memref<100x128xf32, #tpu.memory_space<vmem>>) dst(%dma_wait3A_125 : memref<10112x128xf32, #tpu.memory_space<vmem_shared>>)
        tpu.yield
      }) : () -> ()
    }
    %scan3A_50 = arith.constant 49 : i32
    %dma_start3A_51 = arith.constant 99 : i32
    %dma_start3A_52 = arith.constant 0 : i32
    %dma_start3A_53 = tpu.memref_slice %arg6[%dma_start3A_51, %dma_start3A_52] : memref<100x100xi32, #tpu.memory_space<vmem>> -> memref<1x100xi32, #tpu.memory_space<vmem>>
    %dma_start3A_54 = tpu.memref_squeeze %dma_start3A_53 : memref<1x100xi32, #tpu.memory_space<vmem>> -> memref<100xi32, #tpu.memory_space<vmem>>
    %dma_start3A_55 = arith.constant 0 : i32
    %dma_start3A_56 = arith.constant 0 : i32
    %dma_start3A_57 = tpu.memref_slice %arg3[%dma_start3A_55, %dma_start3A_56] : memref<10000x128xf32, #tpu.memory_space<hbm>> -> memref<10000x128xf32, #tpu.memory_space<hbm>>
    tpu.enqueue_indirect_dma source(%dma_start3A_57 : memref<10000x128xf32, #tpu.memory_space<hbm>>) target(%arg9 : memref<100x128xf32, #tpu.memory_space<vmem>>) offsets(%dma_start3A_54 : memref<100xi32, #tpu.memory_space<vmem>>) semaphore(%arg14 : memref<!tpu.dma_semaphore, #tpu.memory_space<semaphore_mem>>)
    %dma_wait3A_58 = arith.constant 98 : i32
    %dma_wait3A_59 = arith.constant 0 : i32
    %dma_wait3A_60 = tpu.memref_slice %arg6[%dma_wait3A_58, %dma_wait3A_59] : memref<100x100xi32, #tpu.memory_space<vmem>> -> memref<1x100xi32, #tpu.memory_space<vmem>>
    %dma_wait3A_61 = tpu.memref_squeeze %dma_wait3A_60 : memref<1x100xi32, #tpu.memory_space<vmem>> -> memref<100xi32, #tpu.memory_space<vmem>>
    %dma_wait3A_62 = arith.constant 0 : i32
    %dma_wait3A_63 = arith.constant 0 : i32
    %dma_wait3A_64 = tpu.memref_slice %arg3[%dma_wait3A_62, %dma_wait3A_63] : memref<10000x128xf32, #tpu.memory_space<hbm>> -> memref<10000x128xf32, #tpu.memory_space<hbm>>
    tpu.wait_indirect_dma semaphore(%arg13 : memref<!tpu.dma_semaphore, #tpu.memory_space<semaphore_mem>>) src(%dma_wait3A_64 : memref<10000x128xf32, #tpu.memory_space<hbm>>) dst(%arg8 : memref<100x128xf32, #tpu.memory_space<vmem>>)
    %run_scoped3A = arith.constant 98 : i32
    "tpu.region"() ({
      %run_scoped3A_78 = tpu.sem_alloc : memref<!tpu.dma_semaphore, #tpu.memory_space<semaphore_mem>>
      %dma_start3A_79 = arith.constant 0 : i32
      %dma_start3A_80 = tpu.memref_slice %arg7[%run_scoped3A, %dma_start3A_79] : memref<100x100xi32, #tpu.memory_space<vmem>> -> memref<1x100xi32, #tpu.memory_space<vmem>>
      %dma_start3A_81 = tpu.memref_squeeze %dma_start3A_80 : memref<1x100xi32, #tpu.memory_space<vmem>> -> memref<100xi32, #tpu.memory_space<vmem>>
      %dma_start3A_82 = arith.constant 0 : i32
      %dma_start3A_83 = arith.constant 0 : i32
      %dma_start3A_84 = tpu.memref_slice %arg12[%dma_start3A_82, %dma_start3A_83] : memref<10112x128xf32, #tpu.memory_space<vmem_shared>> -> memref<10112x128xf32, #tpu.memory_space<vmem_shared>>
      tpu.enqueue_indirect_dma source(%arg8 : memref<100x128xf32, #tpu.memory_space<vmem>>) target(%dma_start3A_84 : memref<10112x128xf32, #tpu.memory_space<vmem_shared>>) offsets(%dma_start3A_81 : memref<100xi32, #tpu.memory_space<vmem>>) semaphore(%run_scoped3A_78 : memref<!tpu.dma_semaphore, #tpu.memory_space<semaphore_mem>>) {add = true}
      %dma_wait3A_85 = arith.constant 0 : i32
      %dma_wait3A_86 = tpu.memref_slice %arg7[%run_scoped3A, %dma_wait3A_85] : memref<100x100xi32, #tpu.memory_space<vmem>> -> memref<1x100xi32, #tpu.memory_space<vmem>>
      %dma_wait3A_87 = tpu.memref_squeeze %dma_wait3A_86 : memref<1x100xi32, #tpu.memory_space<vmem>> -> memref<100xi32, #tpu.memory_space<vmem>>
      %dma_wait3A_88 = arith.constant 0 : i32
      %dma_wait3A_89 = arith.constant 0 : i32
      %dma_wait3A_90 = tpu.memref_slice %arg12[%dma_wait3A_88, %dma_wait3A_89] : memref<10112x128xf32, #tpu.memory_space<vmem_shared>> -> memref<10112x128xf32, #tpu.memory_space<vmem_shared>>
      tpu.wait_indirect_dma semaphore(%run_scoped3A_78 : memref<!tpu.dma_semaphore, #tpu.memory_space<semaphore_mem>>) src(%arg8 : memref<100x128xf32, #tpu.memory_space<vmem>>) dst(%dma_wait3A_90 : memref<10112x128xf32, #tpu.memory_space<vmem_shared>>)
      tpu.yield
    }) : () -> ()
    %dma_wait3A_65 = arith.constant 99 : i32
    %dma_wait3A_66 = arith.constant 0 : i32
    %dma_wait3A_67 = tpu.memref_slice %arg6[%dma_wait3A_65, %dma_wait3A_66] : memref<100x100xi32, #tpu.memory_space<vmem>> -> memref<1x100xi32, #tpu.memory_space<vmem>>
    %dma_wait3A_68 = tpu.memref_squeeze %dma_wait3A_67 : memref<1x100xi32, #tpu.memory_space<vmem>> -> memref<100xi32, #tpu.memory_space<vmem>>
    %dma_wait3A_69 = arith.constant 0 : i32
    %dma_wait3A_70 = arith.constant 0 : i32
    %dma_wait3A_71 = tpu.memref_slice %arg3[%dma_wait3A_69, %dma_wait3A_70] : memref<10000x128xf32, #tpu.memory_space<hbm>> -> memref<10000x128xf32, #tpu.memory_space<hbm>>
    tpu.wait_indirect_dma semaphore(%arg14 : memref<!tpu.dma_semaphore, #tpu.memory_space<semaphore_mem>>) src(%dma_wait3A_71 : memref<10000x128xf32, #tpu.memory_space<hbm>>) dst(%arg9 : memref<100x128xf32, #tpu.memory_space<vmem>>)
    %run_scoped3A_72 = arith.constant 99 : i32
    "tpu.region"() ({
      %run_scoped3A_78 = tpu.sem_alloc : memref<!tpu.dma_semaphore, #tpu.memory_space<semaphore_mem>>
      %dma_start3A_79 = arith.constant 0 : i32
      %dma_start3A_80 = tpu.memref_slice %arg7[%run_scoped3A_72, %dma_start3A_79] : memref<100x100xi32, #tpu.memory_space<vmem>> -> memref<1x100xi32, #tpu.memory_space<vmem>>
      %dma_start3A_81 = tpu.memref_squeeze %dma_start3A_80 : memref<1x100xi32, #tpu.memory_space<vmem>> -> memref<100xi32, #tpu.memory_space<vmem>>
      %dma_start3A_82 = arith.constant 0 : i32
      %dma_start3A_83 = arith.constant 0 : i32
      %dma_start3A_84 = tpu.memref_slice %arg12[%dma_start3A_82, %dma_start3A_83] : memref<10112x128xf32, #tpu.memory_space<vmem_shared>> -> memref<10112x128xf32, #tpu.memory_space<vmem_shared>>
      tpu.enqueue_indirect_dma source(%arg9 : memref<100x128xf32, #tpu.memory_space<vmem>>) target(%dma_start3A_84 : memref<10112x128xf32, #tpu.memory_space<vmem_shared>>) offsets(%dma_start3A_81 : memref<100xi32, #tpu.memory_space<vmem>>) semaphore(%run_scoped3A_78 : memref<!tpu.dma_semaphore, #tpu.memory_space<semaphore_mem>>) {add = true}
      %dma_wait3A_85 = arith.constant 0 : i32
      %dma_wait3A_86 = tpu.memref_slice %arg7[%run_scoped3A_72, %dma_wait3A_85] : memref<100x100xi32, #tpu.memory_space<vmem>> -> memref<1x100xi32, #tpu.memory_space<vmem>>
      %dma_wait3A_87 = tpu.memref_squeeze %dma_wait3A_86 : memref<1x100xi32, #tpu.memory_space<vmem>> -> memref<100xi32, #tpu.memory_space<vmem>>
      %dma_wait3A_88 = arith.constant 0 : i32
      %dma_wait3A_89 = arith.constant 0 : i32
      %dma_wait3A_90 = tpu.memref_slice %arg12[%dma_wait3A_88, %dma_wait3A_89] : memref<10112x128xf32, #tpu.memory_space<vmem_shared>> -> memref<10112x128xf32, #tpu.memory_space<vmem_shared>>
      tpu.wait_indirect_dma semaphore(%run_scoped3A_78 : memref<!tpu.dma_semaphore, #tpu.memory_space<semaphore_mem>>) src(%arg9 : memref<100x128xf32, #tpu.memory_space<vmem>>) dst(%dma_wait3A_90 : memref<10112x128xf32, #tpu.memory_space<vmem_shared>>)
      tpu.yield
    }) : () -> ()
    %barrier3A_73 = arith.constant 0 : index
    tpu.barrier barrier_id(%barrier3A_73)
    %mul3A_74 = arith.constant 632 : i32
    %mul3A_75 = arith.muli %arg1, %mul3A_74 : i32
    %mul3A_76 = arith.constant 632 : i32
    %mul3A_77 = arith.muli %arg1, %mul3A_76 : i32
    "tpu.region"() ({
      %run_scoped3A_78 = tpu.sem_alloc : memref<!tpu.dma_semaphore, #tpu.memory_space<semaphore_mem>>
      %dma_start3A_79 = arith.constant 0 : i32
      %dma_start3A_80 = tpu.memref_slice %arg5[%arg0, %mul3A_77, %dma_start3A_79] : memref<2x10112x128xf32, #tpu.memory_space<hbm>> -> memref<1x632x128xf32, #tpu.memory_space<hbm>>
      %dma_start3A_81 = tpu.memref_squeeze %dma_start3A_80 : memref<1x632x128xf32, #tpu.memory_space<hbm>> -> memref<632x128xf32, #tpu.memory_space<hbm>>
      %dma_start3A_82 = arith.constant 0 : i32
      %dma_start3A_83 = tpu.memref_slice %arg12[%mul3A_75, %dma_start3A_82] : memref<10112x128xf32, #tpu.memory_space<vmem_shared>> -> memref<632x128xf32, #tpu.memory_space<vmem_shared>>
      tpu.enqueue_dma source(%dma_start3A_83 : memref<632x128xf32, #tpu.memory_space<vmem_shared>>) target(%dma_start3A_81 : memref<632x128xf32, #tpu.memory_space<hbm>>) target_semaphore(%run_scoped3A_78 : memref<!tpu.dma_semaphore, #tpu.memory_space<semaphore_mem>>)
      %dma_wait3A_84 = arith.constant 0 : i32
      %dma_wait3A_85 = tpu.memref_slice %arg5[%arg0, %mul3A_77, %dma_wait3A_84] : memref<2x10112x128xf32, #tpu.memory_space<hbm>> -> memref<1x632x128xf32, #tpu.memory_space<hbm>>
      %dma_wait3A_86 = tpu.memref_squeeze %dma_wait3A_85 : memref<1x632x128xf32, #tpu.memory_space<hbm>> -> memref<632x128xf32, #tpu.memory_space<hbm>>
      %dma_wait3A_87 = arith.constant 0 : i32
      %dma_wait3A_88 = tpu.memref_slice %arg12[%mul3A_75, %dma_wait3A_87] : memref<10112x128xf32, #tpu.memory_space<vmem_shared>> -> memref<632x128xf32, #tpu.memory_space<vmem_shared>>
      tpu.wait_dma2 semaphore(%run_scoped3A_78 : memref<!tpu.dma_semaphore, #tpu.memory_space<semaphore_mem>>) src(%dma_wait3A_88 : memref<632x128xf32, #tpu.memory_space<vmem_shared>>) dst(%dma_wait3A_86 : memref<632x128xf32, #tpu.memory_space<hbm>>)
      tpu.yield
    }) : () -> ()
    return
  }
}

#map = affine_map<(d0, d1) -> (0, 0, 0, 0)>
#map1 = affine_map<(d0, d1) -> (0, 0)>
#map2 = affine_map<(d0, d1) -> (0, 0, 0)>
module attributes {stable_mosaic.version = 14 : i64} {
  func.func @body(%arg0: i32, %arg1: i32, %arg2: memref<2x32x25x400xi32, #tpu.memory_space<hbm>>, %arg3: memref<10000x16xf32, #tpu.memory_space<hbm>>, %arg4: memref<10112x16xf32, #tpu.memory_space<hbm>>, %arg5: memref<2x10112x16xf32, #tpu.memory_space<hbm>>, %arg6: memref<25x400xi32, #tpu.memory_space<vmem>>, %arg7: memref<25x400xi32, #tpu.memory_space<vmem>>, %arg8: memref<400x16xf32, #tpu.memory_space<vmem>>, %arg9: memref<400x16xf32, #tpu.memory_space<vmem>>, %arg10: memref<8x16xf32, #tpu.memory_space<vmem>>, %arg11: memref<8x16xf32, #tpu.memory_space<vmem>>, %arg12: memref<10112x16xf32, #tpu.memory_space<vmem_shared>>, %arg13: memref<!tpu.dma_semaphore, #tpu.memory_space<semaphore_mem>>, %arg14: memref<!tpu.dma_semaphore, #tpu.memory_space<semaphore_mem>>, %arg15: memref<!tpu.dma_semaphore, #tpu.memory_space<semaphore_mem>>, %arg16: memref<!tpu.dma_semaphore, #tpu.memory_space<semaphore_mem>>, %arg17: memref<!tpu.dma_semaphore, #tpu.memory_space<semaphore_mem>>, %arg18: memref<!tpu.dma_semaphore, #tpu.memory_space<semaphore_mem>>, %arg19: memref<!tpu.dma_semaphore, #tpu.memory_space<semaphore_mem>>, %arg20: memref<!tpu.dma_semaphore, #tpu.memory_space<semaphore_mem>>, %arg21: memref<!tpu.dma_semaphore, #tpu.memory_space<semaphore_mem>>) attributes {dimension_semantics = [#tpu.dimension_semantics<core_parallel>, #tpu.dimension_semantics<subcore_parallel>], iteration_bounds = array<i64: 2, 16>, scalar_prefetch = 0 : i64, scratch_operands = 16 : i64, tpu.core_type = #tpu.core_type<sc_vector_subcore>, window_params = [{transform_indices = #map}, {transform_indices = #map1}, {transform_indices = #map1}, {transform_indices = #map2}]} {
    %mul3A = arith.constant 2 : i32
    %mul3A_0 = arith.muli %arg1, %mul3A : i32
    %add3A = arith.addi %mul3A_0, %arg0 : i32
    %dma_start3A = arith.constant 1 : i32
    %dma_start3A_1 = arith.constant 0 : i32
    %dma_start3A_2 = arith.constant 0 : i32
    %dma_start3A_3 = tpu.memref_slice %arg2[%dma_start3A, %add3A, %dma_start3A_1, %dma_start3A_2] : memref<2x32x25x400xi32, #tpu.memory_space<hbm>> -> memref<1x1x25x400xi32, #tpu.memory_space<hbm>>
    %dma_start3A_4 = tpu.memref_squeeze %dma_start3A_3 : memref<1x1x25x400xi32, #tpu.memory_space<hbm>> -> memref<25x400xi32, #tpu.memory_space<hbm>>
    %dma_start3A_5 = arith.constant 0 : i32
    %dma_start3A_6 = arith.constant 0 : i32
    %dma_start3A_7 = tpu.memref_slice %arg2[%dma_start3A, %add3A, %dma_start3A_5, %dma_start3A_6] : memref<2x32x25x400xi32, #tpu.memory_space<hbm>> -> memref<1x1x25x400xi32, #tpu.memory_space<hbm>>
    %dma_start3A_8 = tpu.memref_squeeze %dma_start3A_7 : memref<1x1x25x400xi32, #tpu.memory_space<hbm>> -> memref<25x400xi32, #tpu.memory_space<hbm>>
    tpu.enqueue_dma source(%dma_start3A_8 : memref<25x400xi32, #tpu.memory_space<hbm>>) target(%arg7 : memref<25x400xi32, #tpu.memory_space<vmem>>) target_semaphore(%arg21 : memref<!tpu.dma_semaphore, #tpu.memory_space<semaphore_mem>>)
    %dma_start3A_9 = arith.constant 0 : i32
    %dma_start3A_10 = arith.constant 0 : i32
    %dma_start3A_11 = arith.constant 0 : i32
    %dma_start3A_12 = tpu.memref_slice %arg2[%dma_start3A_9, %add3A, %dma_start3A_10, %dma_start3A_11] : memref<2x32x25x400xi32, #tpu.memory_space<hbm>> -> memref<1x1x25x400xi32, #tpu.memory_space<hbm>>
    %dma_start3A_13 = tpu.memref_squeeze %dma_start3A_12 : memref<1x1x25x400xi32, #tpu.memory_space<hbm>> -> memref<25x400xi32, #tpu.memory_space<hbm>>
    %dma_start3A_14 = arith.constant 0 : i32
    %dma_start3A_15 = arith.constant 0 : i32
    %dma_start3A_16 = tpu.memref_slice %arg2[%dma_start3A_9, %add3A, %dma_start3A_14, %dma_start3A_15] : memref<2x32x25x400xi32, #tpu.memory_space<hbm>> -> memref<1x1x25x400xi32, #tpu.memory_space<hbm>>
    %dma_start3A_17 = tpu.memref_squeeze %dma_start3A_16 : memref<1x1x25x400xi32, #tpu.memory_space<hbm>> -> memref<25x400xi32, #tpu.memory_space<hbm>>
    tpu.enqueue_dma source(%dma_start3A_17 : memref<25x400xi32, #tpu.memory_space<hbm>>) target(%arg6 : memref<25x400xi32, #tpu.memory_space<vmem>>) target_semaphore(%arg21 : memref<!tpu.dma_semaphore, #tpu.memory_space<semaphore_mem>>)
    %mul3A_18 = arith.constant 632 : i32
    %mul3A_19 = arith.muli %arg1, %mul3A_18 : i32
    %mul3A_20 = arith.constant 632 : i32
    %mul3A_21 = arith.muli %arg1, %mul3A_20 : i32
    "tpu.region"() ({
      %run_scoped3A_63 = tpu.sem_alloc : memref<!tpu.dma_semaphore, #tpu.memory_space<semaphore_mem>>
      %dma_start3A_64 = arith.constant 0 : i32
      %dma_start3A_65 = tpu.memref_slice %arg12[%mul3A_21, %dma_start3A_64] : memref<10112x16xf32, #tpu.memory_space<vmem_shared>> -> memref<632x16xf32, #tpu.memory_space<vmem_shared>>
      %dma_start3A_66 = arith.constant 0 : i32
      %dma_start3A_67 = tpu.memref_slice %arg4[%mul3A_19, %dma_start3A_66] : memref<10112x16xf32, #tpu.memory_space<hbm>> -> memref<632x16xf32, #tpu.memory_space<hbm>>
      tpu.enqueue_dma source(%dma_start3A_67 : memref<632x16xf32, #tpu.memory_space<hbm>>) target(%dma_start3A_65 : memref<632x16xf32, #tpu.memory_space<vmem_shared>>) target_semaphore(%run_scoped3A_63 : memref<!tpu.dma_semaphore, #tpu.memory_space<semaphore_mem>>)
      %dma_wait3A_68 = arith.constant 0 : i32
      %dma_wait3A_69 = tpu.memref_slice %arg12[%mul3A_21, %dma_wait3A_68] : memref<10112x16xf32, #tpu.memory_space<vmem_shared>> -> memref<632x16xf32, #tpu.memory_space<vmem_shared>>
      %dma_wait3A_70 = arith.constant 0 : i32
      %dma_wait3A_71 = tpu.memref_slice %arg4[%mul3A_19, %dma_wait3A_70] : memref<10112x16xf32, #tpu.memory_space<hbm>> -> memref<632x16xf32, #tpu.memory_space<hbm>>
      tpu.wait_dma2 semaphore(%run_scoped3A_63 : memref<!tpu.dma_semaphore, #tpu.memory_space<semaphore_mem>>) src(%dma_wait3A_71 : memref<632x16xf32, #tpu.memory_space<hbm>>) dst(%dma_wait3A_69 : memref<632x16xf32, #tpu.memory_space<vmem_shared>>)
      tpu.yield
    }) : () -> ()
    %dma_wait3A = arith.constant 1 : i32
    %dma_wait3A_22 = arith.constant 0 : i32
    %dma_wait3A_23 = arith.constant 0 : i32
    %dma_wait3A_24 = tpu.memref_slice %arg2[%dma_wait3A, %add3A, %dma_wait3A_22, %dma_wait3A_23] : memref<2x32x25x400xi32, #tpu.memory_space<hbm>> -> memref<1x1x25x400xi32, #tpu.memory_space<hbm>>
    %dma_wait3A_25 = tpu.memref_squeeze %dma_wait3A_24 : memref<1x1x25x400xi32, #tpu.memory_space<hbm>> -> memref<25x400xi32, #tpu.memory_space<hbm>>
    %dma_wait3A_26 = arith.constant 0 : i32
    %dma_wait3A_27 = arith.constant 0 : i32
    %dma_wait3A_28 = tpu.memref_slice %arg2[%dma_wait3A, %add3A, %dma_wait3A_26, %dma_wait3A_27] : memref<2x32x25x400xi32, #tpu.memory_space<hbm>> -> memref<1x1x25x400xi32, #tpu.memory_space<hbm>>
    %dma_wait3A_29 = tpu.memref_squeeze %dma_wait3A_28 : memref<1x1x25x400xi32, #tpu.memory_space<hbm>> -> memref<25x400xi32, #tpu.memory_space<hbm>>
    tpu.wait_dma2 semaphore(%arg21 : memref<!tpu.dma_semaphore, #tpu.memory_space<semaphore_mem>>) src(%dma_wait3A_29 : memref<25x400xi32, #tpu.memory_space<hbm>>) dst(%arg7 : memref<25x400xi32, #tpu.memory_space<vmem>>)
    %dma_wait3A_30 = arith.constant 0 : i32
    %dma_wait3A_31 = arith.constant 0 : i32
    %dma_wait3A_32 = arith.constant 0 : i32
    %dma_wait3A_33 = tpu.memref_slice %arg2[%dma_wait3A_30, %add3A, %dma_wait3A_31, %dma_wait3A_32] : memref<2x32x25x400xi32, #tpu.memory_space<hbm>> -> memref<1x1x25x400xi32, #tpu.memory_space<hbm>>
    %dma_wait3A_34 = tpu.memref_squeeze %dma_wait3A_33 : memref<1x1x25x400xi32, #tpu.memory_space<hbm>> -> memref<25x400xi32, #tpu.memory_space<hbm>>
    %dma_wait3A_35 = arith.constant 0 : i32
    %dma_wait3A_36 = arith.constant 0 : i32
    %dma_wait3A_37 = tpu.memref_slice %arg2[%dma_wait3A_30, %add3A, %dma_wait3A_35, %dma_wait3A_36] : memref<2x32x25x400xi32, #tpu.memory_space<hbm>> -> memref<1x1x25x400xi32, #tpu.memory_space<hbm>>
    %dma_wait3A_38 = tpu.memref_squeeze %dma_wait3A_37 : memref<1x1x25x400xi32, #tpu.memory_space<hbm>> -> memref<25x400xi32, #tpu.memory_space<hbm>>
    tpu.wait_dma2 semaphore(%arg21 : memref<!tpu.dma_semaphore, #tpu.memory_space<semaphore_mem>>) src(%dma_wait3A_38 : memref<25x400xi32, #tpu.memory_space<hbm>>) dst(%arg6 : memref<25x400xi32, #tpu.memory_space<vmem>>)
    %barrier3A = arith.constant 0 : index
    tpu.barrier barrier_id(%barrier3A)
    %dma_start3A_39 = arith.constant 0 : i32
    %dma_start3A_40 = arith.constant 0 : i32
    %dma_start3A_41 = tpu.memref_slice %arg6[%dma_start3A_39, %dma_start3A_40] : memref<25x400xi32, #tpu.memory_space<vmem>> -> memref<1x400xi32, #tpu.memory_space<vmem>>
    %dma_start3A_42 = tpu.memref_squeeze %dma_start3A_41 : memref<1x400xi32, #tpu.memory_space<vmem>> -> memref<400xi32, #tpu.memory_space<vmem>>
    %dma_start3A_43 = arith.constant 0 : i32
    %dma_start3A_44 = arith.constant 0 : i32
    %dma_start3A_45 = tpu.memref_slice %arg3[%dma_start3A_43, %dma_start3A_44] : memref<10000x16xf32, #tpu.memory_space<hbm>> -> memref<10000x16xf32, #tpu.memory_space<hbm>>
    tpu.enqueue_indirect_dma source(%dma_start3A_45 : memref<10000x16xf32, #tpu.memory_space<hbm>>) target(%arg8 : memref<400x16xf32, #tpu.memory_space<vmem>>) offsets(%dma_start3A_42 : memref<400xi32, #tpu.memory_space<vmem>>) semaphore(%arg13 : memref<!tpu.dma_semaphore, #tpu.memory_space<semaphore_mem>>)
    %scan3A = arith.constant 0 : i32
    %scan3A_46 = arith.constant 0 : i32
    %scan3A_47 = arith.constant 12 : i32
    %scan3A_48 = arith.addi %scan3A_46, %scan3A_47 : i32
    %scan3A_49 = arith.constant 1 : i32
    scf.for %scan3A_63 = %scan3A_46 to %scan3A_48 step %scan3A_49  : i32 {
      %mul3A_64 = arith.constant 2 : i32
      %mul3A_65 = arith.muli %mul3A_64, %scan3A_63 : i32
      %add3A_66 = arith.constant 1 : i32
      %add3A_67 = arith.addi %mul3A_65, %add3A_66 : i32
      %dma_start3A_68 = arith.constant 0 : i32
      %dma_start3A_69 = tpu.memref_slice %arg6[%add3A_67, %dma_start3A_68] : memref<25x400xi32, #tpu.memory_space<vmem>> -> memref<1x400xi32, #tpu.memory_space<vmem>>
      %dma_start3A_70 = tpu.memref_squeeze %dma_start3A_69 : memref<1x400xi32, #tpu.memory_space<vmem>> -> memref<400xi32, #tpu.memory_space<vmem>>
      %dma_start3A_71 = arith.constant 0 : i32
      %dma_start3A_72 = arith.constant 0 : i32
      %dma_start3A_73 = tpu.memref_slice %arg3[%dma_start3A_71, %dma_start3A_72] : memref<10000x16xf32, #tpu.memory_space<hbm>> -> memref<10000x16xf32, #tpu.memory_space<hbm>>
      tpu.enqueue_indirect_dma source(%dma_start3A_73 : memref<10000x16xf32, #tpu.memory_space<hbm>>) target(%arg9 : memref<400x16xf32, #tpu.memory_space<vmem>>) offsets(%dma_start3A_70 : memref<400xi32, #tpu.memory_space<vmem>>) semaphore(%arg14 : memref<!tpu.dma_semaphore, #tpu.memory_space<semaphore_mem>>)
      %dma_wait3A_74 = arith.constant 0 : i32
      %dma_wait3A_75 = tpu.memref_slice %arg6[%mul3A_65, %dma_wait3A_74] : memref<25x400xi32, #tpu.memory_space<vmem>> -> memref<1x400xi32, #tpu.memory_space<vmem>>
      %dma_wait3A_76 = tpu.memref_squeeze %dma_wait3A_75 : memref<1x400xi32, #tpu.memory_space<vmem>> -> memref<400xi32, #tpu.memory_space<vmem>>
      %dma_wait3A_77 = arith.constant 0 : i32
      %dma_wait3A_78 = arith.constant 0 : i32
      %dma_wait3A_79 = tpu.memref_slice %arg3[%dma_wait3A_77, %dma_wait3A_78] : memref<10000x16xf32, #tpu.memory_space<hbm>> -> memref<10000x16xf32, #tpu.memory_space<hbm>>
      tpu.wait_indirect_dma semaphore(%arg13 : memref<!tpu.dma_semaphore, #tpu.memory_space<semaphore_mem>>) src(%dma_wait3A_79 : memref<10000x16xf32, #tpu.memory_space<hbm>>) dst(%arg8 : memref<400x16xf32, #tpu.memory_space<vmem>>)
      "tpu.region"() ({
        %run_scoped3A_98 = tpu.sem_alloc : memref<!tpu.dma_semaphore, #tpu.memory_space<semaphore_mem>>
        %dma_start3A_99 = arith.constant 0 : i32
        %dma_start3A_100 = tpu.memref_slice %arg7[%mul3A_65, %dma_start3A_99] : memref<25x400xi32, #tpu.memory_space<vmem>> -> memref<1x400xi32, #tpu.memory_space<vmem>>
        %dma_start3A_101 = tpu.memref_squeeze %dma_start3A_100 : memref<1x400xi32, #tpu.memory_space<vmem>> -> memref<400xi32, #tpu.memory_space<vmem>>
        %dma_start3A_102 = arith.constant 0 : i32
        %dma_start3A_103 = arith.constant 0 : i32
        %dma_start3A_104 = tpu.memref_slice %arg12[%dma_start3A_102, %dma_start3A_103] : memref<10112x16xf32, #tpu.memory_space<vmem_shared>> -> memref<10112x16xf32, #tpu.memory_space<vmem_shared>>
        tpu.enqueue_indirect_dma source(%arg8 : memref<400x16xf32, #tpu.memory_space<vmem>>) target(%dma_start3A_104 : memref<10112x16xf32, #tpu.memory_space<vmem_shared>>) offsets(%dma_start3A_101 : memref<400xi32, #tpu.memory_space<vmem>>) semaphore(%run_scoped3A_98 : memref<!tpu.dma_semaphore, #tpu.memory_space<semaphore_mem>>) {add = true}
        %dma_wait3A_105 = arith.constant 0 : i32
        %dma_wait3A_106 = tpu.memref_slice %arg7[%mul3A_65, %dma_wait3A_105] : memref<25x400xi32, #tpu.memory_space<vmem>> -> memref<1x400xi32, #tpu.memory_space<vmem>>
        %dma_wait3A_107 = tpu.memref_squeeze %dma_wait3A_106 : memref<1x400xi32, #tpu.memory_space<vmem>> -> memref<400xi32, #tpu.memory_space<vmem>>
        %dma_wait3A_108 = arith.constant 0 : i32
        %dma_wait3A_109 = arith.constant 0 : i32
        %dma_wait3A_110 = tpu.memref_slice %arg12[%dma_wait3A_108, %dma_wait3A_109] : memref<10112x16xf32, #tpu.memory_space<vmem_shared>> -> memref<10112x16xf32, #tpu.memory_space<vmem_shared>>
        tpu.wait_indirect_dma semaphore(%run_scoped3A_98 : memref<!tpu.dma_semaphore, #tpu.memory_space<semaphore_mem>>) src(%arg8 : memref<400x16xf32, #tpu.memory_space<vmem>>) dst(%dma_wait3A_110 : memref<10112x16xf32, #tpu.memory_space<vmem_shared>>)
        tpu.yield
      }) : () -> ()
      %add3A_80 = arith.constant 2 : i32
      %add3A_81 = arith.addi %mul3A_65, %add3A_80 : i32
      %dma_start3A_82 = arith.constant 0 : i32
      %dma_start3A_83 = tpu.memref_slice %arg6[%add3A_81, %dma_start3A_82] : memref<25x400xi32, #tpu.memory_space<vmem>> -> memref<1x400xi32, #tpu.memory_space<vmem>>
      %dma_start3A_84 = tpu.memref_squeeze %dma_start3A_83 : memref<1x400xi32, #tpu.memory_space<vmem>> -> memref<400xi32, #tpu.memory_space<vmem>>
      %dma_start3A_85 = arith.constant 0 : i32
      %dma_start3A_86 = arith.constant 0 : i32
      %dma_start3A_87 = tpu.memref_slice %arg3[%dma_start3A_85, %dma_start3A_86] : memref<10000x16xf32, #tpu.memory_space<hbm>> -> memref<10000x16xf32, #tpu.memory_space<hbm>>
      tpu.enqueue_indirect_dma source(%dma_start3A_87 : memref<10000x16xf32, #tpu.memory_space<hbm>>) target(%arg8 : memref<400x16xf32, #tpu.memory_space<vmem>>) offsets(%dma_start3A_84 : memref<400xi32, #tpu.memory_space<vmem>>) semaphore(%arg13 : memref<!tpu.dma_semaphore, #tpu.memory_space<semaphore_mem>>)
      %add3A_88 = arith.constant 1 : i32
      %add3A_89 = arith.addi %mul3A_65, %add3A_88 : i32
      %dma_wait3A_90 = arith.constant 0 : i32
      %dma_wait3A_91 = tpu.memref_slice %arg6[%add3A_89, %dma_wait3A_90] : memref<25x400xi32, #tpu.memory_space<vmem>> -> memref<1x400xi32, #tpu.memory_space<vmem>>
      %dma_wait3A_92 = tpu.memref_squeeze %dma_wait3A_91 : memref<1x400xi32, #tpu.memory_space<vmem>> -> memref<400xi32, #tpu.memory_space<vmem>>
      %dma_wait3A_93 = arith.constant 0 : i32
      %dma_wait3A_94 = arith.constant 0 : i32
      %dma_wait3A_95 = tpu.memref_slice %arg3[%dma_wait3A_93, %dma_wait3A_94] : memref<10000x16xf32, #tpu.memory_space<hbm>> -> memref<10000x16xf32, #tpu.memory_space<hbm>>
      tpu.wait_indirect_dma semaphore(%arg14 : memref<!tpu.dma_semaphore, #tpu.memory_space<semaphore_mem>>) src(%dma_wait3A_95 : memref<10000x16xf32, #tpu.memory_space<hbm>>) dst(%arg9 : memref<400x16xf32, #tpu.memory_space<vmem>>)
      %add3A_96 = arith.constant 1 : i32
      %add3A_97 = arith.addi %mul3A_65, %add3A_96 : i32
      "tpu.region"() ({
        %run_scoped3A_98 = tpu.sem_alloc : memref<!tpu.dma_semaphore, #tpu.memory_space<semaphore_mem>>
        %dma_start3A_99 = arith.constant 0 : i32
        %dma_start3A_100 = tpu.memref_slice %arg7[%add3A_97, %dma_start3A_99] : memref<25x400xi32, #tpu.memory_space<vmem>> -> memref<1x400xi32, #tpu.memory_space<vmem>>
        %dma_start3A_101 = tpu.memref_squeeze %dma_start3A_100 : memref<1x400xi32, #tpu.memory_space<vmem>> -> memref<400xi32, #tpu.memory_space<vmem>>
        %dma_start3A_102 = arith.constant 0 : i32
        %dma_start3A_103 = arith.constant 0 : i32
        %dma_start3A_104 = tpu.memref_slice %arg12[%dma_start3A_102, %dma_start3A_103] : memref<10112x16xf32, #tpu.memory_space<vmem_shared>> -> memref<10112x16xf32, #tpu.memory_space<vmem_shared>>
        tpu.enqueue_indirect_dma source(%arg9 : memref<400x16xf32, #tpu.memory_space<vmem>>) target(%dma_start3A_104 : memref<10112x16xf32, #tpu.memory_space<vmem_shared>>) offsets(%dma_start3A_101 : memref<400xi32, #tpu.memory_space<vmem>>) semaphore(%run_scoped3A_98 : memref<!tpu.dma_semaphore, #tpu.memory_space<semaphore_mem>>) {add = true}
        %dma_wait3A_105 = arith.constant 0 : i32
        %dma_wait3A_106 = tpu.memref_slice %arg7[%add3A_97, %dma_wait3A_105] : memref<25x400xi32, #tpu.memory_space<vmem>> -> memref<1x400xi32, #tpu.memory_space<vmem>>
        %dma_wait3A_107 = tpu.memref_squeeze %dma_wait3A_106 : memref<1x400xi32, #tpu.memory_space<vmem>> -> memref<400xi32, #tpu.memory_space<vmem>>
        %dma_wait3A_108 = arith.constant 0 : i32
        %dma_wait3A_109 = arith.constant 0 : i32
        %dma_wait3A_110 = tpu.memref_slice %arg12[%dma_wait3A_108, %dma_wait3A_109] : memref<10112x16xf32, #tpu.memory_space<vmem_shared>> -> memref<10112x16xf32, #tpu.memory_space<vmem_shared>>
        tpu.wait_indirect_dma semaphore(%run_scoped3A_98 : memref<!tpu.dma_semaphore, #tpu.memory_space<semaphore_mem>>) src(%arg9 : memref<400x16xf32, #tpu.memory_space<vmem>>) dst(%dma_wait3A_110 : memref<10112x16xf32, #tpu.memory_space<vmem_shared>>)
        tpu.yield
      }) : () -> ()
    }
    %scan3A_50 = arith.constant 12 : i32
    %dma_wait3A_51 = arith.constant 24 : i32
    %dma_wait3A_52 = arith.constant 0 : i32
    %dma_wait3A_53 = tpu.memref_slice %arg6[%dma_wait3A_51, %dma_wait3A_52] : memref<25x400xi32, #tpu.memory_space<vmem>> -> memref<1x400xi32, #tpu.memory_space<vmem>>
    %dma_wait3A_54 = tpu.memref_squeeze %dma_wait3A_53 : memref<1x400xi32, #tpu.memory_space<vmem>> -> memref<400xi32, #tpu.memory_space<vmem>>
    %dma_wait3A_55 = arith.constant 0 : i32
    %dma_wait3A_56 = arith.constant 0 : i32
    %dma_wait3A_57 = tpu.memref_slice %arg3[%dma_wait3A_55, %dma_wait3A_56] : memref<10000x16xf32, #tpu.memory_space<hbm>> -> memref<10000x16xf32, #tpu.memory_space<hbm>>
    tpu.wait_indirect_dma semaphore(%arg13 : memref<!tpu.dma_semaphore, #tpu.memory_space<semaphore_mem>>) src(%dma_wait3A_57 : memref<10000x16xf32, #tpu.memory_space<hbm>>) dst(%arg8 : memref<400x16xf32, #tpu.memory_space<vmem>>)
    %run_scoped3A = arith.constant 24 : i32
    "tpu.region"() ({
      %run_scoped3A_63 = tpu.sem_alloc : memref<!tpu.dma_semaphore, #tpu.memory_space<semaphore_mem>>
      %dma_start3A_64 = arith.constant 0 : i32
      %dma_start3A_65 = tpu.memref_slice %arg7[%run_scoped3A, %dma_start3A_64] : memref<25x400xi32, #tpu.memory_space<vmem>> -> memref<1x400xi32, #tpu.memory_space<vmem>>
      %dma_start3A_66 = tpu.memref_squeeze %dma_start3A_65 : memref<1x400xi32, #tpu.memory_space<vmem>> -> memref<400xi32, #tpu.memory_space<vmem>>
      %dma_start3A_67 = arith.constant 0 : i32
      %dma_start3A_68 = arith.constant 0 : i32
      %dma_start3A_69 = tpu.memref_slice %arg12[%dma_start3A_67, %dma_start3A_68] : memref<10112x16xf32, #tpu.memory_space<vmem_shared>> -> memref<10112x16xf32, #tpu.memory_space<vmem_shared>>
      tpu.enqueue_indirect_dma source(%arg8 : memref<400x16xf32, #tpu.memory_space<vmem>>) target(%dma_start3A_69 : memref<10112x16xf32, #tpu.memory_space<vmem_shared>>) offsets(%dma_start3A_66 : memref<400xi32, #tpu.memory_space<vmem>>) semaphore(%run_scoped3A_63 : memref<!tpu.dma_semaphore, #tpu.memory_space<semaphore_mem>>) {add = true}
      %dma_wait3A_70 = arith.constant 0 : i32
      %dma_wait3A_71 = tpu.memref_slice %arg7[%run_scoped3A, %dma_wait3A_70] : memref<25x400xi32, #tpu.memory_space<vmem>> -> memref<1x400xi32, #tpu.memory_space<vmem>>
      %dma_wait3A_72 = tpu.memref_squeeze %dma_wait3A_71 : memref<1x400xi32, #tpu.memory_space<vmem>> -> memref<400xi32, #tpu.memory_space<vmem>>
      %dma_wait3A_73 = arith.constant 0 : i32
      %dma_wait3A_74 = arith.constant 0 : i32
      %dma_wait3A_75 = tpu.memref_slice %arg12[%dma_wait3A_73, %dma_wait3A_74] : memref<10112x16xf32, #tpu.memory_space<vmem_shared>> -> memref<10112x16xf32, #tpu.memory_space<vmem_shared>>
      tpu.wait_indirect_dma semaphore(%run_scoped3A_63 : memref<!tpu.dma_semaphore, #tpu.memory_space<semaphore_mem>>) src(%arg8 : memref<400x16xf32, #tpu.memory_space<vmem>>) dst(%dma_wait3A_75 : memref<10112x16xf32, #tpu.memory_space<vmem_shared>>)
      tpu.yield
    }) : () -> ()
    %barrier3A_58 = arith.constant 0 : index
    tpu.barrier barrier_id(%barrier3A_58)
    %mul3A_59 = arith.constant 632 : i32
    %mul3A_60 = arith.muli %arg1, %mul3A_59 : i32
    %mul3A_61 = arith.constant 632 : i32
    %mul3A_62 = arith.muli %arg1, %mul3A_61 : i32
    "tpu.region"() ({
      %run_scoped3A_63 = tpu.sem_alloc : memref<!tpu.dma_semaphore, #tpu.memory_space<semaphore_mem>>
      %dma_start3A_64 = arith.constant 0 : i32
      %dma_start3A_65 = tpu.memref_slice %arg5[%arg0, %mul3A_62, %dma_start3A_64] : memref<2x10112x16xf32, #tpu.memory_space<hbm>> -> memref<1x632x16xf32, #tpu.memory_space<hbm>>
      %dma_start3A_66 = tpu.memref_squeeze %dma_start3A_65 : memref<1x632x16xf32, #tpu.memory_space<hbm>> -> memref<632x16xf32, #tpu.memory_space<hbm>>
      %dma_start3A_67 = arith.constant 0 : i32
      %dma_start3A_68 = tpu.memref_slice %arg12[%mul3A_60, %dma_start3A_67] : memref<10112x16xf32, #tpu.memory_space<vmem_shared>> -> memref<632x16xf32, #tpu.memory_space<vmem_shared>>
      tpu.enqueue_dma source(%dma_start3A_68 : memref<632x16xf32, #tpu.memory_space<vmem_shared>>) target(%dma_start3A_66 : memref<632x16xf32, #tpu.memory_space<hbm>>) target_semaphore(%run_scoped3A_63 : memref<!tpu.dma_semaphore, #tpu.memory_space<semaphore_mem>>)
      %dma_wait3A_69 = arith.constant 0 : i32
      %dma_wait3A_70 = tpu.memref_slice %arg5[%arg0, %mul3A_62, %dma_wait3A_69] : memref<2x10112x16xf32, #tpu.memory_space<hbm>> -> memref<1x632x16xf32, #tpu.memory_space<hbm>>
      %dma_wait3A_71 = tpu.memref_squeeze %dma_wait3A_70 : memref<1x632x16xf32, #tpu.memory_space<hbm>> -> memref<632x16xf32, #tpu.memory_space<hbm>>
      %dma_wait3A_72 = arith.constant 0 : i32
      %dma_wait3A_73 = tpu.memref_slice %arg12[%mul3A_60, %dma_wait3A_72] : memref<10112x16xf32, #tpu.memory_space<vmem_shared>> -> memref<632x16xf32, #tpu.memory_space<vmem_shared>>
      tpu.wait_dma2 semaphore(%run_scoped3A_63 : memref<!tpu.dma_semaphore, #tpu.memory_space<semaphore_mem>>) src(%dma_wait3A_73 : memref<632x16xf32, #tpu.memory_space<vmem_shared>>) dst(%dma_wait3A_71 : memref<632x16xf32, #tpu.memory_space<hbm>>)
      tpu.yield
    }) : () -> ()
    return
  }
}

module attributes {stable_mosaic.version = 14 : i64} {
  func.func @_ka_body(%arg0: i32, %arg1: memref<5000x128xf32, #tpu.memory_space<vmem>>, %arg2: memref<128x128xf32, #tpu.memory_space<vmem>>, %arg3: memref<2x5000x16xf32, #tpu.memory_space<vmem>>, %arg4: memref<5000x128xf32, #tpu.memory_space<vmem>>, %arg5: memref<5000x1xf32, #tpu.memory_space<vmem>>) attributes {dimension_semantics = [#tpu.dimension_semantics<arbitrary>], iteration_bounds = array<i64: 2>, scalar_prefetch = 0 : i64, scratch_operands = 0 : i64, tpu.core_type = #tpu.core_type<tc>, window_params = [{transform_indices = @transform_0, window_bounds = array<i64: 5000, 128>}, {pipeline_mode = #tpu.pipeline_mode<synchronous>, transform_indices = @transform_1, window_bounds = array<i64: 128, 128>}, {transform_indices = @transform_2, window_bounds = array<i64: 2, 5000, 16>}, {transform_indices = @transform_3, window_bounds = array<i64: 5000, 128>}, {transform_indices = @transform_4, window_bounds = array<i64: 5000, 1>}]} {
    %get3A = arith.constant 0 : index
    %get3A_0 = arith.constant 0 : index
    %get3A_1 = arith.constant 0 : index
    %get3A_2 = vector.load %arg3[%get3A, %get3A_0, %get3A_1] : memref<2x5000x16xf32, #tpu.memory_space<vmem>>, vector<1x5000x1xf32>
    %get3A_3 = vector.shape_cast %get3A_2 : vector<1x5000x1xf32> to vector<5000x1xf32>
    %add3A = arith.constant 1.000000e+00 : f32
    %add3A_4 = vector.broadcast %add3A : f32 to vector<5000x1xf32>
    %add3A_5 = arith.addf %add3A_4, %get3A_3 : vector<5000x1xf32>
    %get3A_6 = arith.constant 1 : index
    %get3A_7 = arith.constant 0 : index
    %get3A_8 = arith.constant 0 : index
    %get3A_9 = vector.load %arg3[%get3A_6, %get3A_7, %get3A_8] : memref<2x5000x16xf32, #tpu.memory_space<vmem>>, vector<1x5000x1xf32>
    %get3A_10 = vector.shape_cast %get3A_9 : vector<1x5000x1xf32> to vector<5000x1xf32>
    %add3A_11 = arith.addf %add3A_5, %get3A_10 : vector<5000x1xf32>
    %rsqrt3A = math.rsqrt %add3A_11 : vector<5000x1xf32>
    %get3A_12 = arith.constant 0 : index
    %get3A_13 = arith.constant 0 : index
    %get3A_14 = vector.load %arg1[%get3A_12, %get3A_13] : memref<5000x128xf32, #tpu.memory_space<vmem>>, vector<5000x128xf32>
    %get3A_15 = arith.constant 0 : index
    %get3A_16 = arith.constant 0 : index
    %get3A_17 = vector.load %arg2[%get3A_15, %get3A_16] : memref<128x128xf32, #tpu.memory_space<vmem>>, vector<128x128xf32>
    %dot_general3A = arith.constant dense<0.000000e+00> : vector<5000x128xf32>
    %dot_general3A_18 = tpu.matmul %get3A_14, %get3A_17, %dot_general3A {dimension_numbers = #tpu.dot_dimension_numbers<[1], [0], [0], [1], [0, 0, 1, 1], [], []>, transpose_lhs_hint = false} : vector<5000x128xf32>, vector<128x128xf32>, vector<5000x128xf32> -> vector<5000x128xf32>
    %mul3A = vector.broadcast %rsqrt3A : vector<5000x1xf32> to vector<5000x128xf32>
    %mul3A_19 = arith.mulf %dot_general3A_18, %mul3A : vector<5000x128xf32>
    %swap3A = arith.constant 0 : index
    %swap3A_20 = arith.constant 0 : index
    %swap3A_21 = vector.load %arg4[%swap3A, %swap3A_20] : memref<5000x128xf32, #tpu.memory_space<vmem>>, vector<5000x128xf32>
    tpu.vector_store %arg4[%swap3A, %swap3A_20], %mul3A_19 {strides = array<i32>} : memref<5000x128xf32, #tpu.memory_space<vmem>>, vector<5000x128xf32>,
    %swap3A_22 = arith.constant 0 : index
    %swap3A_23 = arith.constant 0 : index
    %swap3A_24 = vector.load %arg5[%swap3A_22, %swap3A_23] : memref<5000x1xf32, #tpu.memory_space<vmem>>, vector<5000x1xf32>
    tpu.vector_store %arg5[%swap3A_22, %swap3A_23], %rsqrt3A {strides = array<i32>} : memref<5000x1xf32, #tpu.memory_space<vmem>>, vector<5000x1xf32>,
    return
  }
  func.func @transform_0(%arg0: i32) -> (i32, i32) {
    %c0_i32 = arith.constant 0 : i32
    %c0_i32_0 = arith.constant 0 : i32
    return %arg0, %c0_i32 : i32, i32
  }
  func.func @transform_1(%arg0: i32) -> (i32, i32) {
    %c0_i32 = arith.constant 0 : i32
    %c0_i32_0 = arith.constant 0 : i32
    %c0_i32_1 = arith.constant 0 : i32
    return %c0_i32, %c0_i32_0 : i32, i32
  }
  func.func @transform_2(%arg0: i32) -> (i32, i32, i32) {
    %c0_i32 = arith.constant 0 : i32
    %c0_i32_0 = arith.constant 0 : i32
    %c0_i32_1 = arith.constant 0 : i32
    return %c0_i32, %arg0, %c0_i32_0 : i32, i32, i32
  }
  func.func @transform_3(%arg0: i32) -> (i32, i32) {
    %c0_i32 = arith.constant 0 : i32
    %c0_i32_0 = arith.constant 0 : i32
    return %arg0, %c0_i32 : i32, i32
  }
  func.func @transform_4(%arg0: i32) -> (i32, i32) {
    %c0_i32 = arith.constant 0 : i32
    %c0_i32_0 = arith.constant 0 : i32
    return %arg0, %c0_i32 : i32, i32
  }
}

module attributes {stable_mosaic.version = 14 : i64} {
  func.func @_kb_body(%arg0: i32, %arg1: memref<2x5000x128xf32, #tpu.memory_space<vmem>>, %arg2: memref<5000x128xf32, #tpu.memory_space<vmem>>, %arg3: memref<5000x1xf32, #tpu.memory_space<vmem>>, %arg4: memref<1x128xf32, #tpu.memory_space<vmem>>, %arg5: memref<128x128xf32, #tpu.memory_space<vmem>>, %arg6: memref<5000x128xf32, #tpu.memory_space<vmem>>) attributes {dimension_semantics = [#tpu.dimension_semantics<arbitrary>], iteration_bounds = array<i64: 2>, scalar_prefetch = 0 : i64, scratch_operands = 0 : i64, tpu.core_type = #tpu.core_type<tc>, window_params = [{transform_indices = @transform_0, window_bounds = array<i64: 2, 5000, 128>}, {transform_indices = @transform_1, window_bounds = array<i64: 5000, 128>}, {transform_indices = @transform_2, window_bounds = array<i64: 5000, 1>}, {pipeline_mode = #tpu.pipeline_mode<synchronous>, transform_indices = @transform_3, window_bounds = array<i64: 1, 128>}, {pipeline_mode = #tpu.pipeline_mode<synchronous>, transform_indices = @transform_4, window_bounds = array<i64: 128, 128>}, {transform_indices = @transform_5, window_bounds = array<i64: 5000, 128>}]} {
    %get3A = arith.constant 0 : index
    %get3A_0 = arith.constant 0 : index
    %get3A_1 = vector.load %arg3[%get3A, %get3A_0] : memref<5000x1xf32, #tpu.memory_space<vmem>>, vector<5000x1xf32>
    %get3A_2 = arith.constant 0 : index
    %get3A_3 = arith.constant 0 : index
    %get3A_4 = arith.constant 0 : index
    %get3A_5 = vector.load %arg1[%get3A_2, %get3A_3, %get3A_4] : memref<2x5000x128xf32, #tpu.memory_space<vmem>>, vector<1x5000x128xf32>
    %get3A_6 = vector.shape_cast %get3A_5 : vector<1x5000x128xf32> to vector<5000x128xf32>
    %get3A_7 = arith.constant 1 : index
    %get3A_8 = arith.constant 0 : index
    %get3A_9 = arith.constant 0 : index
    %get3A_10 = vector.load %arg1[%get3A_7, %get3A_8, %get3A_9] : memref<2x5000x128xf32, #tpu.memory_space<vmem>>, vector<1x5000x128xf32>
    %get3A_11 = vector.shape_cast %get3A_10 : vector<1x5000x128xf32> to vector<5000x128xf32>
    %add3A = arith.addf %get3A_6, %get3A_11 : vector<5000x128xf32>
    %get3A_12 = arith.constant 0 : index
    %get3A_13 = arith.constant 0 : index
    %get3A_14 = vector.load %arg2[%get3A_12, %get3A_13] : memref<5000x128xf32, #tpu.memory_space<vmem>>, vector<5000x128xf32>
    %add3A_15 = arith.addf %add3A, %get3A_14 : vector<5000x128xf32>
    %mul3A = vector.broadcast %get3A_1 : vector<5000x1xf32> to vector<5000x128xf32>
    %mul3A_16 = arith.mulf %mul3A, %add3A_15 : vector<5000x128xf32>
    %get3A_17 = arith.constant 0 : index
    %get3A_18 = arith.constant 0 : index
    %get3A_19 = vector.load %arg4[%get3A_17, %get3A_18] : memref<1x128xf32, #tpu.memory_space<vmem>>, vector<1x128xf32>
    %add3A_20 = vector.broadcast %get3A_19 : vector<1x128xf32> to vector<5000x128xf32>
    %add3A_21 = arith.addf %mul3A_16, %add3A_20 : vector<5000x128xf32>
    %get3A_22 = arith.constant 0 : index
    %get3A_23 = arith.constant 0 : index
    %get3A_24 = vector.load %arg5[%get3A_22, %get3A_23] : memref<128x128xf32, #tpu.memory_space<vmem>>, vector<128x128xf32>
    %dot_general3A = arith.constant dense<0.000000e+00> : vector<5000x128xf32>
    %dot_general3A_25 = tpu.matmul %add3A_21, %get3A_24, %dot_general3A {dimension_numbers = #tpu.dot_dimension_numbers<[1], [0], [0], [1], [0, 0, 1, 1], [], []>, transpose_lhs_hint = false} : vector<5000x128xf32>, vector<128x128xf32>, vector<5000x128xf32> -> vector<5000x128xf32>
    %mul3A_26 = vector.broadcast %get3A_1 : vector<5000x1xf32> to vector<5000x128xf32>
    %mul3A_27 = arith.mulf %mul3A_26, %dot_general3A_25 : vector<5000x128xf32>
    %swap3A = arith.constant 0 : index
    %swap3A_28 = arith.constant 0 : index
    %swap3A_29 = vector.load %arg6[%swap3A, %swap3A_28] : memref<5000x128xf32, #tpu.memory_space<vmem>>, vector<5000x128xf32>
    tpu.vector_store %arg6[%swap3A, %swap3A_28], %mul3A_27 {strides = array<i32>} : memref<5000x128xf32, #tpu.memory_space<vmem>>, vector<5000x128xf32>,
    return
  }
  func.func @transform_0(%arg0: i32) -> (i32, i32, i32) {
    %c0_i32 = arith.constant 0 : i32
    %c0_i32_0 = arith.constant 0 : i32
    %c0_i32_1 = arith.constant 0 : i32
    return %c0_i32, %arg0, %c0_i32_0 : i32, i32, i32
  }
  func.func @transform_1(%arg0: i32) -> (i32, i32) {
    %c0_i32 = arith.constant 0 : i32
    %c0_i32_0 = arith.constant 0 : i32
    return %arg0, %c0_i32 : i32, i32
  }
  func.func @transform_2(%arg0: i32) -> (i32, i32) {
    %c0_i32 = arith.constant 0 : i32
    %c0_i32_0 = arith.constant 0 : i32
    return %arg0, %c0_i32 : i32, i32
  }
  func.func @transform_3(%arg0: i32) -> (i32, i32) {
    %c0_i32 = arith.constant 0 : i32
    %c0_i32_0 = arith.constant 0 : i32
    %c0_i32_1 = arith.constant 0 : i32
    return %c0_i32, %c0_i32_0 : i32, i32
  }
  func.func @transform_4(%arg0: i32) -> (i32, i32) {
    %c0_i32 = arith.constant 0 : i32
    %c0_i32_0 = arith.constant 0 : i32
    %c0_i32_1 = arith.constant 0 : i32
    return %c0_i32, %c0_i32_0 : i32, i32
  }
  func.func @transform_5(%arg0: i32) -> (i32, i32) {
    %c0_i32 = arith.constant 0 : i32
    %c0_i32_0 = arith.constant 0 : i32
    return %arg0, %c0_i32 : i32, i32
  }
}

module attributes {stable_mosaic.version = 14 : i64} {
  func.func @_kb_body(%arg0: i32, %arg1: memref<2x5000x128xf32, #tpu.memory_space<vmem>>, %arg2: memref<5000x128xf32, #tpu.memory_space<vmem>>, %arg3: memref<5000x1xf32, #tpu.memory_space<vmem>>, %arg4: memref<1x128xf32, #tpu.memory_space<vmem>>, %arg5: memref<128x128xf32, #tpu.memory_space<vmem>>, %arg6: memref<5000x128xf32, #tpu.memory_space<vmem>>) attributes {dimension_semantics = [#tpu.dimension_semantics<arbitrary>], iteration_bounds = array<i64: 2>, scalar_prefetch = 0 : i64, scratch_operands = 0 : i64, tpu.core_type = #tpu.core_type<tc>, window_params = [{transform_indices = @transform_0, window_bounds = array<i64: 2, 5000, 128>}, {transform_indices = @transform_1, window_bounds = array<i64: 5000, 128>}, {transform_indices = @transform_2, window_bounds = array<i64: 5000, 1>}, {pipeline_mode = #tpu.pipeline_mode<synchronous>, transform_indices = @transform_3, window_bounds = array<i64: 1, 128>}, {pipeline_mode = #tpu.pipeline_mode<synchronous>, transform_indices = @transform_4, window_bounds = array<i64: 128, 128>}, {transform_indices = @transform_5, window_bounds = array<i64: 5000, 128>}]} {
    %get3A = arith.constant 0 : index
    %get3A_0 = arith.constant 0 : index
    %get3A_1 = vector.load %arg3[%get3A, %get3A_0] : memref<5000x1xf32, #tpu.memory_space<vmem>>, vector<5000x1xf32>
    %get3A_2 = arith.constant 0 : index
    %get3A_3 = arith.constant 0 : index
    %get3A_4 = arith.constant 0 : index
    %get3A_5 = vector.load %arg1[%get3A_2, %get3A_3, %get3A_4] : memref<2x5000x128xf32, #tpu.memory_space<vmem>>, vector<1x5000x128xf32>
    %get3A_6 = vector.shape_cast %get3A_5 : vector<1x5000x128xf32> to vector<5000x128xf32>
    %get3A_7 = arith.constant 1 : index
    %get3A_8 = arith.constant 0 : index
    %get3A_9 = arith.constant 0 : index
    %get3A_10 = vector.load %arg1[%get3A_7, %get3A_8, %get3A_9] : memref<2x5000x128xf32, #tpu.memory_space<vmem>>, vector<1x5000x128xf32>
    %get3A_11 = vector.shape_cast %get3A_10 : vector<1x5000x128xf32> to vector<5000x128xf32>
    %add3A = arith.addf %get3A_6, %get3A_11 : vector<5000x128xf32>
    %get3A_12 = arith.constant 0 : index
    %get3A_13 = arith.constant 0 : index
    %get3A_14 = vector.load %arg2[%get3A_12, %get3A_13] : memref<5000x128xf32, #tpu.memory_space<vmem>>, vector<5000x128xf32>
    %add3A_15 = arith.addf %add3A, %get3A_14 : vector<5000x128xf32>
    %mul3A = vector.broadcast %get3A_1 : vector<5000x1xf32> to vector<5000x128xf32>
    %mul3A_16 = arith.mulf %mul3A, %add3A_15 : vector<5000x128xf32>
    %get3A_17 = arith.constant 0 : index
    %get3A_18 = arith.constant 0 : index
    %get3A_19 = vector.load %arg4[%get3A_17, %get3A_18] : memref<1x128xf32, #tpu.memory_space<vmem>>, vector<1x128xf32>
    %add3A_20 = vector.broadcast %get3A_19 : vector<1x128xf32> to vector<5000x128xf32>
    %add3A_21 = arith.addf %mul3A_16, %add3A_20 : vector<5000x128xf32>
    %tanh3A = math.tanh %add3A_21 : vector<5000x128xf32>
    %get3A_22 = arith.constant 0 : index
    %get3A_23 = arith.constant 0 : index
    %get3A_24 = vector.load %arg5[%get3A_22, %get3A_23] : memref<128x128xf32, #tpu.memory_space<vmem>>, vector<128x128xf32>
    %dot_general3A = arith.constant dense<0.000000e+00> : vector<5000x128xf32>
    %dot_general3A_25 = tpu.matmul %tanh3A, %get3A_24, %dot_general3A {dimension_numbers = #tpu.dot_dimension_numbers<[1], [0], [0], [1], [0, 0, 1, 1], [], []>, transpose_lhs_hint = false} : vector<5000x128xf32>, vector<128x128xf32>, vector<5000x128xf32> -> vector<5000x128xf32>
    %mul3A_26 = vector.broadcast %get3A_1 : vector<5000x1xf32> to vector<5000x128xf32>
    %mul3A_27 = arith.mulf %mul3A_26, %dot_general3A_25 : vector<5000x128xf32>
    %swap3A = arith.constant 0 : index
    %swap3A_28 = arith.constant 0 : index
    %swap3A_29 = vector.load %arg6[%swap3A, %swap3A_28] : memref<5000x128xf32, #tpu.memory_space<vmem>>, vector<5000x128xf32>
    tpu.vector_store %arg6[%swap3A, %swap3A_28], %mul3A_27 {strides = array<i32>} : memref<5000x128xf32, #tpu.memory_space<vmem>>, vector<5000x128xf32>,
    return
  }
  func.func @transform_0(%arg0: i32) -> (i32, i32, i32) {
    %c0_i32 = arith.constant 0 : i32
    %c0_i32_0 = arith.constant 0 : i32
    %c0_i32_1 = arith.constant 0 : i32
    return %c0_i32, %arg0, %c0_i32_0 : i32, i32, i32
  }
  func.func @transform_1(%arg0: i32) -> (i32, i32) {
    %c0_i32 = arith.constant 0 : i32
    %c0_i32_0 = arith.constant 0 : i32
    return %arg0, %c0_i32 : i32, i32
  }
  func.func @transform_2(%arg0: i32) -> (i32, i32) {
    %c0_i32 = arith.constant 0 : i32
    %c0_i32_0 = arith.constant 0 : i32
    return %arg0, %c0_i32 : i32, i32
  }
  func.func @transform_3(%arg0: i32) -> (i32, i32) {
    %c0_i32 = arith.constant 0 : i32
    %c0_i32_0 = arith.constant 0 : i32
    %c0_i32_1 = arith.constant 0 : i32
    return %c0_i32, %c0_i32_0 : i32, i32
  }
  func.func @transform_4(%arg0: i32) -> (i32, i32) {
    %c0_i32 = arith.constant 0 : i32
    %c0_i32_0 = arith.constant 0 : i32
    %c0_i32_1 = arith.constant 0 : i32
    return %c0_i32, %c0_i32_0 : i32, i32
  }
  func.func @transform_5(%arg0: i32) -> (i32, i32) {
    %c0_i32 = arith.constant 0 : i32
    %c0_i32_0 = arith.constant 0 : i32
    return %arg0, %c0_i32 : i32, i32
  }
}

module attributes {stable_mosaic.version = 14 : i64} {
  func.func @_kb_body(%arg0: i32, %arg1: memref<2x5000x128xf32, #tpu.memory_space<vmem>>, %arg2: memref<5000x128xf32, #tpu.memory_space<vmem>>, %arg3: memref<5000x1xf32, #tpu.memory_space<vmem>>, %arg4: memref<1x128xf32, #tpu.memory_space<vmem>>, %arg5: memref<128x8xf32, #tpu.memory_space<vmem>>, %arg6: memref<5000x16xf32, #tpu.memory_space<vmem>>) attributes {dimension_semantics = [#tpu.dimension_semantics<arbitrary>], iteration_bounds = array<i64: 2>, scalar_prefetch = 0 : i64, scratch_operands = 0 : i64, tpu.core_type = #tpu.core_type<tc>, window_params = [{transform_indices = @transform_0, window_bounds = array<i64: 2, 5000, 128>}, {transform_indices = @transform_1, window_bounds = array<i64: 5000, 128>}, {transform_indices = @transform_2, window_bounds = array<i64: 5000, 1>}, {pipeline_mode = #tpu.pipeline_mode<synchronous>, transform_indices = @transform_3, window_bounds = array<i64: 1, 128>}, {pipeline_mode = #tpu.pipeline_mode<synchronous>, transform_indices = @transform_4, window_bounds = array<i64: 128, 8>}, {transform_indices = @transform_5, window_bounds = array<i64: 5000, 16>}]} {
    %get3A = arith.constant 0 : index
    %get3A_0 = arith.constant 0 : index
    %get3A_1 = vector.load %arg3[%get3A, %get3A_0] : memref<5000x1xf32, #tpu.memory_space<vmem>>, vector<5000x1xf32>
    %get3A_2 = arith.constant 0 : index
    %get3A_3 = arith.constant 0 : index
    %get3A_4 = arith.constant 0 : index
    %get3A_5 = vector.load %arg1[%get3A_2, %get3A_3, %get3A_4] : memref<2x5000x128xf32, #tpu.memory_space<vmem>>, vector<1x5000x128xf32>
    %get3A_6 = vector.shape_cast %get3A_5 : vector<1x5000x128xf32> to vector<5000x128xf32>
    %get3A_7 = arith.constant 1 : index
    %get3A_8 = arith.constant 0 : index
    %get3A_9 = arith.constant 0 : index
    %get3A_10 = vector.load %arg1[%get3A_7, %get3A_8, %get3A_9] : memref<2x5000x128xf32, #tpu.memory_space<vmem>>, vector<1x5000x128xf32>
    %get3A_11 = vector.shape_cast %get3A_10 : vector<1x5000x128xf32> to vector<5000x128xf32>
    %add3A = arith.addf %get3A_6, %get3A_11 : vector<5000x128xf32>
    %get3A_12 = arith.constant 0 : index
    %get3A_13 = arith.constant 0 : index
    %get3A_14 = vector.load %arg2[%get3A_12, %get3A_13] : memref<5000x128xf32, #tpu.memory_space<vmem>>, vector<5000x128xf32>
    %add3A_15 = arith.addf %add3A, %get3A_14 : vector<5000x128xf32>
    %mul3A = vector.broadcast %get3A_1 : vector<5000x1xf32> to vector<5000x128xf32>
    %mul3A_16 = arith.mulf %mul3A, %add3A_15 : vector<5000x128xf32>
    %get3A_17 = arith.constant 0 : index
    %get3A_18 = arith.constant 0 : index
    %get3A_19 = vector.load %arg4[%get3A_17, %get3A_18] : memref<1x128xf32, #tpu.memory_space<vmem>>, vector<1x128xf32>
    %add3A_20 = vector.broadcast %get3A_19 : vector<1x128xf32> to vector<5000x128xf32>
    %add3A_21 = arith.addf %mul3A_16, %add3A_20 : vector<5000x128xf32>
    %ge3A = arith.constant 0.000000e+00 : f32
    %ge3A_22 = vector.broadcast %ge3A : f32 to vector<5000x128xf32>
    %ge3A_23 = arith.cmpf oge, %add3A_21, %ge3A_22 : vector<5000x128xf32>
    %mul3A_24 = arith.constant 0.00999999977 : f32
    %mul3A_25 = vector.broadcast %mul3A_24 : f32 to vector<5000x128xf32>
    %mul3A_26 = arith.mulf %mul3A_25, %add3A_21 : vector<5000x128xf32>
    %select_n3A = arith.select %ge3A_23, %add3A_21, %mul3A_26 : vector<5000x128xi1>, vector<5000x128xf32>
    %get3A_27 = arith.constant 0 : index
    %get3A_28 = arith.constant 0 : index
    %get3A_29 = vector.load %arg5[%get3A_27, %get3A_28] : memref<128x8xf32, #tpu.memory_space<vmem>>, vector<128x8xf32>
    %dot_general3A = arith.constant dense<0.000000e+00> : vector<5000x8xf32>
    %dot_general3A_30 = tpu.matmul %select_n3A, %get3A_29, %dot_general3A {dimension_numbers = #tpu.dot_dimension_numbers<[1], [0], [0], [1], [0, 0, 1, 1], [], []>, transpose_lhs_hint = false} : vector<5000x128xf32>, vector<128x8xf32>, vector<5000x8xf32> -> vector<5000x8xf32>
    %mul3A_31 = vector.broadcast %get3A_1 : vector<5000x1xf32> to vector<5000x8xf32>
    %mul3A_32 = arith.mulf %mul3A_31, %dot_general3A_30 : vector<5000x8xf32>
    %broadcast_in_dim3A = arith.constant 0.000000e+00 : f32
    %broadcast_in_dim3A_33 = vector.broadcast %broadcast_in_dim3A : f32 to vector<5000x8xf32>
    %concatenate3A = tpu.concatenate %mul3A_32, %broadcast_in_dim3A_33 in 1 : vector<5000x8xf32>, vector<5000x8xf32> -> vector<5000x16xf32>
    %swap3A = arith.constant 0 : index
    %swap3A_34 = arith.constant 0 : index
    %swap3A_35 = vector.load %arg6[%swap3A, %swap3A_34] : memref<5000x16xf32, #tpu.memory_space<vmem>>, vector<5000x16xf32>
    tpu.vector_store %arg6[%swap3A, %swap3A_34], %concatenate3A {strides = array<i32>} : memref<5000x16xf32, #tpu.memory_space<vmem>>, vector<5000x16xf32>,
    return
  }
  func.func @transform_0(%arg0: i32) -> (i32, i32, i32) {
    %c0_i32 = arith.constant 0 : i32
    %c0_i32_0 = arith.constant 0 : i32
    %c0_i32_1 = arith.constant 0 : i32
    return %c0_i32, %arg0, %c0_i32_0 : i32, i32, i32
  }
  func.func @transform_1(%arg0: i32) -> (i32, i32) {
    %c0_i32 = arith.constant 0 : i32
    %c0_i32_0 = arith.constant 0 : i32
    return %arg0, %c0_i32 : i32, i32
  }
  func.func @transform_2(%arg0: i32) -> (i32, i32) {
    %c0_i32 = arith.constant 0 : i32
    %c0_i32_0 = arith.constant 0 : i32
    return %arg0, %c0_i32 : i32, i32
  }
  func.func @transform_3(%arg0: i32) -> (i32, i32) {
    %c0_i32 = arith.constant 0 : i32
    %c0_i32_0 = arith.constant 0 : i32
    %c0_i32_1 = arith.constant 0 : i32
    return %c0_i32, %c0_i32_0 : i32, i32
  }
  func.func @transform_4(%arg0: i32) -> (i32, i32) {
    %c0_i32 = arith.constant 0 : i32
    %c0_i32_0 = arith.constant 0 : i32
    %c0_i32_1 = arith.constant 0 : i32
    return %c0_i32, %c0_i32_0 : i32, i32
  }
  func.func @transform_5(%arg0: i32) -> (i32, i32) {
    %c0_i32 = arith.constant 0 : i32
    %c0_i32_0 = arith.constant 0 : i32
    return %arg0, %c0_i32 : i32, i32
  }
}

module attributes {stable_mosaic.version = 14 : i64} {
  func.func @_kc_body(%arg0: i32, %arg1: memref<2x5000x16xf32, #tpu.memory_space<vmem>>, %arg2: memref<5000x16xf32, #tpu.memory_space<vmem>>, %arg3: memref<5000x1xf32, #tpu.memory_space<vmem>>, %arg4: memref<1x8xf32, #tpu.memory_space<vmem>>, %arg5: memref<8x1xf32, #tpu.memory_space<vmem>>, %arg6: memref<1x1xf32, #tpu.memory_space<vmem>>, %arg7: memref<5000x1xf32, #tpu.memory_space<vmem>>) attributes {dimension_semantics = [#tpu.dimension_semantics<arbitrary>], iteration_bounds = array<i64: 2>, scalar_prefetch = 0 : i64, scratch_operands = 0 : i64, tpu.core_type = #tpu.core_type<tc>, window_params = [{transform_indices = @transform_0, window_bounds = array<i64: 2, 5000, 16>}, {transform_indices = @transform_1, window_bounds = array<i64: 5000, 16>}, {transform_indices = @transform_2, window_bounds = array<i64: 5000, 1>}, {pipeline_mode = #tpu.pipeline_mode<synchronous>, transform_indices = @transform_3, window_bounds = array<i64: 1, 8>}, {pipeline_mode = #tpu.pipeline_mode<synchronous>, transform_indices = @transform_4, window_bounds = array<i64: 8, 1>}, {pipeline_mode = #tpu.pipeline_mode<synchronous>, transform_indices = @transform_5, window_bounds = array<i64: 1, 1>}, {transform_indices = @transform_6, window_bounds = array<i64: 5000, 1>}]} {
    %get3A = arith.constant 0 : index
    %get3A_0 = arith.constant 0 : index
    %get3A_1 = arith.constant 0 : index
    %get3A_2 = vector.load %arg1[%get3A, %get3A_0, %get3A_1] : memref<2x5000x16xf32, #tpu.memory_space<vmem>>, vector<1x5000x16xf32>
    %get3A_3 = vector.shape_cast %get3A_2 : vector<1x5000x16xf32> to vector<5000x16xf32>
    %get3A_4 = arith.constant 1 : index
    %get3A_5 = arith.constant 0 : index
    %get3A_6 = arith.constant 0 : index
    %get3A_7 = vector.load %arg1[%get3A_4, %get3A_5, %get3A_6] : memref<2x5000x16xf32, #tpu.memory_space<vmem>>, vector<1x5000x16xf32>
    %get3A_8 = vector.shape_cast %get3A_7 : vector<1x5000x16xf32> to vector<5000x16xf32>
    %add3A = arith.addf %get3A_3, %get3A_8 : vector<5000x16xf32>
    %get3A_9 = arith.constant 0 : index
    %get3A_10 = arith.constant 0 : index
    %get3A_11 = vector.load %arg2[%get3A_9, %get3A_10] : memref<5000x16xf32, #tpu.memory_space<vmem>>, vector<5000x16xf32>
    %add3A_12 = arith.addf %add3A, %get3A_11 : vector<5000x16xf32>
    %slice3A = vector.extract_strided_slice %add3A_12 {offsets = [0, 0], sizes = [5000, 8], strides = [1, 1]} : vector<5000x16xf32> to vector<5000x8xf32>
    %get3A_13 = arith.constant 0 : index
    %get3A_14 = arith.constant 0 : index
    %get3A_15 = vector.load %arg3[%get3A_13, %get3A_14] : memref<5000x1xf32, #tpu.memory_space<vmem>>, vector<5000x1xf32>
    %mul3A = vector.broadcast %get3A_15 : vector<5000x1xf32> to vector<5000x8xf32>
    %mul3A_16 = arith.mulf %mul3A, %slice3A : vector<5000x8xf32>
    %get3A_17 = arith.constant 0 : index
    %get3A_18 = arith.constant 0 : index
    %get3A_19 = vector.load %arg4[%get3A_17, %get3A_18] : memref<1x8xf32, #tpu.memory_space<vmem>>, vector<1x8xf32>
    %add3A_20 = vector.broadcast %get3A_19 : vector<1x8xf32> to vector<5000x8xf32>
    %add3A_21 = arith.addf %mul3A_16, %add3A_20 : vector<5000x8xf32>
    %ge3A = arith.constant 0.000000e+00 : f32
    %ge3A_22 = vector.broadcast %ge3A : f32 to vector<5000x8xf32>
    %ge3A_23 = arith.cmpf oge, %add3A_21, %ge3A_22 : vector<5000x8xf32>
    %mul3A_24 = arith.constant 0.00999999977 : f32
    %mul3A_25 = vector.broadcast %mul3A_24 : f32 to vector<5000x8xf32>
    %mul3A_26 = arith.mulf %mul3A_25, %add3A_21 : vector<5000x8xf32>
    %select_n3A = arith.select %ge3A_23, %add3A_21, %mul3A_26 : vector<5000x8xi1>, vector<5000x8xf32>
    %get3A_27 = arith.constant 0 : index
    %get3A_28 = arith.constant 0 : index
    %get3A_29 = vector.load %arg5[%get3A_27, %get3A_28] : memref<8x1xf32, #tpu.memory_space<vmem>>, vector<8x1xf32>
    %dot_general3A = arith.constant dense<0.000000e+00> : vector<5000x1xf32>
    %dot_general3A_30 = tpu.matmul %select_n3A, %get3A_29, %dot_general3A {dimension_numbers = #tpu.dot_dimension_numbers<[1], [0], [0], [1], [0, 0, 1, 1], [], []>, transpose_lhs_hint = false} : vector<5000x8xf32>, vector<8x1xf32>, vector<5000x1xf32> -> vector<5000x1xf32>
    %get3A_31 = arith.constant 0 : index
    %get3A_32 = arith.constant 0 : index
    %get3A_33 = vector.load %arg6[%get3A_31, %get3A_32] : memref<1x1xf32, #tpu.memory_space<vmem>>, vector<1x1xf32>
    %add3A_34 = vector.broadcast %get3A_33 : vector<1x1xf32> to vector<5000x1xf32>
    %add3A_35 = arith.addf %dot_general3A_30, %add3A_34 : vector<5000x1xf32>
    %gt3A = arith.constant 0.000000e+00 : f32
    %gt3A_36 = vector.broadcast %gt3A : f32 to vector<5000x1xf32>
    %gt3A_37 = arith.cmpf ogt, %add3A_35, %gt3A_36 : vector<5000x1xf32>
    %exp3A = math.exp %add3A_35 : vector<5000x1xf32>
    %sub3A = arith.constant 1.000000e+00 : f32
    %sub3A_38 = vector.broadcast %sub3A : f32 to vector<5000x1xf32>
    %sub3A_39 = arith.subf %exp3A, %sub3A_38 : vector<5000x1xf32>
    %select_n3A_40 = arith.select %gt3A_37, %add3A_35, %sub3A_39 : vector<5000x1xi1>, vector<5000x1xf32>
    %swap3A = arith.constant 0 : index
    %swap3A_41 = arith.constant 0 : index
    %swap3A_42 = vector.load %arg7[%swap3A, %swap3A_41] : memref<5000x1xf32, #tpu.memory_space<vmem>>, vector<5000x1xf32>
    tpu.vector_store %arg7[%swap3A, %swap3A_41], %select_n3A_40 {strides = array<i32>} : memref<5000x1xf32, #tpu.memory_space<vmem>>, vector<5000x1xf32>,
    return
  }
  func.func @transform_0(%arg0: i32) -> (i32, i32, i32) {
    %c0_i32 = arith.constant 0 : i32
    %c0_i32_0 = arith.constant 0 : i32
    %c0_i32_1 = arith.constant 0 : i32
    return %c0_i32, %arg0, %c0_i32_0 : i32, i32, i32
  }
  func.func @transform_1(%arg0: i32) -> (i32, i32) {
    %c0_i32 = arith.constant 0 : i32
    %c0_i32_0 = arith.constant 0 : i32
    return %arg0, %c0_i32 : i32, i32
  }
  func.func @transform_2(%arg0: i32) -> (i32, i32) {
    %c0_i32 = arith.constant 0 : i32
    %c0_i32_0 = arith.constant 0 : i32
    return %arg0, %c0_i32 : i32, i32
  }
  func.func @transform_3(%arg0: i32) -> (i32, i32) {
    %c0_i32 = arith.constant 0 : i32
    %c0_i32_0 = arith.constant 0 : i32
    %c0_i32_1 = arith.constant 0 : i32
    return %c0_i32, %c0_i32_0 : i32, i32
  }
  func.func @transform_4(%arg0: i32) -> (i32, i32) {
    %c0_i32 = arith.constant 0 : i32
    %c0_i32_0 = arith.constant 0 : i32
    %c0_i32_1 = arith.constant 0 : i32
    return %c0_i32, %c0_i32_0 : i32, i32
  }
  func.func @transform_5(%arg0: i32) -> (i32, i32) {
    %c0_i32 = arith.constant 0 : i32
    %c0_i32_0 = arith.constant 0 : i32
    %c0_i32_1 = arith.constant 0 : i32
    return %c0_i32, %c0_i32_0 : i32, i32
  }
  func.func @transform_6(%arg0: i32) -> (i32, i32) {
    %c0_i32 = arith.constant 0 : i32
    %c0_i32_0 = arith.constant 0 : i32
    return %arg0, %c0_i32 : i32, i32
  }
}

</mosaic_0001>

<sc_bundles>
// kernel: kernel.12.cloned.1.call-start
scs
__scs_entry_jumppad:
0x0: {  	(pc) =	sbr.rel $0x88, $3  }
0x1: {  	(tag) =	ssettag $0x0;
	lr =	simm.s32 $0x1  }
0x2: {  	[smem:$0x3F95] =	sst lr;
	_ =	strace $0xD0000000  }
0x3: {  	_ = 	snop  }
0x4: {  	_ = 	snop  }
0x5: {  	_ = 	snop  }
0x6: {  	_ = 	snop  }
0x7: {  	_ = 	snop  }
__scs_overlays_trampoline_lowered:
0x8: {  	[smem:$0x3FA4] =	sst s0  }
0x9: {  	[smem:$0x3FA5] =	sst s1  }
0xa: {  	[smem:$0x3FA6] =	sst s2  }
0xb: {  	[smem:$0x3FA7] =	sst s3  }
0xc: {  	[smem:$0x3FA8] =	sst s4  }
0xd: {  	[smem:$0x3FA9] =	sst s5  }
0xe: {  	[smem:$0x3FAA] =	sst s6  }
0xf: {  	[smem:$0x3FAB] =	sst s7  }
0x10: {  	[smem:$0x3FAC] =	sst s8  }
0x11: {  	[smem:$0x3FAD] =	sst s9;
	s0 =	simm.s32 @!p0 $0x0  }
0x12: {  	s1 =	sld [smem:$0x3F93];
	s0 =	simm.s32 @p0 $0x1  }
0x13: {  	[smem:$0x3FAE] =	sst s0;
	s0 =	simm.s32 @!p1 $0x0  }
0x14: {  	s2 =	sld [smem:$0x3F92];
	s0 =	simm.s32 @p1 $0x1  }
0x15: {  	[smem:$0x3FAF] =	sst s0;
	s0 =	simm.s32 @!p2 $0x0  }
0x16: {  	s3 =	sld [smem:$0x3FDB];
	s0 =	simm.s32 @p2 $0x1  }
0x17: {  	s4 =	simm.s32 $0x1BF5;
	[smem:$0x3FB1] =	sst s0  }
0x18: {  	s0 =	sld [smem:$0x3F94];
	_ =	swait.ge [sflag:s4], $0x0  }
0x19: {  	s7 =	sld [smem:$0x3F95]  }
0x1a: {  	s8 =	sadd.s32 $0xFFFFE003, lr  }
0x1b: {  	s9 =	sadd.s32 $0xFFFFFEF7, lr;
	s5 =	simm.s32 $0xFFFFFFFF;
	p2 =	slt.u32 s8, $0xFFFFF086  }
0x1c: {  	p1 =	slt.u32 s9, $0xF7A;
	s5 =	simm.s32 @!p2 $0x0  }
0x1d: {  	s5 =	simm.s32 @p1 $0x1;
	p0 =	seq.s32 s7, s2  }
0x1e: {  	s7 =	smul.u32 @!p0 $0xF7A, s2;
	p2 =	seq.s32 @!p0 s5, $0x0  }
0x1f: {  	s9 =	smul.u32 $0xF7A, s1;
	s8 =	simm.s32 @!p0 $0x1BF5;
	p2 =	por !p2, p0  }
0x20: {  	[sflag:s8] =	ssyncset.s32 @!p0 $0xFFFFF086;
	s6 =	sadd.s32 @!p0 s3, s7;
	s7 =	simm.s32 @!p0 $0x108  }
0x21: {  	s3 =	sadd.s32 s3, s9;
	s6 =	sadd.s32 @!p0 $0x88, s6;
	s7 =	simm.s32 @p2 $0x1082  }
0x22: {  	[simem:s7], [sflag:s8] =	dma.local @!p0 [hbm:s6], $0xF7A  }
0x23: {  	s9 =	sor.u32 $0xD0000000, s2;
	s6 =	simm.s32 $0x108;
	_ =	swait.ge @!p0 [sflag:s8], $0x0  }
0x24: {  	s3 =	sadd.s32 $0x88, s3;
	s6 =	simm.s32 @!p1 $0x1082;
	[sflag:s4] =	ssyncset.s32 $0xFFFFF086  }
0x25: {  	[simem:s6], [sflag:s4] =	dma.local [hbm:s3], $0xF7A  }
0x26: {  	[smem:$0x3F95] =	sst s1;
	(tag) =	ssettag s2;
	_ =	strace s9  }
0x27: {  	s1 =	sld [smem:$0x3FA5]  }
0x28: {  	s2 =	sld [smem:$0x3FA6]  }
0x29: {  	s4 =	sld [smem:$0x3FA8]  }
0x2a: {  	p0 =	seq.s32 s5, $0x0;
	s5 =	sld [smem:$0x3FA9]  }
0x2b: {  	s6 =	sld [smem:$0x3FAA]  }
0x2c: {  	s7 =	sld [smem:$0x3FAB]  }
0x2d: {  	s3 =	simm.s32 $0x108;
	s8 =	sld [smem:$0x3FAC]  }
0x2e: {  	s3 =	simm.s32 @!p0 $0x1082;
	s9 =	sld [smem:$0x3FAD]  }
0x2f: {  	lr =	sadd.s32 s0, s3;
	s0 =	sld [smem:$0x3FA4]  }
0x30: {  	s3 =	sld [smem:$0x3FA7]  }
0x31: {  	[smem:$0x3FB0] =	sst s10  }
0x32: {  	s10 =	sld [smem:$0x3FAE];
	_ =	sdelay $0x3  }
0x33: {  	p0 =	seq.s32 s10, $0x1;
	s10 =	sld [smem:$0x3FB0];
	_ =	sdelay $0x3  }
0x34: {  	[smem:$0x3FB0] =	sst s10  }
0x35: {  	s10 =	sld [smem:$0x3FAF];
	_ =	sdelay $0x3  }
0x36: {  	p1 =	seq.s32 s10, $0x1;
	s10 =	sld [smem:$0x3FB0];
	_ =	sdelay $0x3  }
0x37: {  	[smem:$0x3FB0] =	sst s10  }
0x38: {  	s10 =	sld [smem:$0x3FB1]  }
0x39: {  	_ = 	snop;
	(pc) =	sbr.ind lr, $3  }
0x3a: {  	_ = 	snop  }
0x3b: {  	_ = 	snop  }
0x3c: {  	p2 =	seq.s32 s10, $0x1;
	s10 =	sld [smem:$0x3FB0]  }
0x3d: {  	_ =	shalt  }
0x3e: {  	_ =	shalt  }
0x3f: {  	_ =	shalt  }
0x40: {  	_ =	shalt  }
0x41: {  	_ =	shalt  }
0x42: {  	_ =	shalt  }
0x43: {  	_ =	shalt  }
0x44: {  	_ =	shalt  }
0x45: {  	_ =	shalt  }
0x46: {  	_ =	shalt  }
0x47: {  	_ =	shalt  }
0x48: {  	_ =	shalt  }
0x49: {  	_ =	shalt  }
0x4a: {  	_ =	shalt  }
0x4b: {  	_ =	shalt  }
0x4c: {  	_ =	shalt  }
0x4d: {  	_ =	shalt  }
0x4e: {  	_ =	shalt  }
0x4f: {  	_ =	shalt  }
0x50: {  	_ =	shalt  }
0x51: {  	_ =	shalt  }
0x52: {  	_ =	shalt  }
0x53: {  	_ =	shalt  }
0x54: {  	_ =	shalt  }
0x55: {  	_ =	shalt  }
0x56: {  	_ =	shalt  }
0x57: {  	_ =	shalt  }
0x58: {  	_ =	shalt  }
0x59: {  	_ =	shalt  }
0x5a: {  	_ =	shalt  }
0x5b: {  	_ =	shalt  }
0x5c: {  	_ =	shalt  }
0x5d: {  	_ =	shalt  }
0x5e: {  	_ =	shalt  }
0x5f: {  	_ =	shalt  }
0x60: {  	_ =	shalt  }
0x61: {  	_ =	shalt  }
0x62: {  	_ =	shalt  }
0x63: {  	_ =	shalt  }
0x64: {  	_ =	shalt  }
0x65: {  	_ =	shalt  }
0x66: {  	_ =	shalt  }
0x67: {  	_ =	shalt  }
0x68: {  	_ =	shalt  }
0x69: {  	_ =	shalt  }
0x6a: {  	_ =	shalt  }
0x6b: {  	_ =	shalt  }
0x6c: {  	_ =	shalt  }
0x6d: {  	_ =	shalt  }
0x6e: {  	_ =	shalt  }
0x6f: {  	_ =	shalt  }
0x70: {  	_ =	shalt  }
0x71: {  	_ =	shalt  }
0x72: {  	_ =	shalt  }
0x73: {  	_ =	shalt  }
0x74: {  	_ =	shalt  }
0x75: {  	_ =	shalt  }
0x76: {  	_ =	shalt  }
0x77: {  	_ =	shalt  }
0x78: {  	_ =	shalt  }
0x79: {  	_ =	shalt  }
0x7a: {  	_ =	shalt  }
0x7b: {  	_ =	shalt  }
0x7c: {  	_ =	shalt  }
0x7d: {  	_ =	shalt  }
0x7e: {  	_ =	shalt  }
0x7f: {  	_ =	shalt  }
0x80: {  	_ =	shalt  }
0x81: {  	_ =	shalt  }
0x82: {  	_ =	shalt  }
0x83: {  	_ =	shalt  }
0x84: {  	_ =	shalt  }
0x85: {  	_ =	shalt  }
0x86: {  	_ =	shalt  }
0x87: {  	_ =	shalt  }
.Lfunc_end0:
.L_simem_size_0:
called_computation_lowered:
.L_overlay_start_0:
0x88: {  	s2 =	sld [smem:$0x3FD9]  }
0x89: {  	s3 =	sld [smem:$0x3FFE];
	_ =	sdelay $0x1  }
0x8a: {  	s1 =	srdreg.scid  }
0x8b: {  	s0 =	sand.u32 $0x1, s1  }
0x8c: {  	s17 =	sshll.u32 s0, $0xA;
	s2 =	sadd.s32 s3, s2  }
0x8d: {  	s2 =	sadd.s32 s2, s17  }
0x8e: {  	[smem:$0x3FBC] =	sst s2  }
0x8f: {  	_ = 	snop  }
0x90: {  	s2 =	sld [smem:$0x3FD0];
	(tm) =	ssettm $0x1  }
0x91: {  	s18 =	sld [smem:$0x3FFB];
	_ =	sdelay $0x3  }
0x92: {  	_ =	strace s18  }
0x93: {  	s3 =	sld [smem:$0x3FFC];
	_ =	sdelay $0x3  }
0x94: {  	_ =	strace s3  }
0x95: {  	s3 =	sld [smem:$0x3FFD];
	_ =	sdelay $0x3  }
0x96: {  	_ =	strace s3  }
0x97: {  	_ =	strace $0x8FFFFFFF  }
0x98: {  	s19 =	sld [smem:$0x3FDB];
	_ =	sdelay $0x1  }
0x99: {  	s4 =	simm.s32 $_scs_section_size  }
0x9a: {  	s5 =	simm.s32 $_size__tile_overlayer_lowered;
	s6 =	simm.s32 $_tile_overlayer_lowered  }
0x9b: {  	s22 =	simm.s32 $0x1BFF;
	s21 =	sshll.u32 s6, $0x1;
	s3 =	sadd.s32 s4, s19  }
0x9c: {  	s7 =	simm.s32 $0x0;
	s20 =	sshll.u32 s5, $0x1;
	s5 =	sadd.s32 s21, s3  }
0x9d: {  	[timem:s7], [sflag:s22] =	dma.local [hbm:s5], s20  }
0x9e: {  	_ =	swait.ge [sflag:s22], s20  }
0x9f: {  	s4 =	ssub.s32 $0x0, s20;
	[sflag:s22] =	ssyncset.done $0x0  }
0xa0: {  	[sflag:s22] =	ssyncadd.s32 s4;
	_ =	sdelay $0x1  }
0xa1: {  	s23 =	simm.s32 $0x1B8B  }
0xa2: {  	_ =	swait.ge [sflag:s23], $0x1  }
0xa3: {  	[sflag:s23] =	ssyncset.done $0x0  }
0xa4: {  	s25 =	simm.s32 $0x1B8E;
	s24 =	sld [smem:$0x3FFE];
	[sflag:s23] =	ssyncadd.s32 $0xFFFFFFFF  }
0xa5: {  	s26 =	simm.s32 $execute0_lowered;
	[smem:$0x3FD2] =	sst s25  }
0xa6: {  	s5 =	sshll.u32 s26, $0x1;
	_ =	strace $0x80000046;
	[dreg:$0x1] =	wrdreg $0xFFFFFFFF  }
0xa7: {  	s28 =	simm.s32 $_size_execute0_lowered;
	s3 =	sadd.s32 s3, s5;
	[dreg:$0x0] =	wrdreg $0x0  }
0xa8: {  	s5 =	sshll.u32 s28, $0x1;
	[dreg:$0x2] =	wrdreg s3  }
0xa9: {  	[dreg:$0x3] =	wrdreg s5  }
0xaa: {  	[dreg:$0x4] =	wrdreg $0xC0  }
0xab: {  	_ =	task [dreg:s7], $0x5FFFF  }
0xac: {  	[dreg:$0x1] =	wrdreg $0xFFFFFFFF  }
0xad: {  	[dreg:$0x0] =	wrdreg $0x60  }
0xae: {  	[dreg:$0x2] =	wrdreg s24  }
0xaf: {  	[dreg:$0x3] =	wrdreg s2  }
0xb0: {  	[dreg:$0x4] =	wrdreg $0x40100  }
0xb1: {  	[dreg:$0x5] =	wrdreg $0x9  }
0xb2: {  	_ =	task.clear_ibuf [dreg:s7], $0x6FFFF;
	_ =	strace $0x90000046  }
0xb3: {  	s29 =	simm.s32 $0x9;
	_ =	strace $0x80000048  }
0xb4: {  	_ =	swait.ge [sflag:s29], $0x1  }
0xb5: {  	[sflag:s29] =	ssyncadd.s32 $0xFFFFFFFF  }
0xb6: {  	_ =	strace $0x90000048  }
0xb7: {  	_ =	sfence  }
0xb8: {  	s30 =	sld [smem:$0x0];
	_ =	sdelay $0x2  }
0xb9: {  	s31 =	sshll.u32 s1, $0xD;
	s1 =	sshrl.u32 s1, $0x2  }
0xba: {  	s3 =	sand.u32 $0x4000, s31;
	s1 =	sadd.s32 s1, s30  }
0xbb: {  	s0 =	sor.u32 s3, s0;
	s1 =	sshll.u32 s1, $0x11  }
0xbc: {  	s0 =	sor.u32 s1, s0  }
0xbd: {  	s0 =	sadd.s32 $0x8F2B, s0  }
0xbe: {  	[sflag:s0] =	ssyncadd.remote.s32 $0x1  }
0xbf: {  	_ =	sfence.sel $0xFFFF  }
0xc0: {  	[dreg:$0x0] =	wrdreg $0xFFFFFFFF;
	(pc) =	sbr.abs _section_cstart, $3  }
0xc1: {  	[dreg:$0x1] =	wrdreg $0xFFFFFFFF  }
0xc2: {  	_ =	task.clear_ibuf [dreg:s7], $0x2FFFF;
	_ =	strace $0x9FFFFFFF  }
0xc3: {  	(tm) =	ssettm $0x7FFFFFFF  }
tec
execute0_lowered:
.L_overlay_start_1:
0x0: {  	(tag) =	ssettag $0x1  }
0x1: {  	s5 =	rddreg [dreg:$0x0]  }
0x2: {  	s2 =	rddreg [dreg:$0x1]  }
0x3: {  	s3 =	rddreg [dreg:$0x2]  }
0x4: {  	s0 =	rddreg [dreg:$0x3];
	s1 =	stileid.u32  }
0x5: {  	s4 =	srdreg.scid;
	s13 =	simm.s32 $0x1;
	s14 =	simm.s32 $0x190  }
0x6: {  	s15 =	simm.s32 $0x0;
	s6 =	smul.u32 $0x2780, s1;
	s7 =	sand.u32 $0x1, s4  }
0x7: {  	s8 =	sshll.u32 s1, $0x1;
	s4 =	simm.s32 $0x0;
	s31 =	sshll.u32 s1, $0x6  }
0x8: {  	s9 =	smul.u32 $0x27800, s7;
	s8 =	sor.u32 s7, s8;
	[smem:$0x7FF] =	sst s4  }
0x9: {  	s7 =	ssub.s32 $0x2, s7;
	s10 =	sshrl.u32 s6, $0x3;
	s8 =	smul.u32 $0x2710, s8  }
0xa: {  	_ =	strace $0x80000047;
	s11 =	sshrl.u32 s7, $0x1;
	s12 =	sadd.s32 s6, s3  }
0xb: {  	s10 =	sadd.s32 s10, s5;
	s9 =	sadd.s32 s6, s9;
	s11 =	ssub.s32 s7, s11  }
0xc: {  	s12 =	sshrl.u32 s12, $0x3;
	s8 =	sshrl.u32 s8, $0x3;
	s9 =	sshrl.u32 s9, $0x3  }
0xd: {  	s6 =	sadd.s32 $0x17800, s10;
	s8 =	sadd.s32 s5, s8;
	s9 =	sadd.s32 s9, s5  }
0xe: {  	s10 =	simm.s32 $0x2;
	s5 =	sadd.s32 $0xDA40, s8;
	s7 =	sadd.s32 $0x1C800, s9  }
0xf: {  	s8 =	smax.u32 s11, $0x1;
	s9 =	simm.s32 $0x2710;
	s11 =	sor.u32 $0x1C02, s31  }
.LBB2_1:
0x10: {  	[tilespmem:s4], [sflag:$0x1] =	stream.linear.gather [hbm4b:s5+s4], $0x2710, $0x38;
	[tilespmem:$0x6790] =	vst v63  }
0x11: {  	_ = 	snop  }
0x12: {  	[tilespmem:s9], [sflag:$0x2] =	stream.linear.gather [hbm4b:s2+s4], $0x1900, $0x38;
	[tilespmem:$0x6790] =	vst v63  }
0x13: {  	_ =	swait.ge [sflag:s10], $0x1900  }
0x14: {  	[sflag:s10] =	ssyncset.done $0x0  }
0x15: {  	[sflag:s10] =	ssyncadd.s32 $0xFFFFE700  }
0x16: {  	[spmem:s12], [sflag:s11] =	dma.local [hbm:s6], $0x4F0  }
0x17: {  	_ =	swait.ge [sflag:s10], $0x4F0  }
0x18: {  	[sflag:s10] =	ssyncset.done $0x0  }
0x19: {  	[sflag:s10] =	ssyncadd.s32 $0xFFFFFB10  }
0x1a: {  	_ =	swait.ge [sflag:s13], $0x2710  }
0x1b: {  	[sflag:s13] =	ssyncset.done $0x0  }
0x1c: {  	[sflag:s13] =	ssyncadd.s32 $0xFFFFD8F0  }
0x1d: {  	s16 =	simm.s32 $0x0;
	[bflag:$0x0] =	sbarrier.arrive $0xFFFF  }
0x1e: {  	[spmem:s3] =	stream.indirect.scatter.add.f32 [tilespmem:s9], [sflag:$0x2], $0x10, s16, s14, $0xb8;
	[tilespmem:$0x6790] =	vst v63  }
0x1f: {  	_ =	swait.ge [sflag:s10], $0x1900  }
0x20: {  	s16 =	simm.s32 $0x640;
	[sflag:s10] =	ssyncset.done $0x0  }
.LBB2_2:
0x21: {  	s17 =	sshra.s32 s16, $0x2;
	[sflag:s10] =	ssyncadd.s32 $0xFFFFE700;
	p0 =	sne.s32 s16, $0x9600  }
0x22: {  	[spmem:s3] =	stream.indirect.scatter.add.f32 [tilespmem:s9], [sflag:$0x2], $0x10, s17, s14, $0xb8;
	[tilespmem:$0x6790] =	vst v63  }
.Ltmp0:
0x23: {  	_ = 	snop;
	(pc) =	sbr.rel @p0 .LBB2_2-.Ltmp0, $4  }
0x24: {  	_ = 	snop  }
0x25: {  	s16 =	sadd.s32 $0x640, s16  }
0x26: {  	_ =	swait.ge [sflag:s10], $0x1900  }
0x27: {  	[sflag:s10] =	ssyncset.done $0x0  }
0x28: {  	s15 =	sadd.s32 $0x1, s15  }
0x29: {  	[sflag:s10] =	ssyncadd.s32 $0xFFFFE700;
	p0 =	sne.s32 s15, s8  }
.Ltmp1:
0x2a: {  	[bflag:$0x0] =	sbarrier.arrive $0xFFFF;
	(pc) =	sbr.rel @p0 .LBB2_1-.Ltmp1, $4  }
0x2b: {  	[hbm:s7], [sflag:s11] =	dma.local [spmem:s12], $0x4F0  }
0x2c: {  	_ =	swait.ge [sflag:s10], $0x4F0  }
0x2d: {  	[sflag:s10] =	ssyncset.done $0x0  }
0x2e: {  	[sflag:s10] =	ssyncadd.s32 $0xFFFFFB10  }
0x2f: {  	_ =	sfence.sel $0x180000  }
0x30: {  	[bflag:$0x0] =	sbarrier.arrive $0xFFFF  }
0x31: {  	p0 =	sne.s32 s1, $0x0;
	_ =	strace $0x90000047  }
0x32: {  	s0 =	sadd.s32 @!p0 $0x100000, s0;
	[bflag:$0x2] =	sbarrier.arrive $0xFFFF  }
0x33: {  	[sflag:s0] =	ssyncadd.tile.s32 @!p0 $0x1;
	_ =	shalt  }
.Lfunc_end2:
_tile_overlayer_lowered:
.L_overlay_start_2:
0x34: {  	(tag) =	ssettag $0x2  }
0x35: {  	s0 =	rddreg [dreg:$0x0];
	s2 =	stileid.u32  }
0x36: {  	s1 =	rddreg [dreg:$0x1];
	p0 =	sne.s32 s2, $0x0  }
0x37: {  	s3 =	rddreg [dreg:$0x2];
	[bflag:$0x3] =	sbarrier.arrive $0xFFFF;
	s2 =	simm.s32 @!p0 $0x1C02  }
0x38: {  	[timem:s3], [sflag:s2] =	dma.local @!p0 [hbm:s0], s1  }
0x39: {  	s0 =	simm.s32 @!p0 $0x2  }
0x3a: {  	_ =	swait.ge @!p0 [sflag:s0], s1  }
0x3b: {  	s1 =	ssub.s32 @!p0 $0x0, s1;
	[sflag:s0] =	ssyncset.done @!p0 $0x0  }
0x3c: {  	[sflag:s0] =	ssyncadd.s32 @!p0 s1  }
0x3d: {  	[bflag:$0x3] =	sbarrier.arrive $0xFFFF  }
0x3e: {  	_ =	shalt  }

// kernel: kernel.15.cloned.1.call-start
scs
__scs_entry_jumppad:
0x0: {  	(pc) =	sbr.rel $0x88, $3  }
0x1: {  	(tag) =	ssettag $0x0;
	lr =	simm.s32 $0x1  }
0x2: {  	[smem:$0x3F95] =	sst lr;
	_ =	strace $0xD0000000  }
0x3: {  	_ = 	snop  }
0x4: {  	_ = 	snop  }
0x5: {  	_ = 	snop  }
0x6: {  	_ = 	snop  }
0x7: {  	_ = 	snop  }
__scs_overlays_trampoline_lowered:
0x8: {  	[smem:$0x3FA4] =	sst s0  }
0x9: {  	[smem:$0x3FA5] =	sst s1  }
0xa: {  	[smem:$0x3FA6] =	sst s2  }
0xb: {  	[smem:$0x3FA7] =	sst s3  }
0xc: {  	[smem:$0x3FA8] =	sst s4  }
0xd: {  	[smem:$0x3FA9] =	sst s5  }
0xe: {  	[smem:$0x3FAA] =	sst s6  }
0xf: {  	[smem:$0x3FAB] =	sst s7  }
0x10: {  	[smem:$0x3FAC] =	sst s8  }
0x11: {  	[smem:$0x3FAD] =	sst s9;
	s0 =	simm.s32 @!p0 $0x0  }
0x12: {  	s1 =	sld [smem:$0x3F93];
	s0 =	simm.s32 @p0 $0x1  }
0x13: {  	[smem:$0x3FAE] =	sst s0;
	s0 =	simm.s32 @!p1 $0x0  }
0x14: {  	s2 =	sld [smem:$0x3F92];
	s0 =	simm.s32 @p1 $0x1  }
0x15: {  	[smem:$0x3FAF] =	sst s0;
	s0 =	simm.s32 @!p2 $0x0  }
0x16: {  	s3 =	sld [smem:$0x3FDB];
	s0 =	simm.s32 @p2 $0x1  }
0x17: {  	s4 =	simm.s32 $0x1BF5;
	[smem:$0x3FB1] =	sst s0  }
0x18: {  	s0 =	sld [smem:$0x3F94];
	_ =	swait.ge [sflag:s4], $0x0  }
0x19: {  	s7 =	sld [smem:$0x3F95]  }
0x1a: {  	s8 =	sadd.s32 $0xFFFFE003, lr  }
0x1b: {  	s9 =	sadd.s32 $0xFFFFFEF7, lr;
	s5 =	simm.s32 $0xFFFFFFFF;
	p2 =	slt.u32 s8, $0xFFFFF086  }
0x1c: {  	p1 =	slt.u32 s9, $0xF7A;
	s5 =	simm.s32 @!p2 $0x0  }
0x1d: {  	s5 =	simm.s32 @p1 $0x1;
	p0 =	seq.s32 s7, s2  }
0x1e: {  	s7 =	smul.u32 @!p0 $0xF7A, s2;
	p2 =	seq.s32 @!p0 s5, $0x0  }
0x1f: {  	s9 =	smul.u32 $0xF7A, s1;
	s8 =	simm.s32 @!p0 $0x1BF5;
	p2 =	por !p2, p0  }
0x20: {  	[sflag:s8] =	ssyncset.s32 @!p0 $0xFFFFF086;
	s6 =	sadd.s32 @!p0 s3, s7;
	s7 =	simm.s32 @!p0 $0x108  }
0x21: {  	s3 =	sadd.s32 s3, s9;
	s6 =	sadd.s32 @!p0 $0x88, s6;
	s7 =	simm.s32 @p2 $0x1082  }
0x22: {  	[simem:s7], [sflag:s8] =	dma.local @!p0 [hbm:s6], $0xF7A  }
0x23: {  	s9 =	sor.u32 $0xD0000000, s2;
	s6 =	simm.s32 $0x108;
	_ =	swait.ge @!p0 [sflag:s8], $0x0  }
0x24: {  	s3 =	sadd.s32 $0x88, s3;
	s6 =	simm.s32 @!p1 $0x1082;
	[sflag:s4] =	ssyncset.s32 $0xFFFFF086  }
0x25: {  	[simem:s6], [sflag:s4] =	dma.local [hbm:s3], $0xF7A  }
0x26: {  	[smem:$0x3F95] =	sst s1;
	(tag) =	ssettag s2;
	_ =	strace s9  }
0x27: {  	s1 =	sld [smem:$0x3FA5]  }
0x28: {  	s2 =	sld [smem:$0x3FA6]  }
0x29: {  	s4 =	sld [smem:$0x3FA8]  }
0x2a: {  	p0 =	seq.s32 s5, $0x0;
	s5 =	sld [smem:$0x3FA9]  }
0x2b: {  	s6 =	sld [smem:$0x3FAA]  }
0x2c: {  	s7 =	sld [smem:$0x3FAB]  }
0x2d: {  	s3 =	simm.s32 $0x108;
	s8 =	sld [smem:$0x3FAC]  }
0x2e: {  	s3 =	simm.s32 @!p0 $0x1082;
	s9 =	sld [smem:$0x3FAD]  }
0x2f: {  	lr =	sadd.s32 s0, s3;
	s0 =	sld [smem:$0x3FA4]  }
0x30: {  	s3 =	sld [smem:$0x3FA7]  }
0x31: {  	[smem:$0x3FB0] =	sst s10  }
0x32: {  	s10 =	sld [smem:$0x3FAE];
	_ =	sdelay $0x3  }
0x33: {  	p0 =	seq.s32 s10, $0x1;
	s10 =	sld [smem:$0x3FB0];
	_ =	sdelay $0x3  }
0x34: {  	[smem:$0x3FB0] =	sst s10  }
0x35: {  	s10 =	sld [smem:$0x3FAF];
	_ =	sdelay $0x3  }
0x36: {  	p1 =	seq.s32 s10, $0x1;
	s10 =	sld [smem:$0x3FB0];
	_ =	sdelay $0x3  }
0x37: {  	[smem:$0x3FB0] =	sst s10  }
0x38: {  	s10 =	sld [smem:$0x3FB1]  }
0x39: {  	_ = 	snop;
	(pc) =	sbr.ind lr, $3  }
0x3a: {  	_ = 	snop  }
0x3b: {  	_ = 	snop  }
0x3c: {  	p2 =	seq.s32 s10, $0x1;
	s10 =	sld [smem:$0x3FB0]  }
0x3d: {  	_ =	shalt  }
0x3e: {  	_ =	shalt  }
0x3f: {  	_ =	shalt  }
0x40: {  	_ =	shalt  }
0x41: {  	_ =	shalt  }
0x42: {  	_ =	shalt  }
0x43: {  	_ =	shalt  }
0x44: {  	_ =	shalt  }
0x45: {  	_ =	shalt  }
0x46: {  	_ =	shalt  }
0x47: {  	_ =	shalt  }
0x48: {  	_ =	shalt  }
0x49: {  	_ =	shalt  }
0x4a: {  	_ =	shalt  }
0x4b: {  	_ =	shalt  }
0x4c: {  	_ =	shalt  }
0x4d: {  	_ =	shalt  }
0x4e: {  	_ =	shalt  }
0x4f: {  	_ =	shalt  }
0x50: {  	_ =	shalt  }
0x51: {  	_ =	shalt  }
0x52: {  	_ =	shalt  }
0x53: {  	_ =	shalt  }
0x54: {  	_ =	shalt  }
0x55: {  	_ =	shalt  }
0x56: {  	_ =	shalt  }
0x57: {  	_ =	shalt  }
0x58: {  	_ =	shalt  }
0x59: {  	_ =	shalt  }
0x5a: {  	_ =	shalt  }
0x5b: {  	_ =	shalt  }
0x5c: {  	_ =	shalt  }
0x5d: {  	_ =	shalt  }
0x5e: {  	_ =	shalt  }
0x5f: {  	_ =	shalt  }
0x60: {  	_ =	shalt  }
0x61: {  	_ =	shalt  }
0x62: {  	_ =	shalt  }
0x63: {  	_ =	shalt  }
0x64: {  	_ =	shalt  }
0x65: {  	_ =	shalt  }
0x66: {  	_ =	shalt  }
0x67: {  	_ =	shalt  }
0x68: {  	_ =	shalt  }
0x69: {  	_ =	shalt  }
0x6a: {  	_ =	shalt  }
0x6b: {  	_ =	shalt  }
0x6c: {  	_ =	shalt  }
0x6d: {  	_ =	shalt  }
0x6e: {  	_ =	shalt  }
0x6f: {  	_ =	shalt  }
0x70: {  	_ =	shalt  }
0x71: {  	_ =	shalt  }
0x72: {  	_ =	shalt  }
0x73: {  	_ =	shalt  }
0x74: {  	_ =	shalt  }
0x75: {  	_ =	shalt  }
0x76: {  	_ =	shalt  }
0x77: {  	_ =	shalt  }
0x78: {  	_ =	shalt  }
0x79: {  	_ =	shalt  }
0x7a: {  	_ =	shalt  }
0x7b: {  	_ =	shalt  }
0x7c: {  	_ =	shalt  }
0x7d: {  	_ =	shalt  }
0x7e: {  	_ =	shalt  }
0x7f: {  	_ =	shalt  }
0x80: {  	_ =	shalt  }
0x81: {  	_ =	shalt  }
0x82: {  	_ =	shalt  }
0x83: {  	_ =	shalt  }
0x84: {  	_ =	shalt  }
0x85: {  	_ =	shalt  }
0x86: {  	_ =	shalt  }
0x87: {  	_ =	shalt  }
.Lfunc_end0:
.L_simem_size_0:
called_computation.1_lowered:
.L_overlay_start_0:
0x88: {  	s2 =	sld [smem:$0x3FD9]  }
0x89: {  	s3 =	sld [smem:$0x3FFE];
	_ =	sdelay $0x1  }
0x8a: {  	s1 =	srdreg.scid  }
0x8b: {  	s0 =	sand.u32 $0x1, s1  }
0x8c: {  	s16 =	sshll.u32 s0, $0xA;
	s2 =	sadd.s32 s3, s2  }
0x8d: {  	s2 =	sadd.s32 s2, s16  }
0x8e: {  	[smem:$0x3FBC] =	sst s2  }
0x8f: {  	_ = 	snop  }
0x90: {  	(tm) =	ssettm $0x1  }
0x91: {  	s17 =	sld [smem:$0x3FFB];
	_ =	sdelay $0x3  }
0x92: {  	_ =	strace s17  }
0x93: {  	s2 =	sld [smem:$0x3FFC];
	_ =	sdelay $0x3  }
0x94: {  	_ =	strace s2  }
0x95: {  	s2 =	sld [smem:$0x3FFD];
	_ =	sdelay $0x3  }
0x96: {  	_ =	strace s2  }
0x97: {  	_ =	strace $0x8FFFFFFF  }
0x98: {  	s18 =	sld [smem:$0x3FDB];
	_ =	sdelay $0x1  }
0x99: {  	s19 =	simm.s32 $_scs_section_size  }
0x9a: {  	s4 =	simm.s32 $_size__tile_overlayer_lowered;
	s5 =	simm.s32 $_tile_overlayer_lowered  }
0x9b: {  	s22 =	simm.s32 $0x1BFF;
	s21 =	sshll.u32 s5, $0x1;
	s2 =	sadd.s32 s19, s18  }
0x9c: {  	s6 =	simm.s32 $0x0;
	s20 =	sshll.u32 s4, $0x1;
	s4 =	sadd.s32 s21, s2  }
0x9d: {  	[timem:s6], [sflag:s22] =	dma.local [hbm:s4], s20  }
0x9e: {  	_ =	swait.ge [sflag:s22], s20  }
0x9f: {  	s3 =	ssub.s32 $0x0, s20;
	[sflag:s22] =	ssyncset.done $0x0  }
0xa0: {  	[sflag:s22] =	ssyncadd.s32 s3;
	_ =	sdelay $0x1  }
0xa1: {  	s23 =	simm.s32 $0x1B8B  }
0xa2: {  	_ =	swait.ge [sflag:s23], $0x1  }
0xa3: {  	[sflag:s23] =	ssyncset.done $0x0  }
0xa4: {  	s25 =	simm.s32 $0x1B8E;
	s24 =	sld [smem:$0x3FFE];
	[sflag:s23] =	ssyncadd.s32 $0xFFFFFFFF  }
0xa5: {  	s26 =	simm.s32 $execute0_lowered;
	[smem:$0x3FD2] =	sst s25  }
0xa6: {  	s4 =	sshll.u32 s26, $0x1;
	_ =	strace $0x80000049;
	[dreg:$0x1] =	wrdreg $0xFFFFFFFF  }
0xa7: {  	s28 =	simm.s32 $_size_execute0_lowered;
	s2 =	sadd.s32 s2, s4;
	[dreg:$0x0] =	wrdreg $0x0  }
0xa8: {  	s4 =	sshll.u32 s28, $0x1;
	[dreg:$0x2] =	wrdreg s2  }
0xa9: {  	[dreg:$0x3] =	wrdreg s4  }
0xaa: {  	[dreg:$0x4] =	wrdreg $0xC0  }
0xab: {  	_ =	task [dreg:s6], $0x5FFFF  }
0xac: {  	[dreg:$0x1] =	wrdreg $0xFFFFFFFF  }
0xad: {  	[dreg:$0x0] =	wrdreg $0x60  }
0xae: {  	[dreg:$0x2] =	wrdreg s24  }
0xaf: {  	[dreg:$0x3] =	wrdreg $0xB5400  }
0xb0: {  	[dreg:$0x4] =	wrdreg $0x9  }
0xb1: {  	_ =	task.clear_ibuf [dreg:s6], $0x5FFFF;
	_ =	strace $0x90000049  }
0xb2: {  	s29 =	simm.s32 $0x9;
	_ =	strace $0x8000004B  }
0xb3: {  	_ =	swait.ge [sflag:s29], $0x1  }
0xb4: {  	[sflag:s29] =	ssyncadd.s32 $0xFFFFFFFF  }
0xb5: {  	_ =	strace $0x9000004B  }
0xb6: {  	_ =	sfence  }
0xb7: {  	s30 =	sld [smem:$0x0];
	_ =	sdelay $0x2  }
0xb8: {  	s31 =	sshll.u32 s1, $0xD;
	s1 =	sshrl.u32 s1, $0x2  }
0xb9: {  	s3 =	sand.u32 $0x4000, s31;
	s1 =	sadd.s32 s1, s30  }
0xba: {  	s0 =	sor.u32 s3, s0;
	s1 =	sshll.u32 s1, $0x11  }
0xbb: {  	s0 =	sor.u32 s1, s0  }
0xbc: {  	s0 =	sadd.s32 $0x8F2B, s0  }
0xbd: {  	[sflag:s0] =	ssyncadd.remote.s32 $0x1  }
0xbe: {  	_ =	sfence.sel $0xFFFF  }
0xbf: {  	[dreg:$0x0] =	wrdreg $0xFFFFFFFF;
	(pc) =	sbr.abs _section_cstart, $3  }
0xc0: {  	[dreg:$0x1] =	wrdreg $0xFFFFFFFF  }
0xc1: {  	_ =	task.clear_ibuf [dreg:s6], $0x2FFFF;
	_ =	strace $0x9FFFFFFF  }
0xc2: {  	(tm) =	ssettm $0x7FFFFFFF  }
0xc3: {  	_ =	shalt  }
tec
execute0_lowered:
.L_overlay_start_1:
0x0: {  	(tag) =	ssettag $0x1  }
0x1: {  	s1 =	srdreg.scid;
	s6 =	rddreg [dreg:$0x0]  }
0x2: {  	s0 =	stileid.u32;
	s2 =	rddreg [dreg:$0x1]  }
0x3: {  	s3 =	simm.s32 $0x0;
	s14 =	simm.s32 $0x3;
	s15 =	simm.s32 $0x64  }
0x4: {  	s16 =	simm.s32 $0x5140;
	s17 =	simm.s32 $0x8340;
	s18 =	simm.s32 $0x1  }
0x5: {  	s19 =	simm.s32 $0x2;
	s20 =	simm.s32 $0x2838;
	s21 =	simm.s32 $0x5070  }
0x6: {  	s22 =	simm.s32 $0x50D8;
	s23 =	simm.s32 $0x0;
	s5 =	sand.u32 $0x1, s1  }
0x7: {  	s30 =	sshll.u32 s0, $0x1;
	s7 =	smul.u32 $0x13C00, s0;
	[smem:$0x7FF] =	sst s3  }
0x8: {  	s31 =	sshll.u32 s0, $0x6;
	s1 =	sor.u32 s5, s30;
	s8 =	smul.u32 $0x13C000, s5  }
0x9: {  	s5 =	ssub.s32 $0x2, s5;
	s4 =	smul.u32 $0x28A0, s1;
	s1 =	rddreg [dreg:$0x2]  }
0xa: {  	_ =	strace $0x8000004A;
	s10 =	sshrl.u32 s7, $0x3;
	s11 =	sshrl.u32 s5, $0x1  }
0xb: {  	s13 =	sadd.s32 s7, s2;
	s8 =	sadd.s32 s7, s8;
	s10 =	sadd.s32 s10, s6  }
0xc: {  	s11 =	ssub.s32 s5, s11;
	s4 =	sshrl.u32 s4, $0x3;
	s8 =	sshrl.u32 s8, $0x3  }
0xd: {  	s7 =	sadd.s32 $0x61E00, s10;
	s10 =	smax.u32 s11, $0x1;
	s11 =	simm.s32 $0x28A0  }
0xe: {  	s9 =	sadd.s32 s4, s6;
	s4 =	sadd.s32 $0x3AC00, s6;
	s12 =	sadd.s32 s8, s6  }
0xf: {  	s8 =	sor.u32 $0x1C04, s31;
	s5 =	sadd.s32 $0x30880, s9;
	s6 =	sadd.s32 $0x26600, s9  }
0x10: {  	s9 =	sadd.s32 $0x89600, s12;
	s12 =	sshrl.u32 s13, $0x3;
	s13 =	simm.s32 $0x4  }
.LBB2_1:
0x11: {  	[tilespmem:s11], [sflag:$0x3] =	stream.linear.gather [hbm4b:s5+s3], $0x28A0, $0x38;
	[tilespmem:$0x1F140] =	vst v63  }
0x12: {  	_ = 	snop  }
0x13: {  	[tilespmem:s3], [sflag:$0x3] =	stream.linear.gather [hbm4b:s6+s3], $0x28A0, $0x38;
	[tilespmem:$0x1F140] =	vst v63  }
0x14: {  	[spmem:s12], [sflag:s8] =	dma.local [hbm:s7], $0x2780  }
0x15: {  	_ =	swait.ge [sflag:s13], $0x2780  }
0x16: {  	[sflag:s13] =	ssyncset.done $0x0  }
0x17: {  	[sflag:s13] =	ssyncadd.s32 $0xFFFFD880  }
0x18: {  	_ =	swait.ge [sflag:s14], $0x28A0  }
0x19: {  	[sflag:s14] =	ssyncset.done $0x0  }
0x1a: {  	[sflag:s14] =	ssyncadd.s32 $0xFFFFD760  }
0x1b: {  	_ =	swait.ge [sflag:s14], $0x28A0  }
0x1c: {  	[sflag:s14] =	ssyncset.done $0x0  }
0x1d: {  	[sflag:s14] =	ssyncadd.s32 $0xFFFFD760  }
0x1e: {  	[bflag:$0x0] =	sbarrier.arrive $0xFFFF  }
0x1f: {  	[tilespmem:s16], [sflag:$0x1] =	stream.indirect.gather [hbm4b:s4+s15], $0x80, s3, s15, $0xb8;
	[tilespmem:$0x1F140] =	vst v63  }
0x20: {  	s24 =	simm.s32 $0x68  }
0x21: {  	[tilespmem:s17], [sflag:$0x2] =	stream.indirect.gather [hbm4b:s4+s15], $0x80, s24, s15, $0xb8;
	[tilespmem:$0x1F140] =	vst v63  }
0x22: {  	_ =	swait.ge [sflag:s18], $0x3200  }
0x23: {  	[sflag:s18] =	ssyncset.done $0x0  }
0x24: {  	s29 =	simm.s32 $0x28A0;
	[sflag:s18] =	ssyncadd.s32 $0xFFFFCE00  }
0x25: {  	[spmem:s2] =	stream.indirect.scatter.add.f32 [tilespmem:s16], [sflag:$0x4], $0x80, s29, s15, $0xb8;
	[tilespmem:$0x1F140] =	vst v63  }
0x26: {  	_ =	swait.ge [sflag:s13], $0x3200  }
0x27: {  	[sflag:s13] =	ssyncset.done $0x0  }
0x28: {  	s30 =	simm.s32 $0xD0;
	[sflag:s13] =	ssyncadd.s32 $0xFFFFCE00  }
0x29: {  	[tilespmem:s16], [sflag:$0x1] =	stream.indirect.gather [hbm4b:s4+s15], $0x80, s30, s15, $0xb8;
	[tilespmem:$0x1F140] =	vst v63  }
0x2a: {  	_ =	swait.ge [sflag:s19], $0x3200  }
0x2b: {  	[sflag:s19] =	ssyncset.done $0x0  }
0x2c: {  	s31 =	simm.s32 $0x2908;
	[sflag:s19] =	ssyncadd.s32 $0xFFFFCE00  }
0x2d: {  	[spmem:s2] =	stream.indirect.scatter.add.f32 [tilespmem:s17], [sflag:$0x4], $0x80, s31, s15, $0xb8;
	[tilespmem:$0x1F140] =	vst v63  }
0x2e: {  	_ =	swait.ge [sflag:s13], $0x3200  }
0x2f: {  	s25 =	simm.s32 $0x680;
	s24 =	simm.s32 $0xD0;
	[sflag:s13] =	ssyncset.done $0x0  }
.LBB2_2:
0x30: {  	s26 =	sadd.s32 $0x68, s24  }
0x31: {  	[sflag:s13] =	ssyncadd.s32 $0xFFFFCE00;
	s28 =	smov.u32 s25;
	s29 =	sadd.s32 $0x340, s25  }
0x32: {  	[tilespmem:s17], [sflag:$0x2] =	stream.indirect.gather [hbm4b:s4+s15], $0x80, s26, s15, $0xb8;
	[tilespmem:$0x1F140] =	vst v63  }
0x33: {  	p0 =	sne.s32 s25, $0x9C00;
	_ =	swait.ge [sflag:s18], $0x3200  }
0x34: {  	[sflag:s18] =	ssyncset.done $0x0  }
0x35: {  	s25 =	sadd.s32 $0x28A0, s24;
	[sflag:s18] =	ssyncadd.s32 $0xFFFFCE00  }
0x36: {  	[spmem:s2] =	stream.indirect.scatter.add.f32 [tilespmem:s16], [sflag:$0x4], $0x80, s25, s15, $0xb8;
	[tilespmem:$0x1F140] =	vst v63  }
0x37: {  	_ =	swait.ge [sflag:s13], $0x3200  }
0x38: {  	[sflag:s13] =	ssyncset.done $0x0  }
0x39: {  	s25 =	sadd.s32 $0xD0, s24;
	[sflag:s13] =	ssyncadd.s32 $0xFFFFCE00  }
0x3a: {  	[tilespmem:s16], [sflag:$0x1] =	stream.indirect.gather [hbm4b:s4+s15], $0x80, s25, s15, $0xb8;
	[tilespmem:$0x1F140] =	vst v63  }
0x3b: {  	_ =	swait.ge [sflag:s19], $0x3200  }
.Ltmp0:
0x3c: {  	[sflag:s19] =	ssyncset.done $0x0;
	(pc) =	sbr.rel @p0 .LBB2_2-.Ltmp0, $4  }
0x3d: {  	s24 =	sadd.s32 $0x2908, s24;
	[sflag:s19] =	ssyncadd.s32 $0xFFFFCE00  }
0x3e: {  	[spmem:s2] =	stream.indirect.scatter.add.f32 [tilespmem:s17], [sflag:$0x4], $0x80, s24, s15, $0xb8;
	[tilespmem:$0x1F140] =	vst v63  }
0x3f: {  	_ =	swait.ge [sflag:s13], $0x3200  }
0x40: {  	s25 =	smov.u32 s29;
	s24 =	sshra.s32 s28, $0x2;
	[sflag:s13] =	ssyncset.done $0x0  }
0x41: {  	s25 =	sadd.s32 $0x68, s24;
	[sflag:s13] =	ssyncadd.s32 $0xFFFFCE00  }
0x42: {  	[tilespmem:s17], [sflag:$0x2] =	stream.indirect.gather [hbm4b:s4+s15], $0x80, s25, s15, $0xb8;
	[tilespmem:$0x1F140] =	vst v63  }
0x43: {  	_ =	swait.ge [sflag:s18], $0x3200  }
0x44: {  	[sflag:s18] =	ssyncset.done $0x0  }
0x45: {  	s29 =	sadd.s32 $0x28A0, s24;
	[sflag:s18] =	ssyncadd.s32 $0xFFFFCE00  }
0x46: {  	[spmem:s2] =	stream.indirect.scatter.add.f32 [tilespmem:s16], [sflag:$0x4], $0x80, s29, s15, $0xb8;
	[tilespmem:$0x1F140] =	vst v63  }
0x47: {  	_ =	swait.ge [sflag:s13], $0x3200  }
0x48: {  	[sflag:s13] =	ssyncset.done $0x0  }
0x49: {  	s30 =	sadd.s32 $0xD0, s24;
	[sflag:s13] =	ssyncadd.s32 $0xFFFFCE00  }
0x4a: {  	[tilespmem:s16], [sflag:$0x1] =	stream.indirect.gather [hbm4b:s4+s15], $0x80, s30, s15, $0xb8;
	[tilespmem:$0x1F140] =	vst v63  }
0x4b: {  	_ =	swait.ge [sflag:s19], $0x3200  }
0x4c: {  	[sflag:s19] =	ssyncset.done $0x0  }
0x4d: {  	s31 =	sadd.s32 $0x2908, s24;
	[sflag:s19] =	ssyncadd.s32 $0xFFFFCE00  }
0x4e: {  	[spmem:s2] =	stream.indirect.scatter.add.f32 [tilespmem:s17], [sflag:$0x4], $0x80, s31, s15, $0xb8;
	[tilespmem:$0x1F140] =	vst v63  }
0x4f: {  	_ =	swait.ge [sflag:s13], $0x3200  }
0x50: {  	[sflag:s13] =	ssyncset.done $0x0  }
0x51: {  	[sflag:s13] =	ssyncadd.s32 $0xFFFFCE00  }
0x52: {  	[tilespmem:s17], [sflag:$0x2] =	stream.indirect.gather [hbm4b:s4+s15], $0x80, s20, s15, $0xb8;
	[tilespmem:$0x1F140] =	vst v63  }
0x53: {  	_ =	swait.ge [sflag:s18], $0x3200  }
0x54: {  	[sflag:s18] =	ssyncset.done $0x0  }
0x55: {  	[sflag:s18] =	ssyncadd.s32 $0xFFFFCE00  }
0x56: {  	[spmem:s2] =	stream.indirect.scatter.add.f32 [tilespmem:s16], [sflag:$0x4], $0x80, s21, s15, $0xb8;
	[tilespmem:$0x1F140] =	vst v63  }
0x57: {  	_ =	swait.ge [sflag:s13], $0x3200  }
0x58: {  	[sflag:s13] =	ssyncset.done $0x0  }
0x59: {  	[sflag:s13] =	ssyncadd.s32 $0xFFFFCE00  }
0x5a: {  	_ =	swait.ge [sflag:s19], $0x3200  }
0x5b: {  	[sflag:s19] =	ssyncset.done $0x0  }
0x5c: {  	[sflag:s19] =	ssyncadd.s32 $0xFFFFCE00  }
0x5d: {  	[spmem:s2] =	stream.indirect.scatter.add.f32 [tilespmem:s17], [sflag:$0x4], $0x80, s22, s15, $0xb8;
	[tilespmem:$0x1F140] =	vst v63  }
0x5e: {  	_ =	swait.ge [sflag:s13], $0x3200  }
0x5f: {  	s23 =	sadd.s32 $0x1, s23;
	[sflag:s13] =	ssyncset.done $0x0  }
0x60: {  	p0 =	sne.s32 s23, s10;
	[sflag:s13] =	ssyncadd.s32 $0xFFFFCE00  }
.Ltmp1:
0x61: {  	[bflag:$0x0] =	sbarrier.arrive $0xFFFF;
	(pc) =	sbr.rel @p0 .LBB2_1-.Ltmp1, $4  }
0x62: {  	[hbm:s9], [sflag:s8] =	dma.local [spmem:s12], $0x2780  }
0x63: {  	_ =	swait.ge [sflag:s13], $0x2780  }
0x64: {  	[sflag:s13] =	ssyncset.done $0x0  }
0x65: {  	[sflag:s13] =	ssyncadd.s32 $0xFFFFD880  }
0x66: {  	_ =	sfence.sel $0x180000  }
0x67: {  	[bflag:$0x0] =	sbarrier.arrive $0xFFFF  }
0x68: {  	p0 =	sne.s32 s0, $0x0;
	_ =	strace $0x9000004A  }
0x69: {  	s0 =	sadd.s32 @!p0 $0x100000, s1;
	[bflag:$0x2] =	sbarrier.arrive $0xFFFF  }
0x6a: {  	[sflag:s0] =	ssyncadd.tile.s32 @!p0 $0x1;
	_ =	shalt  }
.Lfunc_end2:
_tile_overlayer_lowered:
.L_overlay_start_2:
0x6b: {  	(tag) =	ssettag $0x2  }
0x6c: {  	s0 =	rddreg [dreg:$0x0];
	s2 =	stileid.u32  }
0x6d: {  	s1 =	rddreg [dreg:$0x1];
	p0 =	sne.s32 s2, $0x0  }
0x6e: {  	s3 =	rddreg [dreg:$0x2];
	[bflag:$0x3] =	sbarrier.arrive $0xFFFF;
	s2 =	simm.s32 @!p0 $0x1C04  }
0x6f: {  	[timem:s3], [sflag:s2] =	dma.local @!p0 [hbm:s0], s1  }
0x70: {  	s0 =	simm.s32 @!p0 $0x4  }
0x71: {  	_ =	swait.ge @!p0 [sflag:s0], s1  }
0x72: {  	s1 =	ssub.s32 @!p0 $0x0, s1;
	[sflag:s0] =	ssyncset.done @!p0 $0x0  }
0x73: {  	[sflag:s0] =	ssyncadd.s32 @!p0 s1  }
0x74: {  	[bflag:$0x3] =	sbarrier.arrive $0xFFFF  }
0x75: {  	_ =	shalt  }

// kernel: kernel.18.cloned.1.call-start
scs
__scs_entry_jumppad:
0x0: {  	(pc) =	sbr.rel $0x88, $3  }
0x1: {  	(tag) =	ssettag $0x0;
	lr =	simm.s32 $0x1  }
0x2: {  	[smem:$0x3F95] =	sst lr;
	_ =	strace $0xD0000000  }
0x3: {  	_ = 	snop  }
0x4: {  	_ = 	snop  }
0x5: {  	_ = 	snop  }
0x6: {  	_ = 	snop  }
0x7: {  	_ = 	snop  }
__scs_overlays_trampoline_lowered:
0x8: {  	[smem:$0x3FA4] =	sst s0  }
0x9: {  	[smem:$0x3FA5] =	sst s1  }
0xa: {  	[smem:$0x3FA6] =	sst s2  }
0xb: {  	[smem:$0x3FA7] =	sst s3  }
0xc: {  	[smem:$0x3FA8] =	sst s4  }
0xd: {  	[smem:$0x3FA9] =	sst s5  }
0xe: {  	[smem:$0x3FAA] =	sst s6  }
0xf: {  	[smem:$0x3FAB] =	sst s7  }
0x10: {  	[smem:$0x3FAC] =	sst s8  }
0x11: {  	[smem:$0x3FAD] =	sst s9;
	s0 =	simm.s32 @!p0 $0x0  }
0x12: {  	s1 =	sld [smem:$0x3F93];
	s0 =	simm.s32 @p0 $0x1  }
0x13: {  	[smem:$0x3FAE] =	sst s0;
	s0 =	simm.s32 @!p1 $0x0  }
0x14: {  	s2 =	sld [smem:$0x3F92];
	s0 =	simm.s32 @p1 $0x1  }
0x15: {  	[smem:$0x3FAF] =	sst s0;
	s0 =	simm.s32 @!p2 $0x0  }
0x16: {  	s3 =	sld [smem:$0x3FDB];
	s0 =	simm.s32 @p2 $0x1  }
0x17: {  	s4 =	simm.s32 $0x1BF5;
	[smem:$0x3FB1] =	sst s0  }
0x18: {  	s0 =	sld [smem:$0x3F94];
	_ =	swait.ge [sflag:s4], $0x0  }
0x19: {  	s7 =	sld [smem:$0x3F95]  }
0x1a: {  	s8 =	sadd.s32 $0xFFFFE003, lr  }
0x1b: {  	s9 =	sadd.s32 $0xFFFFFEF7, lr;
	s5 =	simm.s32 $0xFFFFFFFF;
	p2 =	slt.u32 s8, $0xFFFFF086  }
0x1c: {  	p1 =	slt.u32 s9, $0xF7A;
	s5 =	simm.s32 @!p2 $0x0  }
0x1d: {  	s5 =	simm.s32 @p1 $0x1;
	p0 =	seq.s32 s7, s2  }
0x1e: {  	s7 =	smul.u32 @!p0 $0xF7A, s2;
	p2 =	seq.s32 @!p0 s5, $0x0  }
0x1f: {  	s9 =	smul.u32 $0xF7A, s1;
	s8 =	simm.s32 @!p0 $0x1BF5;
	p2 =	por !p2, p0  }
0x20: {  	[sflag:s8] =	ssyncset.s32 @!p0 $0xFFFFF086;
	s6 =	sadd.s32 @!p0 s3, s7;
	s7 =	simm.s32 @!p0 $0x108  }
0x21: {  	s3 =	sadd.s32 s3, s9;
	s6 =	sadd.s32 @!p0 $0x88, s6;
	s7 =	simm.s32 @p2 $0x1082  }
0x22: {  	[simem:s7], [sflag:s8] =	dma.local @!p0 [hbm:s6], $0xF7A  }
0x23: {  	s9 =	sor.u32 $0xD0000000, s2;
	s6 =	simm.s32 $0x108;
	_ =	swait.ge @!p0 [sflag:s8], $0x0  }
0x24: {  	s3 =	sadd.s32 $0x88, s3;
	s6 =	simm.s32 @!p1 $0x1082;
	[sflag:s4] =	ssyncset.s32 $0xFFFFF086  }
0x25: {  	[simem:s6], [sflag:s4] =	dma.local [hbm:s3], $0xF7A  }
0x26: {  	[smem:$0x3F95] =	sst s1;
	(tag) =	ssettag s2;
	_ =	strace s9  }
0x27: {  	s1 =	sld [smem:$0x3FA5]  }
0x28: {  	s2 =	sld [smem:$0x3FA6]  }
0x29: {  	s4 =	sld [smem:$0x3FA8]  }
0x2a: {  	p0 =	seq.s32 s5, $0x0;
	s5 =	sld [smem:$0x3FA9]  }
0x2b: {  	s6 =	sld [smem:$0x3FAA]  }
0x2c: {  	s7 =	sld [smem:$0x3FAB]  }
0x2d: {  	s3 =	simm.s32 $0x108;
	s8 =	sld [smem:$0x3FAC]  }
0x2e: {  	s3 =	simm.s32 @!p0 $0x1082;
	s9 =	sld [smem:$0x3FAD]  }
0x2f: {  	lr =	sadd.s32 s0, s3;
	s0 =	sld [smem:$0x3FA4]  }
0x30: {  	s3 =	sld [smem:$0x3FA7]  }
0x31: {  	[smem:$0x3FB0] =	sst s10  }
0x32: {  	s10 =	sld [smem:$0x3FAE];
	_ =	sdelay $0x3  }
0x33: {  	p0 =	seq.s32 s10, $0x1;
	s10 =	sld [smem:$0x3FB0];
	_ =	sdelay $0x3  }
0x34: {  	[smem:$0x3FB0] =	sst s10  }
0x35: {  	s10 =	sld [smem:$0x3FAF];
	_ =	sdelay $0x3  }
0x36: {  	p1 =	seq.s32 s10, $0x1;
	s10 =	sld [smem:$0x3FB0];
	_ =	sdelay $0x3  }
0x37: {  	[smem:$0x3FB0] =	sst s10  }
0x38: {  	s10 =	sld [smem:$0x3FB1]  }
0x39: {  	_ = 	snop;
	(pc) =	sbr.ind lr, $3  }
0x3a: {  	_ = 	snop  }
0x3b: {  	_ = 	snop  }
0x3c: {  	p2 =	seq.s32 s10, $0x1;
	s10 =	sld [smem:$0x3FB0]  }
0x3d: {  	_ =	shalt  }
0x3e: {  	_ =	shalt  }
0x3f: {  	_ =	shalt  }
0x40: {  	_ =	shalt  }
0x41: {  	_ =	shalt  }
0x42: {  	_ =	shalt  }
0x43: {  	_ =	shalt  }
0x44: {  	_ =	shalt  }
0x45: {  	_ =	shalt  }
0x46: {  	_ =	shalt  }
0x47: {  	_ =	shalt  }
0x48: {  	_ =	shalt  }
0x49: {  	_ =	shalt  }
0x4a: {  	_ =	shalt  }
0x4b: {  	_ =	shalt  }
0x4c: {  	_ =	shalt  }
0x4d: {  	_ =	shalt  }
0x4e: {  	_ =	shalt  }
0x4f: {  	_ =	shalt  }
0x50: {  	_ =	shalt  }
0x51: {  	_ =	shalt  }
0x52: {  	_ =	shalt  }
0x53: {  	_ =	shalt  }
0x54: {  	_ =	shalt  }
0x55: {  	_ =	shalt  }
0x56: {  	_ =	shalt  }
0x57: {  	_ =	shalt  }
0x58: {  	_ =	shalt  }
0x59: {  	_ =	shalt  }
0x5a: {  	_ =	shalt  }
0x5b: {  	_ =	shalt  }
0x5c: {  	_ =	shalt  }
0x5d: {  	_ =	shalt  }
0x5e: {  	_ =	shalt  }
0x5f: {  	_ =	shalt  }
0x60: {  	_ =	shalt  }
0x61: {  	_ =	shalt  }
0x62: {  	_ =	shalt  }
0x63: {  	_ =	shalt  }
0x64: {  	_ =	shalt  }
0x65: {  	_ =	shalt  }
0x66: {  	_ =	shalt  }
0x67: {  	_ =	shalt  }
0x68: {  	_ =	shalt  }
0x69: {  	_ =	shalt  }
0x6a: {  	_ =	shalt  }
0x6b: {  	_ =	shalt  }
0x6c: {  	_ =	shalt  }
0x6d: {  	_ =	shalt  }
0x6e: {  	_ =	shalt  }
0x6f: {  	_ =	shalt  }
0x70: {  	_ =	shalt  }
0x71: {  	_ =	shalt  }
0x72: {  	_ =	shalt  }
0x73: {  	_ =	shalt  }
0x74: {  	_ =	shalt  }
0x75: {  	_ =	shalt  }
0x76: {  	_ =	shalt  }
0x77: {  	_ =	shalt  }
0x78: {  	_ =	shalt  }
0x79: {  	_ =	shalt  }
0x7a: {  	_ =	shalt  }
0x7b: {  	_ =	shalt  }
0x7c: {  	_ =	shalt  }
0x7d: {  	_ =	shalt  }
0x7e: {  	_ =	shalt  }
0x7f: {  	_ =	shalt  }
0x80: {  	_ =	shalt  }
0x81: {  	_ =	shalt  }
0x82: {  	_ =	shalt  }
0x83: {  	_ =	shalt  }
0x84: {  	_ =	shalt  }
0x85: {  	_ =	shalt  }
0x86: {  	_ =	shalt  }
0x87: {  	_ =	shalt  }
.Lfunc_end0:
.L_simem_size_0:
called_computation.2_lowered:
.L_overlay_start_0:
0x88: {  	s2 =	sld [smem:$0x3FD9]  }
0x89: {  	s3 =	sld [smem:$0x3FFE];
	_ =	sdelay $0x1  }
0x8a: {  	s1 =	srdreg.scid  }
0x8b: {  	s0 =	sand.u32 $0x1, s1  }
0x8c: {  	s16 =	sshll.u32 s0, $0xA;
	s2 =	sadd.s32 s3, s2  }
0x8d: {  	s2 =	sadd.s32 s2, s16  }
0x8e: {  	[smem:$0x3FBC] =	sst s2  }
0x8f: {  	_ = 	snop  }
0x90: {  	(tm) =	ssettm $0x1  }
0x91: {  	s17 =	sld [smem:$0x3FFB];
	_ =	sdelay $0x3  }
0x92: {  	_ =	strace s17  }
0x93: {  	s2 =	sld [smem:$0x3FFC];
	_ =	sdelay $0x3  }
0x94: {  	_ =	strace s2  }
0x95: {  	s2 =	sld [smem:$0x3FFD];
	_ =	sdelay $0x3  }
0x96: {  	_ =	strace s2  }
0x97: {  	_ =	strace $0x8FFFFFFF  }
0x98: {  	s18 =	sld [smem:$0x3FDB];
	_ =	sdelay $0x1  }
0x99: {  	s19 =	simm.s32 $_scs_section_size  }
0x9a: {  	s4 =	simm.s32 $_size__tile_overlayer_lowered;
	s5 =	simm.s32 $_tile_overlayer_lowered  }
0x9b: {  	s22 =	simm.s32 $0x1BFF;
	s21 =	sshll.u32 s5, $0x1;
	s2 =	sadd.s32 s19, s18  }
0x9c: {  	s6 =	simm.s32 $0x0;
	s20 =	sshll.u32 s4, $0x1;
	s4 =	sadd.s32 s21, s2  }
0x9d: {  	[timem:s6], [sflag:s22] =	dma.local [hbm:s4], s20  }
0x9e: {  	_ =	swait.ge [sflag:s22], s20  }
0x9f: {  	s3 =	ssub.s32 $0x0, s20;
	[sflag:s22] =	ssyncset.done $0x0  }
0xa0: {  	[sflag:s22] =	ssyncadd.s32 s3;
	_ =	sdelay $0x1  }
0xa1: {  	s23 =	simm.s32 $0x1B8B  }
0xa2: {  	_ =	swait.ge [sflag:s23], $0x1  }
0xa3: {  	[sflag:s23] =	ssyncset.done $0x0  }
0xa4: {  	s25 =	simm.s32 $0x1B8E;
	s24 =	sld [smem:$0x3FFE];
	[sflag:s23] =	ssyncadd.s32 $0xFFFFFFFF  }
0xa5: {  	s26 =	simm.s32 $execute0_lowered;
	[smem:$0x3FD2] =	sst s25  }
0xa6: {  	s4 =	sshll.u32 s26, $0x1;
	_ =	strace $0x8000004C;
	[dreg:$0x1] =	wrdreg $0xFFFFFFFF  }
0xa7: {  	s28 =	simm.s32 $_size_execute0_lowered;
	s2 =	sadd.s32 s2, s4;
	[dreg:$0x0] =	wrdreg $0x0  }
0xa8: {  	s4 =	sshll.u32 s28, $0x1;
	[dreg:$0x2] =	wrdreg s2  }
0xa9: {  	[dreg:$0x3] =	wrdreg s4  }
0xaa: {  	[dreg:$0x4] =	wrdreg $0xC0  }
0xab: {  	_ =	task [dreg:s6], $0x5FFFF  }
0xac: {  	[dreg:$0x1] =	wrdreg $0xFFFFFFFF  }
0xad: {  	[dreg:$0x0] =	wrdreg $0x60  }
0xae: {  	[dreg:$0x2] =	wrdreg s24  }
0xaf: {  	[dreg:$0x3] =	wrdreg $0xB5400  }
0xb0: {  	[dreg:$0x4] =	wrdreg $0x9  }
0xb1: {  	_ =	task.clear_ibuf [dreg:s6], $0x5FFFF;
	_ =	strace $0x9000004C  }
0xb2: {  	s29 =	simm.s32 $0x9;
	_ =	strace $0x8000004E  }
0xb3: {  	_ =	swait.ge [sflag:s29], $0x1  }
0xb4: {  	[sflag:s29] =	ssyncadd.s32 $0xFFFFFFFF  }
0xb5: {  	_ =	strace $0x9000004E  }
0xb6: {  	_ =	sfence  }
0xb7: {  	s30 =	sld [smem:$0x0];
	_ =	sdelay $0x2  }
0xb8: {  	s31 =	sshll.u32 s1, $0xD;
	s1 =	sshrl.u32 s1, $0x2  }
0xb9: {  	s3 =	sand.u32 $0x4000, s31;
	s1 =	sadd.s32 s1, s30  }
0xba: {  	s0 =	sor.u32 s3, s0;
	s1 =	sshll.u32 s1, $0x11  }
0xbb: {  	s0 =	sor.u32 s1, s0  }
0xbc: {  	s0 =	sadd.s32 $0x8F2B, s0  }
0xbd: {  	[sflag:s0] =	ssyncadd.remote.s32 $0x1  }
0xbe: {  	_ =	sfence.sel $0xFFFF  }
0xbf: {  	[dreg:$0x0] =	wrdreg $0xFFFFFFFF;
	(pc) =	sbr.abs _section_cstart, $3  }
0xc0: {  	[dreg:$0x1] =	wrdreg $0xFFFFFFFF  }
0xc1: {  	_ =	task.clear_ibuf [dreg:s6], $0x2FFFF;
	_ =	strace $0x9FFFFFFF  }
0xc2: {  	(tm) =	ssettm $0x7FFFFFFF  }
0xc3: {  	_ =	shalt  }
tec
execute0_lowered:
.L_overlay_start_1:
0x0: {  	(tag) =	ssettag $0x1  }
0x1: {  	s1 =	srdreg.scid;
	s6 =	rddreg [dreg:$0x0]  }
0x2: {  	s0 =	stileid.u32;
	s2 =	rddreg [dreg:$0x1]  }
0x3: {  	s3 =	simm.s32 $0x0;
	s14 =	simm.s32 $0x3;
	s15 =	simm.s32 $0x64  }
0x4: {  	s16 =	simm.s32 $0x5140;
	s17 =	simm.s32 $0x8340;
	s18 =	simm.s32 $0x1  }
0x5: {  	s19 =	simm.s32 $0x2;
	s20 =	simm.s32 $0x2838;
	s21 =	simm.s32 $0x5070  }
0x6: {  	s22 =	simm.s32 $0x50D8;
	s23 =	simm.s32 $0x0;
	s5 =	sand.u32 $0x1, s1  }
0x7: {  	s30 =	sshll.u32 s0, $0x1;
	s7 =	smul.u32 $0x13C00, s0;
	[smem:$0x7FF] =	sst s3  }
0x8: {  	s31 =	sshll.u32 s0, $0x6;
	s1 =	sor.u32 s5, s30;
	s8 =	smul.u32 $0x13C000, s5  }
0x9: {  	s5 =	ssub.s32 $0x2, s5;
	s4 =	smul.u32 $0x28A0, s1;
	s1 =	rddreg [dreg:$0x2]  }
0xa: {  	_ =	strace $0x8000004D;
	s10 =	sshrl.u32 s7, $0x3;
	s11 =	sshrl.u32 s5, $0x1  }
0xb: {  	s13 =	sadd.s32 s7, s2;
	s8 =	sadd.s32 s7, s8;
	s10 =	sadd.s32 s10, s6  }
0xc: {  	s11 =	ssub.s32 s5, s11;
	s4 =	sshrl.u32 s4, $0x3;
	s8 =	sshrl.u32 s8, $0x3  }
0xd: {  	s7 =	sadd.s32 $0x61E00, s10;
	s10 =	smax.u32 s11, $0x1;
	s11 =	simm.s32 $0x28A0  }
0xe: {  	s9 =	sadd.s32 s4, s6;
	s4 =	sadd.s32 $0x3AC00, s6;
	s12 =	sadd.s32 s8, s6  }
0xf: {  	s8 =	sor.u32 $0x1C04, s31;
	s5 =	sadd.s32 $0x30880, s9;
	s6 =	sadd.s32 $0x26600, s9  }
0x10: {  	s9 =	sadd.s32 $0x89600, s12;
	s12 =	sshrl.u32 s13, $0x3;
	s13 =	simm.s32 $0x4  }
.LBB2_1:
0x11: {  	[tilespmem:s11], [sflag:$0x3] =	stream.linear.gather [hbm4b:s5+s3], $0x28A0, $0x38;
	[tilespmem:$0x1F140] =	vst v63  }
0x12: {  	_ = 	snop  }
0x13: {  	[tilespmem:s3], [sflag:$0x3] =	stream.linear.gather [hbm4b:s6+s3], $0x28A0, $0x38;
	[tilespmem:$0x1F140] =	vst v63  }
0x14: {  	[spmem:s12], [sflag:s8] =	dma.local [hbm:s7], $0x2780  }
0x15: {  	_ =	swait.ge [sflag:s13], $0x2780  }
0x16: {  	[sflag:s13] =	ssyncset.done $0x0  }
0x17: {  	[sflag:s13] =	ssyncadd.s32 $0xFFFFD880  }
0x18: {  	_ =	swait.ge [sflag:s14], $0x28A0  }
0x19: {  	[sflag:s14] =	ssyncset.done $0x0  }
0x1a: {  	[sflag:s14] =	ssyncadd.s32 $0xFFFFD760  }
0x1b: {  	_ =	swait.ge [sflag:s14], $0x28A0  }
0x1c: {  	[sflag:s14] =	ssyncset.done $0x0  }
0x1d: {  	[sflag:s14] =	ssyncadd.s32 $0xFFFFD760  }
0x1e: {  	[bflag:$0x0] =	sbarrier.arrive $0xFFFF  }
0x1f: {  	[tilespmem:s16], [sflag:$0x1] =	stream.indirect.gather [hbm4b:s4+s15], $0x80, s3, s15, $0xb8;
	[tilespmem:$0x1F140] =	vst v63  }
0x20: {  	s24 =	simm.s32 $0x68  }
0x21: {  	[tilespmem:s17], [sflag:$0x2] =	stream.indirect.gather [hbm4b:s4+s15], $0x80, s24, s15, $0xb8;
	[tilespmem:$0x1F140] =	vst v63  }
0x22: {  	_ =	swait.ge [sflag:s18], $0x3200  }
0x23: {  	[sflag:s18] =	ssyncset.done $0x0  }
0x24: {  	s29 =	simm.s32 $0x28A0;
	[sflag:s18] =	ssyncadd.s32 $0xFFFFCE00  }
0x25: {  	[spmem:s2] =	stream.indirect.scatter.add.f32 [tilespmem:s16], [sflag:$0x4], $0x80, s29, s15, $0xb8;
	[tilespmem:$0x1F140] =	vst v63  }
0x26: {  	_ =	swait.ge [sflag:s13], $0x3200  }
0x27: {  	[sflag:s13] =	ssyncset.done $0x0  }
0x28: {  	s30 =	simm.s32 $0xD0;
	[sflag:s13] =	ssyncadd.s32 $0xFFFFCE00  }
0x29: {  	[tilespmem:s16], [sflag:$0x1] =	stream.indirect.gather [hbm4b:s4+s15], $0x80, s30, s15, $0xb8;
	[tilespmem:$0x1F140] =	vst v63  }
0x2a: {  	_ =	swait.ge [sflag:s19], $0x3200  }
0x2b: {  	[sflag:s19] =	ssyncset.done $0x0  }
0x2c: {  	s31 =	simm.s32 $0x2908;
	[sflag:s19] =	ssyncadd.s32 $0xFFFFCE00  }
0x2d: {  	[spmem:s2] =	stream.indirect.scatter.add.f32 [tilespmem:s17], [sflag:$0x4], $0x80, s31, s15, $0xb8;
	[tilespmem:$0x1F140] =	vst v63  }
0x2e: {  	_ =	swait.ge [sflag:s13], $0x3200  }
0x2f: {  	s25 =	simm.s32 $0x680;
	s24 =	simm.s32 $0xD0;
	[sflag:s13] =	ssyncset.done $0x0  }
.LBB2_2:
0x30: {  	s26 =	sadd.s32 $0x68, s24  }
0x31: {  	[sflag:s13] =	ssyncadd.s32 $0xFFFFCE00;
	s28 =	smov.u32 s25;
	s29 =	sadd.s32 $0x340, s25  }
0x32: {  	[tilespmem:s17], [sflag:$0x2] =	stream.indirect.gather [hbm4b:s4+s15], $0x80, s26, s15, $0xb8;
	[tilespmem:$0x1F140] =	vst v63  }
0x33: {  	p0 =	sne.s32 s25, $0x9C00;
	_ =	swait.ge [sflag:s18], $0x3200  }
0x34: {  	[sflag:s18] =	ssyncset.done $0x0  }
0x35: {  	s25 =	sadd.s32 $0x28A0, s24;
	[sflag:s18] =	ssyncadd.s32 $0xFFFFCE00  }
0x36: {  	[spmem:s2] =	stream.indirect.scatter.add.f32 [tilespmem:s16], [sflag:$0x4], $0x80, s25, s15, $0xb8;
	[tilespmem:$0x1F140] =	vst v63  }
0x37: {  	_ =	swait.ge [sflag:s13], $0x3200  }
0x38: {  	[sflag:s13] =	ssyncset.done $0x0  }
0x39: {  	s25 =	sadd.s32 $0xD0, s24;
	[sflag:s13] =	ssyncadd.s32 $0xFFFFCE00  }
0x3a: {  	[tilespmem:s16], [sflag:$0x1] =	stream.indirect.gather [hbm4b:s4+s15], $0x80, s25, s15, $0xb8;
	[tilespmem:$0x1F140] =	vst v63  }
0x3b: {  	_ =	swait.ge [sflag:s19], $0x3200  }
.Ltmp0:
0x3c: {  	[sflag:s19] =	ssyncset.done $0x0;
	(pc) =	sbr.rel @p0 .LBB2_2-.Ltmp0, $4  }
0x3d: {  	s24 =	sadd.s32 $0x2908, s24;
	[sflag:s19] =	ssyncadd.s32 $0xFFFFCE00  }
0x3e: {  	[spmem:s2] =	stream.indirect.scatter.add.f32 [tilespmem:s17], [sflag:$0x4], $0x80, s24, s15, $0xb8;
	[tilespmem:$0x1F140] =	vst v63  }
0x3f: {  	_ =	swait.ge [sflag:s13], $0x3200  }
0x40: {  	s25 =	smov.u32 s29;
	s24 =	sshra.s32 s28, $0x2;
	[sflag:s13] =	ssyncset.done $0x0  }
0x41: {  	s25 =	sadd.s32 $0x68, s24;
	[sflag:s13] =	ssyncadd.s32 $0xFFFFCE00  }
0x42: {  	[tilespmem:s17], [sflag:$0x2] =	stream.indirect.gather [hbm4b:s4+s15], $0x80, s25, s15, $0xb8;
	[tilespmem:$0x1F140] =	vst v63  }
0x43: {  	_ =	swait.ge [sflag:s18], $0x3200  }
0x44: {  	[sflag:s18] =	ssyncset.done $0x0  }
0x45: {  	s29 =	sadd.s32 $0x28A0, s24;
	[sflag:s18] =	ssyncadd.s32 $0xFFFFCE00  }
0x46: {  	[spmem:s2] =	stream.indirect.scatter.add.f32 [tilespmem:s16], [sflag:$0x4], $0x80, s29, s15, $0xb8;
	[tilespmem:$0x1F140] =	vst v63  }
0x47: {  	_ =	swait.ge [sflag:s13], $0x3200  }
0x48: {  	[sflag:s13] =	ssyncset.done $0x0  }
0x49: {  	s30 =	sadd.s32 $0xD0, s24;
	[sflag:s13] =	ssyncadd.s32 $0xFFFFCE00  }
0x4a: {  	[tilespmem:s16], [sflag:$0x1] =	stream.indirect.gather [hbm4b:s4+s15], $0x80, s30, s15, $0xb8;
	[tilespmem:$0x1F140] =	vst v63  }
0x4b: {  	_ =	swait.ge [sflag:s19], $0x3200  }
0x4c: {  	[sflag:s19] =	ssyncset.done $0x0  }
0x4d: {  	s31 =	sadd.s32 $0x2908, s24;
	[sflag:s19] =	ssyncadd.s32 $0xFFFFCE00  }
0x4e: {  	[spmem:s2] =	stream.indirect.scatter.add.f32 [tilespmem:s17], [sflag:$0x4], $0x80, s31, s15, $0xb8;
	[tilespmem:$0x1F140] =	vst v63  }
0x4f: {  	_ =	swait.ge [sflag:s13], $0x3200  }
0x50: {  	[sflag:s13] =	ssyncset.done $0x0  }
0x51: {  	[sflag:s13] =	ssyncadd.s32 $0xFFFFCE00  }
0x52: {  	[tilespmem:s17], [sflag:$0x2] =	stream.indirect.gather [hbm4b:s4+s15], $0x80, s20, s15, $0xb8;
	[tilespmem:$0x1F140] =	vst v63  }
0x53: {  	_ =	swait.ge [sflag:s18], $0x3200  }
0x54: {  	[sflag:s18] =	ssyncset.done $0x0  }
0x55: {  	[sflag:s18] =	ssyncadd.s32 $0xFFFFCE00  }
0x56: {  	[spmem:s2] =	stream.indirect.scatter.add.f32 [tilespmem:s16], [sflag:$0x4], $0x80, s21, s15, $0xb8;
	[tilespmem:$0x1F140] =	vst v63  }
0x57: {  	_ =	swait.ge [sflag:s13], $0x3200  }
0x58: {  	[sflag:s13] =	ssyncset.done $0x0  }
0x59: {  	[sflag:s13] =	ssyncadd.s32 $0xFFFFCE00  }
0x5a: {  	_ =	swait.ge [sflag:s19], $0x3200  }
0x5b: {  	[sflag:s19] =	ssyncset.done $0x0  }
0x5c: {  	[sflag:s19] =	ssyncadd.s32 $0xFFFFCE00  }
0x5d: {  	[spmem:s2] =	stream.indirect.scatter.add.f32 [tilespmem:s17], [sflag:$0x4], $0x80, s22, s15, $0xb8;
	[tilespmem:$0x1F140] =	vst v63  }
0x5e: {  	_ =	swait.ge [sflag:s13], $0x3200  }
0x5f: {  	s23 =	sadd.s32 $0x1, s23;
	[sflag:s13] =	ssyncset.done $0x0  }
0x60: {  	p0 =	sne.s32 s23, s10;
	[sflag:s13] =	ssyncadd.s32 $0xFFFFCE00  }
.Ltmp1:
0x61: {  	[bflag:$0x0] =	sbarrier.arrive $0xFFFF;
	(pc) =	sbr.rel @p0 .LBB2_1-.Ltmp1, $4  }
0x62: {  	[hbm:s9], [sflag:s8] =	dma.local [spmem:s12], $0x2780  }
0x63: {  	_ =	swait.ge [sflag:s13], $0x2780  }
0x64: {  	[sflag:s13] =	ssyncset.done $0x0  }
0x65: {  	[sflag:s13] =	ssyncadd.s32 $0xFFFFD880  }
0x66: {  	_ =	sfence.sel $0x180000  }
0x67: {  	[bflag:$0x0] =	sbarrier.arrive $0xFFFF  }
0x68: {  	p0 =	sne.s32 s0, $0x0;
	_ =	strace $0x9000004D  }
0x69: {  	s0 =	sadd.s32 @!p0 $0x100000, s1;
	[bflag:$0x2] =	sbarrier.arrive $0xFFFF  }
0x6a: {  	[sflag:s0] =	ssyncadd.tile.s32 @!p0 $0x1;
	_ =	shalt  }
.Lfunc_end2:
_tile_overlayer_lowered:
.L_overlay_start_2:
0x6b: {  	(tag) =	ssettag $0x2  }
0x6c: {  	s0 =	rddreg [dreg:$0x0];
	s2 =	stileid.u32  }
0x6d: {  	s1 =	rddreg [dreg:$0x1];
	p0 =	sne.s32 s2, $0x0  }
0x6e: {  	s3 =	rddreg [dreg:$0x2];
	[bflag:$0x3] =	sbarrier.arrive $0xFFFF;
	s2 =	simm.s32 @!p0 $0x1C04  }
0x6f: {  	[timem:s3], [sflag:s2] =	dma.local @!p0 [hbm:s0], s1  }
0x70: {  	s0 =	simm.s32 @!p0 $0x4  }
0x71: {  	_ =	swait.ge @!p0 [sflag:s0], s1  }
0x72: {  	s1 =	ssub.s32 @!p0 $0x0, s1;
	[sflag:s0] =	ssyncset.done @!p0 $0x0  }
0x73: {  	[sflag:s0] =	ssyncadd.s32 @!p0 s1  }
0x74: {  	[bflag:$0x3] =	sbarrier.arrive $0xFFFF  }
0x75: {  	_ =	shalt  }

// kernel: kernel.21.cloned.1.call-start
scs
__scs_entry_jumppad:
0x0: {  	(pc) =	sbr.rel $0x88, $3  }
0x1: {  	(tag) =	ssettag $0x0;
	lr =	simm.s32 $0x1  }
0x2: {  	[smem:$0x3F95] =	sst lr;
	_ =	strace $0xD0000000  }
0x3: {  	_ = 	snop  }
0x4: {  	_ = 	snop  }
0x5: {  	_ = 	snop  }
0x6: {  	_ = 	snop  }
0x7: {  	_ = 	snop  }
__scs_overlays_trampoline_lowered:
0x8: {  	[smem:$0x3FA4] =	sst s0  }
0x9: {  	[smem:$0x3FA5] =	sst s1  }
0xa: {  	[smem:$0x3FA6] =	sst s2  }
0xb: {  	[smem:$0x3FA7] =	sst s3  }
0xc: {  	[smem:$0x3FA8] =	sst s4  }
0xd: {  	[smem:$0x3FA9] =	sst s5  }
0xe: {  	[smem:$0x3FAA] =	sst s6  }
0xf: {  	[smem:$0x3FAB] =	sst s7  }
0x10: {  	[smem:$0x3FAC] =	sst s8  }
0x11: {  	[smem:$0x3FAD] =	sst s9;
	s0 =	simm.s32 @!p0 $0x0  }
0x12: {  	s1 =	sld [smem:$0x3F93];
	s0 =	simm.s32 @p0 $0x1  }
0x13: {  	[smem:$0x3FAE] =	sst s0;
	s0 =	simm.s32 @!p1 $0x0  }
0x14: {  	s2 =	sld [smem:$0x3F92];
	s0 =	simm.s32 @p1 $0x1  }
0x15: {  	[smem:$0x3FAF] =	sst s0;
	s0 =	simm.s32 @!p2 $0x0  }
0x16: {  	s3 =	sld [smem:$0x3FDB];
	s0 =	simm.s32 @p2 $0x1  }
0x17: {  	s4 =	simm.s32 $0x1BF5;
	[smem:$0x3FB1] =	sst s0  }
0x18: {  	s0 =	sld [smem:$0x3F94];
	_ =	swait.ge [sflag:s4], $0x0  }
0x19: {  	s7 =	sld [smem:$0x3F95]  }
0x1a: {  	s8 =	sadd.s32 $0xFFFFE003, lr  }
0x1b: {  	s9 =	sadd.s32 $0xFFFFFEF7, lr;
	s5 =	simm.s32 $0xFFFFFFFF;
	p2 =	slt.u32 s8, $0xFFFFF086  }
0x1c: {  	p1 =	slt.u32 s9, $0xF7A;
	s5 =	simm.s32 @!p2 $0x0  }
0x1d: {  	s5 =	simm.s32 @p1 $0x1;
	p0 =	seq.s32 s7, s2  }
0x1e: {  	s7 =	smul.u32 @!p0 $0xF7A, s2;
	p2 =	seq.s32 @!p0 s5, $0x0  }
0x1f: {  	s9 =	smul.u32 $0xF7A, s1;
	s8 =	simm.s32 @!p0 $0x1BF5;
	p2 =	por !p2, p0  }
0x20: {  	[sflag:s8] =	ssyncset.s32 @!p0 $0xFFFFF086;
	s6 =	sadd.s32 @!p0 s3, s7;
	s7 =	simm.s32 @!p0 $0x108  }
0x21: {  	s3 =	sadd.s32 s3, s9;
	s6 =	sadd.s32 @!p0 $0x88, s6;
	s7 =	simm.s32 @p2 $0x1082  }
0x22: {  	[simem:s7], [sflag:s8] =	dma.local @!p0 [hbm:s6], $0xF7A  }
0x23: {  	s9 =	sor.u32 $0xD0000000, s2;
	s6 =	simm.s32 $0x108;
	_ =	swait.ge @!p0 [sflag:s8], $0x0  }
0x24: {  	s3 =	sadd.s32 $0x88, s3;
	s6 =	simm.s32 @!p1 $0x1082;
	[sflag:s4] =	ssyncset.s32 $0xFFFFF086  }
0x25: {  	[simem:s6], [sflag:s4] =	dma.local [hbm:s3], $0xF7A  }
0x26: {  	[smem:$0x3F95] =	sst s1;
	(tag) =	ssettag s2;
	_ =	strace s9  }
0x27: {  	s1 =	sld [smem:$0x3FA5]  }
0x28: {  	s2 =	sld [smem:$0x3FA6]  }
0x29: {  	s4 =	sld [smem:$0x3FA8]  }
0x2a: {  	p0 =	seq.s32 s5, $0x0;
	s5 =	sld [smem:$0x3FA9]  }
0x2b: {  	s6 =	sld [smem:$0x3FAA]  }
0x2c: {  	s7 =	sld [smem:$0x3FAB]  }
0x2d: {  	s3 =	simm.s32 $0x108;
	s8 =	sld [smem:$0x3FAC]  }
0x2e: {  	s3 =	simm.s32 @!p0 $0x1082;
	s9 =	sld [smem:$0x3FAD]  }
0x2f: {  	lr =	sadd.s32 s0, s3;
	s0 =	sld [smem:$0x3FA4]  }
0x30: {  	s3 =	sld [smem:$0x3FA7]  }
0x31: {  	[smem:$0x3FB0] =	sst s10  }
0x32: {  	s10 =	sld [smem:$0x3FAE];
	_ =	sdelay $0x3  }
0x33: {  	p0 =	seq.s32 s10, $0x1;
	s10 =	sld [smem:$0x3FB0];
	_ =	sdelay $0x3  }
0x34: {  	[smem:$0x3FB0] =	sst s10  }
0x35: {  	s10 =	sld [smem:$0x3FAF];
	_ =	sdelay $0x3  }
0x36: {  	p1 =	seq.s32 s10, $0x1;
	s10 =	sld [smem:$0x3FB0];
	_ =	sdelay $0x3  }
0x37: {  	[smem:$0x3FB0] =	sst s10  }
0x38: {  	s10 =	sld [smem:$0x3FB1]  }
0x39: {  	_ = 	snop;
	(pc) =	sbr.ind lr, $3  }
0x3a: {  	_ = 	snop  }
0x3b: {  	_ = 	snop  }
0x3c: {  	p2 =	seq.s32 s10, $0x1;
	s10 =	sld [smem:$0x3FB0]  }
0x3d: {  	_ =	shalt  }
0x3e: {  	_ =	shalt  }
0x3f: {  	_ =	shalt  }
0x40: {  	_ =	shalt  }
0x41: {  	_ =	shalt  }
0x42: {  	_ =	shalt  }
0x43: {  	_ =	shalt  }
0x44: {  	_ =	shalt  }
0x45: {  	_ =	shalt  }
0x46: {  	_ =	shalt  }
0x47: {  	_ =	shalt  }
0x48: {  	_ =	shalt  }
0x49: {  	_ =	shalt  }
0x4a: {  	_ =	shalt  }
0x4b: {  	_ =	shalt  }
0x4c: {  	_ =	shalt  }
0x4d: {  	_ =	shalt  }
0x4e: {  	_ =	shalt  }
0x4f: {  	_ =	shalt  }
0x50: {  	_ =	shalt  }
0x51: {  	_ =	shalt  }
0x52: {  	_ =	shalt  }
0x53: {  	_ =	shalt  }
0x54: {  	_ =	shalt  }
0x55: {  	_ =	shalt  }
0x56: {  	_ =	shalt  }
0x57: {  	_ =	shalt  }
0x58: {  	_ =	shalt  }
0x59: {  	_ =	shalt  }
0x5a: {  	_ =	shalt  }
0x5b: {  	_ =	shalt  }
0x5c: {  	_ =	shalt  }
0x5d: {  	_ =	shalt  }
0x5e: {  	_ =	shalt  }
0x5f: {  	_ =	shalt  }
0x60: {  	_ =	shalt  }
0x61: {  	_ =	shalt  }
0x62: {  	_ =	shalt  }
0x63: {  	_ =	shalt  }
0x64: {  	_ =	shalt  }
0x65: {  	_ =	shalt  }
0x66: {  	_ =	shalt  }
0x67: {  	_ =	shalt  }
0x68: {  	_ =	shalt  }
0x69: {  	_ =	shalt  }
0x6a: {  	_ =	shalt  }
0x6b: {  	_ =	shalt  }
0x6c: {  	_ =	shalt  }
0x6d: {  	_ =	shalt  }
0x6e: {  	_ =	shalt  }
0x6f: {  	_ =	shalt  }
0x70: {  	_ =	shalt  }
0x71: {  	_ =	shalt  }
0x72: {  	_ =	shalt  }
0x73: {  	_ =	shalt  }
0x74: {  	_ =	shalt  }
0x75: {  	_ =	shalt  }
0x76: {  	_ =	shalt  }
0x77: {  	_ =	shalt  }
0x78: {  	_ =	shalt  }
0x79: {  	_ =	shalt  }
0x7a: {  	_ =	shalt  }
0x7b: {  	_ =	shalt  }
0x7c: {  	_ =	shalt  }
0x7d: {  	_ =	shalt  }
0x7e: {  	_ =	shalt  }
0x7f: {  	_ =	shalt  }
0x80: {  	_ =	shalt  }
0x81: {  	_ =	shalt  }
0x82: {  	_ =	shalt  }
0x83: {  	_ =	shalt  }
0x84: {  	_ =	shalt  }
0x85: {  	_ =	shalt  }
0x86: {  	_ =	shalt  }
0x87: {  	_ =	shalt  }
.Lfunc_end0:
.L_simem_size_0:
called_computation.3_lowered:
.L_overlay_start_0:
0x88: {  	s2 =	sld [smem:$0x3FD9]  }
0x89: {  	s3 =	sld [smem:$0x3FFE];
	_ =	sdelay $0x1  }
0x8a: {  	s1 =	srdreg.scid  }
0x8b: {  	s0 =	sand.u32 $0x1, s1  }
0x8c: {  	s16 =	sshll.u32 s0, $0xA;
	s2 =	sadd.s32 s3, s2  }
0x8d: {  	s2 =	sadd.s32 s2, s16  }
0x8e: {  	[smem:$0x3FBC] =	sst s2  }
0x8f: {  	_ = 	snop  }
0x90: {  	(tm) =	ssettm $0x1  }
0x91: {  	s17 =	sld [smem:$0x3FFB];
	_ =	sdelay $0x3  }
0x92: {  	_ =	strace s17  }
0x93: {  	s2 =	sld [smem:$0x3FFC];
	_ =	sdelay $0x3  }
0x94: {  	_ =	strace s2  }
0x95: {  	s2 =	sld [smem:$0x3FFD];
	_ =	sdelay $0x3  }
0x96: {  	_ =	strace s2  }
0x97: {  	_ =	strace $0x8FFFFFFF  }
0x98: {  	s18 =	sld [smem:$0x3FDB];
	_ =	sdelay $0x1  }
0x99: {  	s19 =	simm.s32 $_scs_section_size  }
0x9a: {  	s4 =	simm.s32 $_size__tile_overlayer_lowered;
	s5 =	simm.s32 $_tile_overlayer_lowered  }
0x9b: {  	s22 =	simm.s32 $0x1BFF;
	s21 =	sshll.u32 s5, $0x1;
	s2 =	sadd.s32 s19, s18  }
0x9c: {  	s6 =	simm.s32 $0x0;
	s20 =	sshll.u32 s4, $0x1;
	s4 =	sadd.s32 s21, s2  }
0x9d: {  	[timem:s6], [sflag:s22] =	dma.local [hbm:s4], s20  }
0x9e: {  	_ =	swait.ge [sflag:s22], s20  }
0x9f: {  	s3 =	ssub.s32 $0x0, s20;
	[sflag:s22] =	ssyncset.done $0x0  }
0xa0: {  	[sflag:s22] =	ssyncadd.s32 s3;
	_ =	sdelay $0x1  }
0xa1: {  	s23 =	simm.s32 $0x1B8B  }
0xa2: {  	_ =	swait.ge [sflag:s23], $0x1  }
0xa3: {  	[sflag:s23] =	ssyncset.done $0x0  }
0xa4: {  	s25 =	simm.s32 $0x1B8E;
	s24 =	sld [smem:$0x3FFE];
	[sflag:s23] =	ssyncadd.s32 $0xFFFFFFFF  }
0xa5: {  	s26 =	simm.s32 $execute0_lowered;
	[smem:$0x3FD2] =	sst s25  }
0xa6: {  	s4 =	sshll.u32 s26, $0x1;
	_ =	strace $0x8000004F;
	[dreg:$0x1] =	wrdreg $0xFFFFFFFF  }
0xa7: {  	s28 =	simm.s32 $_size_execute0_lowered;
	s2 =	sadd.s32 s2, s4;
	[dreg:$0x0] =	wrdreg $0x0  }
0xa8: {  	s4 =	sshll.u32 s28, $0x1;
	[dreg:$0x2] =	wrdreg s2  }
0xa9: {  	[dreg:$0x3] =	wrdreg s4  }
0xaa: {  	[dreg:$0x4] =	wrdreg $0xC0  }
0xab: {  	_ =	task [dreg:s6], $0x5FFFF  }
0xac: {  	[dreg:$0x1] =	wrdreg $0xFFFFFFFF  }
0xad: {  	[dreg:$0x0] =	wrdreg $0x60  }
0xae: {  	[dreg:$0x2] =	wrdreg s24  }
0xaf: {  	[dreg:$0x3] =	wrdreg $0xB5400  }
0xb0: {  	[dreg:$0x4] =	wrdreg $0x9  }
0xb1: {  	_ =	task.clear_ibuf [dreg:s6], $0x5FFFF;
	_ =	strace $0x9000004F  }
0xb2: {  	s29 =	simm.s32 $0x9;
	_ =	strace $0x80000051  }
0xb3: {  	_ =	swait.ge [sflag:s29], $0x1  }
0xb4: {  	[sflag:s29] =	ssyncadd.s32 $0xFFFFFFFF  }
0xb5: {  	_ =	strace $0x90000051  }
0xb6: {  	_ =	sfence  }
0xb7: {  	s30 =	sld [smem:$0x0];
	_ =	sdelay $0x2  }
0xb8: {  	s31 =	sshll.u32 s1, $0xD;
	s1 =	sshrl.u32 s1, $0x2  }
0xb9: {  	s3 =	sand.u32 $0x4000, s31;
	s1 =	sadd.s32 s1, s30  }
0xba: {  	s0 =	sor.u32 s3, s0;
	s1 =	sshll.u32 s1, $0x11  }
0xbb: {  	s0 =	sor.u32 s1, s0  }
0xbc: {  	s0 =	sadd.s32 $0x8F2B, s0  }
0xbd: {  	[sflag:s0] =	ssyncadd.remote.s32 $0x1  }
0xbe: {  	_ =	sfence.sel $0xFFFF  }
0xbf: {  	[dreg:$0x0] =	wrdreg $0xFFFFFFFF;
	(pc) =	sbr.abs _section_cstart, $3  }
0xc0: {  	[dreg:$0x1] =	wrdreg $0xFFFFFFFF  }
0xc1: {  	_ =	task.clear_ibuf [dreg:s6], $0x2FFFF;
	_ =	strace $0x9FFFFFFF  }
0xc2: {  	(tm) =	ssettm $0x7FFFFFFF  }
0xc3: {  	_ =	shalt  }
tec
execute0_lowered:
.L_overlay_start_1:
0x0: {  	(tag) =	ssettag $0x1  }
0x1: {  	s1 =	srdreg.scid;
	s6 =	rddreg [dreg:$0x0]  }
0x2: {  	s0 =	stileid.u32;
	s2 =	rddreg [dreg:$0x1]  }
0x3: {  	s3 =	simm.s32 $0x0;
	s14 =	simm.s32 $0x3;
	s15 =	simm.s32 $0x64  }
0x4: {  	s16 =	simm.s32 $0x5140;
	s17 =	simm.s32 $0x8340;
	s18 =	simm.s32 $0x1  }
0x5: {  	s19 =	simm.s32 $0x2;
	s20 =	simm.s32 $0x2838;
	s21 =	simm.s32 $0x5070  }
0x6: {  	s22 =	simm.s32 $0x50D8;
	s23 =	simm.s32 $0x0;
	s5 =	sand.u32 $0x1, s1  }
0x7: {  	s30 =	sshll.u32 s0, $0x1;
	s7 =	smul.u32 $0x13C00, s0;
	[smem:$0x7FF] =	sst s3  }
0x8: {  	s31 =	sshll.u32 s0, $0x6;
	s1 =	sor.u32 s5, s30;
	s8 =	smul.u32 $0x13C000, s5  }
0x9: {  	s5 =	ssub.s32 $0x2, s5;
	s4 =	smul.u32 $0x28A0, s1;
	s1 =	rddreg [dreg:$0x2]  }
0xa: {  	_ =	strace $0x80000050;
	s10 =	sshrl.u32 s7, $0x3;
	s11 =	sshrl.u32 s5, $0x1  }
0xb: {  	s13 =	sadd.s32 s7, s2;
	s8 =	sadd.s32 s7, s8;
	s10 =	sadd.s32 s10, s6  }
0xc: {  	s11 =	ssub.s32 s5, s11;
	s4 =	sshrl.u32 s4, $0x3;
	s8 =	sshrl.u32 s8, $0x3  }
0xd: {  	s7 =	sadd.s32 $0x61E00, s10;
	s10 =	smax.u32 s11, $0x1;
	s11 =	simm.s32 $0x28A0  }
0xe: {  	s9 =	sadd.s32 s4, s6;
	s4 =	sadd.s32 $0x3AC00, s6;
	s12 =	sadd.s32 s8, s6  }
0xf: {  	s8 =	sor.u32 $0x1C04, s31;
	s5 =	sadd.s32 $0x30880, s9;
	s6 =	sadd.s32 $0x26600, s9  }
0x10: {  	s9 =	sadd.s32 $0x89600, s12;
	s12 =	sshrl.u32 s13, $0x3;
	s13 =	simm.s32 $0x4  }
.LBB2_1:
0x11: {  	[tilespmem:s11], [sflag:$0x3] =	stream.linear.gather [hbm4b:s5+s3], $0x28A0, $0x38;
	[tilespmem:$0x1F140] =	vst v63  }
0x12: {  	_ = 	snop  }
0x13: {  	[tilespmem:s3], [sflag:$0x3] =	stream.linear.gather [hbm4b:s6+s3], $0x28A0, $0x38;
	[tilespmem:$0x1F140] =	vst v63  }
0x14: {  	[spmem:s12], [sflag:s8] =	dma.local [hbm:s7], $0x2780  }
0x15: {  	_ =	swait.ge [sflag:s13], $0x2780  }
0x16: {  	[sflag:s13] =	ssyncset.done $0x0  }
0x17: {  	[sflag:s13] =	ssyncadd.s32 $0xFFFFD880  }
0x18: {  	_ =	swait.ge [sflag:s14], $0x28A0  }
0x19: {  	[sflag:s14] =	ssyncset.done $0x0  }
0x1a: {  	[sflag:s14] =	ssyncadd.s32 $0xFFFFD760  }
0x1b: {  	_ =	swait.ge [sflag:s14], $0x28A0  }
0x1c: {  	[sflag:s14] =	ssyncset.done $0x0  }
0x1d: {  	[sflag:s14] =	ssyncadd.s32 $0xFFFFD760  }
0x1e: {  	[bflag:$0x0] =	sbarrier.arrive $0xFFFF  }
0x1f: {  	[tilespmem:s16], [sflag:$0x1] =	stream.indirect.gather [hbm4b:s4+s15], $0x80, s3, s15, $0xb8;
	[tilespmem:$0x1F140] =	vst v63  }
0x20: {  	s24 =	simm.s32 $0x68  }
0x21: {  	[tilespmem:s17], [sflag:$0x2] =	stream.indirect.gather [hbm4b:s4+s15], $0x80, s24, s15, $0xb8;
	[tilespmem:$0x1F140] =	vst v63  }
0x22: {  	_ =	swait.ge [sflag:s18], $0x3200  }
0x23: {  	[sflag:s18] =	ssyncset.done $0x0  }
0x24: {  	s29 =	simm.s32 $0x28A0;
	[sflag:s18] =	ssyncadd.s32 $0xFFFFCE00  }
0x25: {  	[spmem:s2] =	stream.indirect.scatter.add.f32 [tilespmem:s16], [sflag:$0x4], $0x80, s29, s15, $0xb8;
	[tilespmem:$0x1F140] =	vst v63  }
0x26: {  	_ =	swait.ge [sflag:s13], $0x3200  }
0x27: {  	[sflag:s13] =	ssyncset.done $0x0  }
0x28: {  	s30 =	simm.s32 $0xD0;
	[sflag:s13] =	ssyncadd.s32 $0xFFFFCE00  }
0x29: {  	[tilespmem:s16], [sflag:$0x1] =	stream.indirect.gather [hbm4b:s4+s15], $0x80, s30, s15, $0xb8;
	[tilespmem:$0x1F140] =	vst v63  }
0x2a: {  	_ =	swait.ge [sflag:s19], $0x3200  }
0x2b: {  	[sflag:s19] =	ssyncset.done $0x0  }
0x2c: {  	s31 =	simm.s32 $0x2908;
	[sflag:s19] =	ssyncadd.s32 $0xFFFFCE00  }
0x2d: {  	[spmem:s2] =	stream.indirect.scatter.add.f32 [tilespmem:s17], [sflag:$0x4], $0x80, s31, s15, $0xb8;
	[tilespmem:$0x1F140] =	vst v63  }
0x2e: {  	_ =	swait.ge [sflag:s13], $0x3200  }
0x2f: {  	s25 =	simm.s32 $0x680;
	s24 =	simm.s32 $0xD0;
	[sflag:s13] =	ssyncset.done $0x0  }
.LBB2_2:
0x30: {  	s26 =	sadd.s32 $0x68, s24  }
0x31: {  	[sflag:s13] =	ssyncadd.s32 $0xFFFFCE00;
	s28 =	smov.u32 s25;
	s29 =	sadd.s32 $0x340, s25  }
0x32: {  	[tilespmem:s17], [sflag:$0x2] =	stream.indirect.gather [hbm4b:s4+s15], $0x80, s26, s15, $0xb8;
	[tilespmem:$0x1F140] =	vst v63  }
0x33: {  	p0 =	sne.s32 s25, $0x9C00;
	_ =	swait.ge [sflag:s18], $0x3200  }
0x34: {  	[sflag:s18] =	ssyncset.done $0x0  }
0x35: {  	s25 =	sadd.s32 $0x28A0, s24;
	[sflag:s18] =	ssyncadd.s32 $0xFFFFCE00  }
0x36: {  	[spmem:s2] =	stream.indirect.scatter.add.f32 [tilespmem:s16], [sflag:$0x4], $0x80, s25, s15, $0xb8;
	[tilespmem:$0x1F140] =	vst v63  }
0x37: {  	_ =	swait.ge [sflag:s13], $0x3200  }
0x38: {  	[sflag:s13] =	ssyncset.done $0x0  }
0x39: {  	s25 =	sadd.s32 $0xD0, s24;
	[sflag:s13] =	ssyncadd.s32 $0xFFFFCE00  }
0x3a: {  	[tilespmem:s16], [sflag:$0x1] =	stream.indirect.gather [hbm4b:s4+s15], $0x80, s25, s15, $0xb8;
	[tilespmem:$0x1F140] =	vst v63  }
0x3b: {  	_ =	swait.ge [sflag:s19], $0x3200  }
.Ltmp0:
0x3c: {  	[sflag:s19] =	ssyncset.done $0x0;
	(pc) =	sbr.rel @p0 .LBB2_2-.Ltmp0, $4  }
0x3d: {  	s24 =	sadd.s32 $0x2908, s24;
	[sflag:s19] =	ssyncadd.s32 $0xFFFFCE00  }
0x3e: {  	[spmem:s2] =	stream.indirect.scatter.add.f32 [tilespmem:s17], [sflag:$0x4], $0x80, s24, s15, $0xb8;
	[tilespmem:$0x1F140] =	vst v63  }
0x3f: {  	_ =	swait.ge [sflag:s13], $0x3200  }
0x40: {  	s25 =	smov.u32 s29;
	s24 =	sshra.s32 s28, $0x2;
	[sflag:s13] =	ssyncset.done $0x0  }
0x41: {  	s25 =	sadd.s32 $0x68, s24;
	[sflag:s13] =	ssyncadd.s32 $0xFFFFCE00  }
0x42: {  	[tilespmem:s17], [sflag:$0x2] =	stream.indirect.gather [hbm4b:s4+s15], $0x80, s25, s15, $0xb8;
	[tilespmem:$0x1F140] =	vst v63  }
0x43: {  	_ =	swait.ge [sflag:s18], $0x3200  }
0x44: {  	[sflag:s18] =	ssyncset.done $0x0  }
0x45: {  	s29 =	sadd.s32 $0x28A0, s24;
	[sflag:s18] =	ssyncadd.s32 $0xFFFFCE00  }
0x46: {  	[spmem:s2] =	stream.indirect.scatter.add.f32 [tilespmem:s16], [sflag:$0x4], $0x80, s29, s15, $0xb8;
	[tilespmem:$0x1F140] =	vst v63  }
0x47: {  	_ =	swait.ge [sflag:s13], $0x3200  }
0x48: {  	[sflag:s13] =	ssyncset.done $0x0  }
0x49: {  	s30 =	sadd.s32 $0xD0, s24;
	[sflag:s13] =	ssyncadd.s32 $0xFFFFCE00  }
0x4a: {  	[tilespmem:s16], [sflag:$0x1] =	stream.indirect.gather [hbm4b:s4+s15], $0x80, s30, s15, $0xb8;
	[tilespmem:$0x1F140] =	vst v63  }
0x4b: {  	_ =	swait.ge [sflag:s19], $0x3200  }
0x4c: {  	[sflag:s19] =	ssyncset.done $0x0  }
0x4d: {  	s31 =	sadd.s32 $0x2908, s24;
	[sflag:s19] =	ssyncadd.s32 $0xFFFFCE00  }
0x4e: {  	[spmem:s2] =	stream.indirect.scatter.add.f32 [tilespmem:s17], [sflag:$0x4], $0x80, s31, s15, $0xb8;
	[tilespmem:$0x1F140] =	vst v63  }
0x4f: {  	_ =	swait.ge [sflag:s13], $0x3200  }
0x50: {  	[sflag:s13] =	ssyncset.done $0x0  }
0x51: {  	[sflag:s13] =	ssyncadd.s32 $0xFFFFCE00  }
0x52: {  	[tilespmem:s17], [sflag:$0x2] =	stream.indirect.gather [hbm4b:s4+s15], $0x80, s20, s15, $0xb8;
	[tilespmem:$0x1F140] =	vst v63  }
0x53: {  	_ =	swait.ge [sflag:s18], $0x3200  }
0x54: {  	[sflag:s18] =	ssyncset.done $0x0  }
0x55: {  	[sflag:s18] =	ssyncadd.s32 $0xFFFFCE00  }
0x56: {  	[spmem:s2] =	stream.indirect.scatter.add.f32 [tilespmem:s16], [sflag:$0x4], $0x80, s21, s15, $0xb8;
	[tilespmem:$0x1F140] =	vst v63  }
0x57: {  	_ =	swait.ge [sflag:s13], $0x3200  }
0x58: {  	[sflag:s13] =	ssyncset.done $0x0  }
0x59: {  	[sflag:s13] =	ssyncadd.s32 $0xFFFFCE00  }
0x5a: {  	_ =	swait.ge [sflag:s19], $0x3200  }
0x5b: {  	[sflag:s19] =	ssyncset.done $0x0  }
0x5c: {  	[sflag:s19] =	ssyncadd.s32 $0xFFFFCE00  }
0x5d: {  	[spmem:s2] =	stream.indirect.scatter.add.f32 [tilespmem:s17], [sflag:$0x4], $0x80, s22, s15, $0xb8;
	[tilespmem:$0x1F140] =	vst v63  }
0x5e: {  	_ =	swait.ge [sflag:s13], $0x3200  }
0x5f: {  	s23 =	sadd.s32 $0x1, s23;
	[sflag:s13] =	ssyncset.done $0x0  }
0x60: {  	p0 =	sne.s32 s23, s10;
	[sflag:s13] =	ssyncadd.s32 $0xFFFFCE00  }
.Ltmp1:
0x61: {  	[bflag:$0x0] =	sbarrier.arrive $0xFFFF;
	(pc) =	sbr.rel @p0 .LBB2_1-.Ltmp1, $4  }
0x62: {  	[hbm:s9], [sflag:s8] =	dma.local [spmem:s12], $0x2780  }
0x63: {  	_ =	swait.ge [sflag:s13], $0x2780  }
0x64: {  	[sflag:s13] =	ssyncset.done $0x0  }
0x65: {  	[sflag:s13] =	ssyncadd.s32 $0xFFFFD880  }
0x66: {  	_ =	sfence.sel $0x180000  }
0x67: {  	[bflag:$0x0] =	sbarrier.arrive $0xFFFF  }
0x68: {  	p0 =	sne.s32 s0, $0x0;
	_ =	strace $0x90000050  }
0x69: {  	s0 =	sadd.s32 @!p0 $0x100000, s1;
	[bflag:$0x2] =	sbarrier.arrive $0xFFFF  }
0x6a: {  	[sflag:s0] =	ssyncadd.tile.s32 @!p0 $0x1;
	_ =	shalt  }
.Lfunc_end2:
_tile_overlayer_lowered:
.L_overlay_start_2:
0x6b: {  	(tag) =	ssettag $0x2  }
0x6c: {  	s0 =	rddreg [dreg:$0x0];
	s2 =	stileid.u32  }
0x6d: {  	s1 =	rddreg [dreg:$0x1];
	p0 =	sne.s32 s2, $0x0  }
0x6e: {  	s3 =	rddreg [dreg:$0x2];
	[bflag:$0x3] =	sbarrier.arrive $0xFFFF;
	s2 =	simm.s32 @!p0 $0x1C04  }
0x6f: {  	[timem:s3], [sflag:s2] =	dma.local @!p0 [hbm:s0], s1  }
0x70: {  	s0 =	simm.s32 @!p0 $0x4  }
0x71: {  	_ =	swait.ge @!p0 [sflag:s0], s1  }
0x72: {  	s1 =	ssub.s32 @!p0 $0x0, s1;
	[sflag:s0] =	ssyncset.done @!p0 $0x0  }
0x73: {  	[sflag:s0] =	ssyncadd.s32 @!p0 s1  }
0x74: {  	[bflag:$0x3] =	sbarrier.arrive $0xFFFF  }
0x75: {  	_ =	shalt  }

// kernel: kernel.24.cloned.1.call-start
scs
__scs_entry_jumppad:
0x0: {  	(pc) =	sbr.rel $0x88, $3  }
0x1: {  	(tag) =	ssettag $0x0;
	lr =	simm.s32 $0x1  }
0x2: {  	[smem:$0x3F95] =	sst lr;
	_ =	strace $0xD0000000  }
0x3: {  	_ = 	snop  }
0x4: {  	_ = 	snop  }
0x5: {  	_ = 	snop  }
0x6: {  	_ = 	snop  }
0x7: {  	_ = 	snop  }
__scs_overlays_trampoline_lowered:
0x8: {  	[smem:$0x3FA4] =	sst s0  }
0x9: {  	[smem:$0x3FA5] =	sst s1  }
0xa: {  	[smem:$0x3FA6] =	sst s2  }
0xb: {  	[smem:$0x3FA7] =	sst s3  }
0xc: {  	[smem:$0x3FA8] =	sst s4  }
0xd: {  	[smem:$0x3FA9] =	sst s5  }
0xe: {  	[smem:$0x3FAA] =	sst s6  }
0xf: {  	[smem:$0x3FAB] =	sst s7  }
0x10: {  	[smem:$0x3FAC] =	sst s8  }
0x11: {  	[smem:$0x3FAD] =	sst s9;
	s0 =	simm.s32 @!p0 $0x0  }
0x12: {  	s1 =	sld [smem:$0x3F93];
	s0 =	simm.s32 @p0 $0x1  }
0x13: {  	[smem:$0x3FAE] =	sst s0;
	s0 =	simm.s32 @!p1 $0x0  }
0x14: {  	s2 =	sld [smem:$0x3F92];
	s0 =	simm.s32 @p1 $0x1  }
0x15: {  	[smem:$0x3FAF] =	sst s0;
	s0 =	simm.s32 @!p2 $0x0  }
0x16: {  	s3 =	sld [smem:$0x3FDB];
	s0 =	simm.s32 @p2 $0x1  }
0x17: {  	s4 =	simm.s32 $0x1BF5;
	[smem:$0x3FB1] =	sst s0  }
0x18: {  	s0 =	sld [smem:$0x3F94];
	_ =	swait.ge [sflag:s4], $0x0  }
0x19: {  	s7 =	sld [smem:$0x3F95]  }
0x1a: {  	s8 =	sadd.s32 $0xFFFFE003, lr  }
0x1b: {  	s9 =	sadd.s32 $0xFFFFFEF7, lr;
	s5 =	simm.s32 $0xFFFFFFFF;
	p2 =	slt.u32 s8, $0xFFFFF086  }
0x1c: {  	p1 =	slt.u32 s9, $0xF7A;
	s5 =	simm.s32 @!p2 $0x0  }
0x1d: {  	s5 =	simm.s32 @p1 $0x1;
	p0 =	seq.s32 s7, s2  }
0x1e: {  	s7 =	smul.u32 @!p0 $0xF7A, s2;
	p2 =	seq.s32 @!p0 s5, $0x0  }
0x1f: {  	s9 =	smul.u32 $0xF7A, s1;
	s8 =	simm.s32 @!p0 $0x1BF5;
	p2 =	por !p2, p0  }
0x20: {  	[sflag:s8] =	ssyncset.s32 @!p0 $0xFFFFF086;
	s6 =	sadd.s32 @!p0 s3, s7;
	s7 =	simm.s32 @!p0 $0x108  }
0x21: {  	s3 =	sadd.s32 s3, s9;
	s6 =	sadd.s32 @!p0 $0x88, s6;
	s7 =	simm.s32 @p2 $0x1082  }
0x22: {  	[simem:s7], [sflag:s8] =	dma.local @!p0 [hbm:s6], $0xF7A  }
0x23: {  	s9 =	sor.u32 $0xD0000000, s2;
	s6 =	simm.s32 $0x108;
	_ =	swait.ge @!p0 [sflag:s8], $0x0  }
0x24: {  	s3 =	sadd.s32 $0x88, s3;
	s6 =	simm.s32 @!p1 $0x1082;
	[sflag:s4] =	ssyncset.s32 $0xFFFFF086  }
0x25: {  	[simem:s6], [sflag:s4] =	dma.local [hbm:s3], $0xF7A  }
0x26: {  	[smem:$0x3F95] =	sst s1;
	(tag) =	ssettag s2;
	_ =	strace s9  }
0x27: {  	s1 =	sld [smem:$0x3FA5]  }
0x28: {  	s2 =	sld [smem:$0x3FA6]  }
0x29: {  	s4 =	sld [smem:$0x3FA8]  }
0x2a: {  	p0 =	seq.s32 s5, $0x0;
	s5 =	sld [smem:$0x3FA9]  }
0x2b: {  	s6 =	sld [smem:$0x3FAA]  }
0x2c: {  	s7 =	sld [smem:$0x3FAB]  }
0x2d: {  	s3 =	simm.s32 $0x108;
	s8 =	sld [smem:$0x3FAC]  }
0x2e: {  	s3 =	simm.s32 @!p0 $0x1082;
	s9 =	sld [smem:$0x3FAD]  }
0x2f: {  	lr =	sadd.s32 s0, s3;
	s0 =	sld [smem:$0x3FA4]  }
0x30: {  	s3 =	sld [smem:$0x3FA7]  }
0x31: {  	[smem:$0x3FB0] =	sst s10  }
0x32: {  	s10 =	sld [smem:$0x3FAE];
	_ =	sdelay $0x3  }
0x33: {  	p0 =	seq.s32 s10, $0x1;
	s10 =	sld [smem:$0x3FB0];
	_ =	sdelay $0x3  }
0x34: {  	[smem:$0x3FB0] =	sst s10  }
0x35: {  	s10 =	sld [smem:$0x3FAF];
	_ =	sdelay $0x3  }
0x36: {  	p1 =	seq.s32 s10, $0x1;
	s10 =	sld [smem:$0x3FB0];
	_ =	sdelay $0x3  }
0x37: {  	[smem:$0x3FB0] =	sst s10  }
0x38: {  	s10 =	sld [smem:$0x3FB1]  }
0x39: {  	_ = 	snop;
	(pc) =	sbr.ind lr, $3  }
0x3a: {  	_ = 	snop  }
0x3b: {  	_ = 	snop  }
0x3c: {  	p2 =	seq.s32 s10, $0x1;
	s10 =	sld [smem:$0x3FB0]  }
0x3d: {  	_ =	shalt  }
0x3e: {  	_ =	shalt  }
0x3f: {  	_ =	shalt  }
0x40: {  	_ =	shalt  }
0x41: {  	_ =	shalt  }
0x42: {  	_ =	shalt  }
0x43: {  	_ =	shalt  }
0x44: {  	_ =	shalt  }
0x45: {  	_ =	shalt  }
0x46: {  	_ =	shalt  }
0x47: {  	_ =	shalt  }
0x48: {  	_ =	shalt  }
0x49: {  	_ =	shalt  }
0x4a: {  	_ =	shalt  }
0x4b: {  	_ =	shalt  }
0x4c: {  	_ =	shalt  }
0x4d: {  	_ =	shalt  }
0x4e: {  	_ =	shalt  }
0x4f: {  	_ =	shalt  }
0x50: {  	_ =	shalt  }
0x51: {  	_ =	shalt  }
0x52: {  	_ =	shalt  }
0x53: {  	_ =	shalt  }
0x54: {  	_ =	shalt  }
0x55: {  	_ =	shalt  }
0x56: {  	_ =	shalt  }
0x57: {  	_ =	shalt  }
0x58: {  	_ =	shalt  }
0x59: {  	_ =	shalt  }
0x5a: {  	_ =	shalt  }
0x5b: {  	_ =	shalt  }
0x5c: {  	_ =	shalt  }
0x5d: {  	_ =	shalt  }
0x5e: {  	_ =	shalt  }
0x5f: {  	_ =	shalt  }
0x60: {  	_ =	shalt  }
0x61: {  	_ =	shalt  }
0x62: {  	_ =	shalt  }
0x63: {  	_ =	shalt  }
0x64: {  	_ =	shalt  }
0x65: {  	_ =	shalt  }
0x66: {  	_ =	shalt  }
0x67: {  	_ =	shalt  }
0x68: {  	_ =	shalt  }
0x69: {  	_ =	shalt  }
0x6a: {  	_ =	shalt  }
0x6b: {  	_ =	shalt  }
0x6c: {  	_ =	shalt  }
0x6d: {  	_ =	shalt  }
0x6e: {  	_ =	shalt  }
0x6f: {  	_ =	shalt  }
0x70: {  	_ =	shalt  }
0x71: {  	_ =	shalt  }
0x72: {  	_ =	shalt  }
0x73: {  	_ =	shalt  }
0x74: {  	_ =	shalt  }
0x75: {  	_ =	shalt  }
0x76: {  	_ =	shalt  }
0x77: {  	_ =	shalt  }
0x78: {  	_ =	shalt  }
0x79: {  	_ =	shalt  }
0x7a: {  	_ =	shalt  }
0x7b: {  	_ =	shalt  }
0x7c: {  	_ =	shalt  }
0x7d: {  	_ =	shalt  }
0x7e: {  	_ =	shalt  }
0x7f: {  	_ =	shalt  }
0x80: {  	_ =	shalt  }
0x81: {  	_ =	shalt  }
0x82: {  	_ =	shalt  }
0x83: {  	_ =	shalt  }
0x84: {  	_ =	shalt  }
0x85: {  	_ =	shalt  }
0x86: {  	_ =	shalt  }
0x87: {  	_ =	shalt  }
.Lfunc_end0:
.L_simem_size_0:
called_computation.4_lowered:
.L_overlay_start_0:
0x88: {  	s2 =	sld [smem:$0x3FD9]  }
0x89: {  	s3 =	sld [smem:$0x3FFE];
	_ =	sdelay $0x1  }
0x8a: {  	s1 =	srdreg.scid  }
0x8b: {  	s0 =	sand.u32 $0x1, s1  }
0x8c: {  	s16 =	sshll.u32 s0, $0xA;
	s2 =	sadd.s32 s3, s2  }
0x8d: {  	s2 =	sadd.s32 s2, s16  }
0x8e: {  	[smem:$0x3FBC] =	sst s2  }
0x8f: {  	_ = 	snop  }
0x90: {  	(tm) =	ssettm $0x1  }
0x91: {  	s17 =	sld [smem:$0x3FFB];
	_ =	sdelay $0x3  }
0x92: {  	_ =	strace s17  }
0x93: {  	s2 =	sld [smem:$0x3FFC];
	_ =	sdelay $0x3  }
0x94: {  	_ =	strace s2  }
0x95: {  	s2 =	sld [smem:$0x3FFD];
	_ =	sdelay $0x3  }
0x96: {  	_ =	strace s2  }
0x97: {  	_ =	strace $0x8FFFFFFF  }
0x98: {  	s18 =	sld [smem:$0x3FDB];
	_ =	sdelay $0x1  }
0x99: {  	s19 =	simm.s32 $_scs_section_size  }
0x9a: {  	s4 =	simm.s32 $_size__tile_overlayer_lowered;
	s5 =	simm.s32 $_tile_overlayer_lowered  }
0x9b: {  	s22 =	simm.s32 $0x1BFF;
	s21 =	sshll.u32 s5, $0x1;
	s2 =	sadd.s32 s19, s18  }
0x9c: {  	s6 =	simm.s32 $0x0;
	s20 =	sshll.u32 s4, $0x1;
	s4 =	sadd.s32 s21, s2  }
0x9d: {  	[timem:s6], [sflag:s22] =	dma.local [hbm:s4], s20  }
0x9e: {  	_ =	swait.ge [sflag:s22], s20  }
0x9f: {  	s3 =	ssub.s32 $0x0, s20;
	[sflag:s22] =	ssyncset.done $0x0  }
0xa0: {  	[sflag:s22] =	ssyncadd.s32 s3;
	_ =	sdelay $0x1  }
0xa1: {  	s23 =	simm.s32 $0x1B8B  }
0xa2: {  	_ =	swait.ge [sflag:s23], $0x1  }
0xa3: {  	[sflag:s23] =	ssyncset.done $0x0  }
0xa4: {  	s25 =	simm.s32 $0x1B8E;
	s24 =	sld [smem:$0x3FFE];
	[sflag:s23] =	ssyncadd.s32 $0xFFFFFFFF  }
0xa5: {  	s26 =	simm.s32 $execute0_lowered;
	[smem:$0x3FD2] =	sst s25  }
0xa6: {  	s4 =	sshll.u32 s26, $0x1;
	_ =	strace $0x80000052;
	[dreg:$0x1] =	wrdreg $0xFFFFFFFF  }
0xa7: {  	s28 =	simm.s32 $_size_execute0_lowered;
	s2 =	sadd.s32 s2, s4;
	[dreg:$0x0] =	wrdreg $0x0  }
0xa8: {  	s4 =	sshll.u32 s28, $0x1;
	[dreg:$0x2] =	wrdreg s2  }
0xa9: {  	[dreg:$0x3] =	wrdreg s4  }
0xaa: {  	[dreg:$0x4] =	wrdreg $0xC0  }
0xab: {  	_ =	task [dreg:s6], $0x5FFFF  }
0xac: {  	[dreg:$0x1] =	wrdreg $0xFFFFFFFF  }
0xad: {  	[dreg:$0x0] =	wrdreg $0x60  }
0xae: {  	[dreg:$0x2] =	wrdreg s24  }
0xaf: {  	[dreg:$0x3] =	wrdreg $0x80200  }
0xb0: {  	[dreg:$0x4] =	wrdreg $0x9  }
0xb1: {  	_ =	task.clear_ibuf [dreg:s6], $0x5FFFF;
	_ =	strace $0x90000052  }
0xb2: {  	s29 =	simm.s32 $0x9;
	_ =	strace $0x80000054  }
0xb3: {  	_ =	swait.ge [sflag:s29], $0x1  }
0xb4: {  	[sflag:s29] =	ssyncadd.s32 $0xFFFFFFFF  }
0xb5: {  	_ =	strace $0x90000054  }
0xb6: {  	_ =	sfence  }
0xb7: {  	s30 =	sld [smem:$0x0];
	_ =	sdelay $0x2  }
0xb8: {  	s31 =	sshll.u32 s1, $0xD;
	s1 =	sshrl.u32 s1, $0x2  }
0xb9: {  	s3 =	sand.u32 $0x4000, s31;
	s1 =	sadd.s32 s1, s30  }
0xba: {  	s0 =	sor.u32 s3, s0;
	s1 =	sshll.u32 s1, $0x11  }
0xbb: {  	s0 =	sor.u32 s1, s0  }
0xbc: {  	s0 =	sadd.s32 $0x8F2B, s0  }
0xbd: {  	[sflag:s0] =	ssyncadd.remote.s32 $0x1  }
0xbe: {  	_ =	sfence.sel $0xFFFF  }
0xbf: {  	[dreg:$0x0] =	wrdreg $0xFFFFFFFF;
	(pc) =	sbr.abs _section_cstart, $3  }
0xc0: {  	[dreg:$0x1] =	wrdreg $0xFFFFFFFF  }
0xc1: {  	_ =	task.clear_ibuf [dreg:s6], $0x2FFFF;
	_ =	strace $0x9FFFFFFF  }
0xc2: {  	(tm) =	ssettm $0x7FFFFFFF  }
0xc3: {  	_ =	shalt  }
tec
execute0_lowered:
.L_overlay_start_1:
0x0: {  	(tag) =	ssettag $0x1  }
0x1: {  	s1 =	srdreg.scid;
	s6 =	rddreg [dreg:$0x0]  }
0x2: {  	s0 =	stileid.u32;
	s2 =	rddreg [dreg:$0x1];
	s3 =	simm.s32 $0x0  }
0x3: {  	s14 =	simm.s32 $0x3;
	s15 =	simm.s32 $0x190;
	s16 =	simm.s32 $0x4E20  }
0x4: {  	s17 =	simm.s32 $0x6720;
	s18 =	simm.s32 $0x1;
	s19 =	simm.s32 $0x2  }
0x5: {  	s20 =	simm.s32 $0x4C90;
	s21 =	simm.s32 $0x0;
	s5 =	sand.u32 $0x1, s1  }
0x6: {  	s30 =	sshll.u32 s0, $0x1;
	s7 =	smul.u32 $0x2780, s0;
	[smem:$0x7FF] =	sst s3  }
0x7: {  	s31 =	sshll.u32 s0, $0x6;
	s1 =	sor.u32 s5, s30;
	s8 =	smul.u32 $0x27800, s5  }
0x8: {  	s5 =	ssub.s32 $0x2, s5;
	s4 =	smul.u32 $0x2710, s1;
	s1 =	rddreg [dreg:$0x2]  }
0x9: {  	_ =	strace $0x80000053;
	s10 =	sshrl.u32 s7, $0x3;
	s11 =	sshrl.u32 s5, $0x1  }
0xa: {  	s13 =	sadd.s32 s7, s2;
	s8 =	sadd.s32 s7, s8;
	s10 =	sadd.s32 s10, s6  }
0xb: {  	s11 =	ssub.s32 s5, s11;
	s4 =	sshrl.u32 s4, $0x3;
	s8 =	sshrl.u32 s8, $0x3  }
0xc: {  	s7 =	sadd.s32 $0x17800, s10;
	s10 =	smax.u32 s11, $0x1;
	s11 =	simm.s32 $0x2710  }
0xd: {  	s9 =	sadd.s32 s4, s6;
	s4 =	sadd.s32 $0x1C800, s6;
	s12 =	sadd.s32 s8, s6  }
0xe: {  	s8 =	sor.u32 $0x1C04, s31;
	s5 =	sadd.s32 $0xDA40, s9;
	s6 =	sadd.s32 $0x3E00, s9  }
0xf: {  	s9 =	sadd.s32 $0x21800, s12;
	s12 =	sshrl.u32 s13, $0x3;
	s13 =	simm.s32 $0x4  }
.LBB2_1:
0x10: {  	[tilespmem:s11], [sflag:$0x3] =	stream.linear.gather [hbm4b:s5+s3], $0x2710, $0x38;
	[tilespmem:$0xA7A0] =	vst v63  }
0x11: {  	_ = 	snop  }
0x12: {  	[tilespmem:s3], [sflag:$0x3] =	stream.linear.gather [hbm4b:s6+s3], $0x2710, $0x38;
	[tilespmem:$0xA7A0] =	vst v63  }
0x13: {  	[spmem:s12], [sflag:s8] =	dma.local [hbm:s7], $0x4F0  }
0x14: {  	_ =	swait.ge [sflag:s13], $0x4F0  }
0x15: {  	[sflag:s13] =	ssyncset.done $0x0  }
0x16: {  	[sflag:s13] =	ssyncadd.s32 $0xFFFFFB10  }
0x17: {  	_ =	swait.ge [sflag:s14], $0x2710  }
0x18: {  	[sflag:s14] =	ssyncset.done $0x0  }
0x19: {  	[sflag:s14] =	ssyncadd.s32 $0xFFFFD8F0  }
0x1a: {  	_ =	swait.ge [sflag:s14], $0x2710  }
0x1b: {  	[sflag:s14] =	ssyncset.done $0x0  }
0x1c: {  	[sflag:s14] =	ssyncadd.s32 $0xFFFFD8F0  }
0x1d: {  	[bflag:$0x0] =	sbarrier.arrive $0xFFFF  }
0x1e: {  	[tilespmem:s16], [sflag:$0x1] =	stream.indirect.gather [hbm4b:s4+s15], $0x10, s3, s15, $0xb8;
	[tilespmem:$0xA7A0] =	vst v63  }
0x1f: {  	s22 =	simm.s32 $0x190  }
0x20: {  	[tilespmem:s17], [sflag:$0x2] =	stream.indirect.gather [hbm4b:s4+s15], $0x10, s22, s15, $0xb8;
	[tilespmem:$0xA7A0] =	vst v63  }
0x21: {  	_ =	swait.ge [sflag:s18], $0x1900  }
0x22: {  	[sflag:s18] =	ssyncset.done $0x0  }
0x23: {  	s29 =	simm.s32 $0x2710;
	[sflag:s18] =	ssyncadd.s32 $0xFFFFE700  }
0x24: {  	[spmem:s2] =	stream.indirect.scatter.add.f32 [tilespmem:s16], [sflag:$0x4], $0x10, s29, s15, $0xb8;
	[tilespmem:$0xA7A0] =	vst v63  }
0x25: {  	_ =	swait.ge [sflag:s13], $0x1900  }
0x26: {  	[sflag:s13] =	ssyncset.done $0x0  }
0x27: {  	s30 =	simm.s32 $0x320;
	[sflag:s13] =	ssyncadd.s32 $0xFFFFE700  }
0x28: {  	[tilespmem:s16], [sflag:$0x1] =	stream.indirect.gather [hbm4b:s4+s15], $0x10, s30, s15, $0xb8;
	[tilespmem:$0xA7A0] =	vst v63  }
0x29: {  	_ =	swait.ge [sflag:s19], $0x1900  }
0x2a: {  	[sflag:s19] =	ssyncset.done $0x0  }
0x2b: {  	s31 =	simm.s32 $0x28A0;
	[sflag:s19] =	ssyncadd.s32 $0xFFFFE700  }
0x2c: {  	[spmem:s2] =	stream.indirect.scatter.add.f32 [tilespmem:s17], [sflag:$0x4], $0x10, s31, s15, $0xb8;
	[tilespmem:$0xA7A0] =	vst v63  }
0x2d: {  	_ =	swait.ge [sflag:s13], $0x1900  }
0x2e: {  	s23 =	simm.s32 $0x1900;
	s22 =	simm.s32 $0x320;
	[sflag:s13] =	ssyncset.done $0x0  }
.LBB2_2:
0x2f: {  	s24 =	sadd.s32 $0x190, s22  }
0x30: {  	[sflag:s13] =	ssyncadd.s32 $0xFFFFE700;
	s25 =	smov.u32 s23;
	s26 =	sadd.s32 $0xC80, s23  }
0x31: {  	[tilespmem:s17], [sflag:$0x2] =	stream.indirect.gather [hbm4b:s4+s15], $0x10, s24, s15, $0xb8;
	[tilespmem:$0xA7A0] =	vst v63  }
0x32: {  	p0 =	sne.s32 s23, $0x8980;
	_ =	swait.ge [sflag:s18], $0x1900  }
0x33: {  	[sflag:s18] =	ssyncset.done $0x0  }
0x34: {  	s23 =	sadd.s32 $0x2710, s22;
	[sflag:s18] =	ssyncadd.s32 $0xFFFFE700  }
0x35: {  	[spmem:s2] =	stream.indirect.scatter.add.f32 [tilespmem:s16], [sflag:$0x4], $0x10, s23, s15, $0xb8;
	[tilespmem:$0xA7A0] =	vst v63  }
0x36: {  	_ =	swait.ge [sflag:s13], $0x1900  }
0x37: {  	[sflag:s13] =	ssyncset.done $0x0  }
0x38: {  	s23 =	sadd.s32 $0x320, s22;
	[sflag:s13] =	ssyncadd.s32 $0xFFFFE700  }
0x39: {  	[tilespmem:s16], [sflag:$0x1] =	stream.indirect.gather [hbm4b:s4+s15], $0x10, s23, s15, $0xb8;
	[tilespmem:$0xA7A0] =	vst v63  }
0x3a: {  	_ =	swait.ge [sflag:s19], $0x1900  }
.Ltmp0:
0x3b: {  	[sflag:s19] =	ssyncset.done $0x0;
	(pc) =	sbr.rel @p0 .LBB2_2-.Ltmp0, $4  }
0x3c: {  	s22 =	sadd.s32 $0x28A0, s22;
	[sflag:s19] =	ssyncadd.s32 $0xFFFFE700  }
0x3d: {  	[spmem:s2] =	stream.indirect.scatter.add.f32 [tilespmem:s17], [sflag:$0x4], $0x10, s22, s15, $0xb8;
	[tilespmem:$0xA7A0] =	vst v63  }
0x3e: {  	_ =	swait.ge [sflag:s13], $0x1900  }
0x3f: {  	s23 =	smov.u32 s26;
	s22 =	sshra.s32 s25, $0x2;
	[sflag:s13] =	ssyncset.done $0x0  }
0x40: {  	s23 =	sadd.s32 $0x190, s22;
	[sflag:s13] =	ssyncadd.s32 $0xFFFFE700  }
0x41: {  	[tilespmem:s17], [sflag:$0x2] =	stream.indirect.gather [hbm4b:s4+s15], $0x10, s23, s15, $0xb8;
	[tilespmem:$0xA7A0] =	vst v63  }
0x42: {  	_ =	swait.ge [sflag:s18], $0x1900  }
0x43: {  	[sflag:s18] =	ssyncset.done $0x0  }
0x44: {  	s29 =	sadd.s32 $0x2710, s22;
	[sflag:s18] =	ssyncadd.s32 $0xFFFFE700  }
0x45: {  	[spmem:s2] =	stream.indirect.scatter.add.f32 [tilespmem:s16], [sflag:$0x4], $0x10, s29, s15, $0xb8;
	[tilespmem:$0xA7A0] =	vst v63  }
0x46: {  	_ =	swait.ge [sflag:s13], $0x1900  }
0x47: {  	[sflag:s13] =	ssyncset.done $0x0  }
0x48: {  	s30 =	sadd.s32 $0x320, s22;
	[sflag:s13] =	ssyncadd.s32 $0xFFFFE700  }
0x49: {  	[tilespmem:s16], [sflag:$0x1] =	stream.indirect.gather [hbm4b:s4+s15], $0x10, s30, s15, $0xb8;
	[tilespmem:$0xA7A0] =	vst v63  }
0x4a: {  	_ =	swait.ge [sflag:s19], $0x1900  }
0x4b: {  	[sflag:s19] =	ssyncset.done $0x0  }
0x4c: {  	s31 =	sadd.s32 $0x28A0, s22;
	[sflag:s19] =	ssyncadd.s32 $0xFFFFE700  }
0x4d: {  	[spmem:s2] =	stream.indirect.scatter.add.f32 [tilespmem:s17], [sflag:$0x4], $0x10, s31, s15, $0xb8;
	[tilespmem:$0xA7A0] =	vst v63  }
0x4e: {  	_ =	swait.ge [sflag:s13], $0x1900  }
0x4f: {  	[sflag:s13] =	ssyncset.done $0x0  }
0x50: {  	[sflag:s13] =	ssyncadd.s32 $0xFFFFE700  }
0x51: {  	_ =	swait.ge [sflag:s18], $0x1900  }
0x52: {  	[sflag:s18] =	ssyncset.done $0x0  }
0x53: {  	[sflag:s18] =	ssyncadd.s32 $0xFFFFE700  }
0x54: {  	[spmem:s2] =	stream.indirect.scatter.add.f32 [tilespmem:s16], [sflag:$0x4], $0x10, s20, s15, $0xb8;
	[tilespmem:$0xA7A0] =	vst v63  }
0x55: {  	_ =	swait.ge [sflag:s13], $0x1900  }
0x56: {  	s21 =	sadd.s32 $0x1, s21;
	[sflag:s13] =	ssyncset.done $0x0  }
0x57: {  	p0 =	sne.s32 s21, s10;
	[sflag:s13] =	ssyncadd.s32 $0xFFFFE700  }
.Ltmp1:
0x58: {  	[bflag:$0x0] =	sbarrier.arrive $0xFFFF;
	(pc) =	sbr.rel @p0 .LBB2_1-.Ltmp1, $4  }
0x59: {  	[hbm:s9], [sflag:s8] =	dma.local [spmem:s12], $0x4F0  }
0x5a: {  	_ =	swait.ge [sflag:s13], $0x4F0  }
0x5b: {  	[sflag:s13] =	ssyncset.done $0x0  }
0x5c: {  	[sflag:s13] =	ssyncadd.s32 $0xFFFFFB10  }
0x5d: {  	_ =	sfence.sel $0x180000  }
0x5e: {  	[bflag:$0x0] =	sbarrier.arrive $0xFFFF  }
0x5f: {  	p0 =	sne.s32 s0, $0x0;
	_ =	strace $0x90000053  }
0x60: {  	s0 =	sadd.s32 @!p0 $0x100000, s1;
	[bflag:$0x2] =	sbarrier.arrive $0xFFFF  }
0x61: {  	[sflag:s0] =	ssyncadd.tile.s32 @!p0 $0x1;
	_ =	shalt  }
.Lfunc_end2:
_tile_overlayer_lowered:
.L_overlay_start_2:
0x62: {  	(tag) =	ssettag $0x2  }
0x63: {  	s0 =	rddreg [dreg:$0x0];
	s2 =	stileid.u32  }
0x64: {  	s1 =	rddreg [dreg:$0x1];
	p0 =	sne.s32 s2, $0x0  }
0x65: {  	s3 =	rddreg [dreg:$0x2];
	[bflag:$0x3] =	sbarrier.arrive $0xFFFF;
	s2 =	simm.s32 @!p0 $0x1C04  }
0x66: {  	[timem:s3], [sflag:s2] =	dma.local @!p0 [hbm:s0], s1  }
0x67: {  	s0 =	simm.s32 @!p0 $0x4  }
0x68: {  	_ =	swait.ge @!p0 [sflag:s0], s1  }
0x69: {  	s1 =	ssub.s32 @!p0 $0x0, s1;
	[sflag:s0] =	ssyncset.done @!p0 $0x0  }
0x6a: {  	[sflag:s0] =	ssyncadd.s32 @!p0 s1  }
0x6b: {  	[bflag:$0x3] =	sbarrier.arrive $0xFFFF  }
0x6c: {  	_ =	shalt  }

</sc_bundles>
